<compile_context>
chip_gen: v7x
topology: tpu7x:2x2x1
jax: 0.10.2.dev20260603
libtpu: 0.0.44.dev20260713+nightly
codegen_flags: <defaults>
</compile_context>

<pallas_src>
import functools

import jax
import jax.numpy as jnp
from jax.experimental import pallas as pl
from jax.experimental.pallas import tpu as pltpu
from jax.experimental.pallas import tpu_sc as plsc

N_HEADS = 12
WINDOW = 64
TAU = 2.0
NEG = -1e30


def _rank_kernel(col_full, row_blk, row_full, col_blk, rank_glob, idx_col,
                 *, T, BR, SPLIT):
    b = pl.program_id(0)
    j0 = pl.program_id(1) * BR
    ck_col = col_full[0, :, :]
    cj_row = row_blk[0, :, :]
    k_col = jax.lax.broadcasted_iota(jnp.int32, (T, 1), 0)
    j_row = j0 + jax.lax.broadcasted_iota(jnp.int32, (1, BR), 1)
    lt = ck_col < cj_row
    eq = (ck_col == cj_row) & (k_col < j_row)
    rank_glob[0, 0, :] = jnp.sum((lt | eq).astype(jnp.int32), axis=0) + b * T
    ck_row = row_full[0, :, :]
    cj_col = col_blk[0, :, :]
    k_row = jax.lax.broadcasted_iota(jnp.int32, (1, T), 1)
    j_col = j0 + jax.lax.broadcasted_iota(jnp.int32, (BR, 1), 0)
    lt2 = ck_row < cj_col
    eq2 = (ck_row == cj_col) & (k_row < j_col)
    rank_c = jnp.sum((lt2 | eq2).astype(jnp.int32), axis=1, keepdims=True)
    base = SPLIT * (rank_c + b * T)
    idx_col[0, :, :] = base + jax.lax.broadcasted_iota(jnp.int32, (BR, SPLIT),
                                                       1)


def _sc_scatter(x2d, idx, N, E):
    mesh = plsc.VectorSubcoreMesh(core_axis_name="core",
                                  subcore_axis_name="subcore")
    GW = 128

    @functools.partial(pl.kernel,
                       out_type=jax.ShapeDtypeStruct((N, E), x2d.dtype),
                       mesh=mesh)
    def run(x_hbm, i_hbm, o_hbm):
        def body(x_vmem, i_vmem):
            pltpu.sync_copy(x_vmem, o_hbm.at[i_vmem.at[0]])

        pltpu.emit_pipeline(
            body,
            grid=(N // GW,),
            in_specs=[pl.BlockSpec((GW, E), lambda i: (i, 0)),
                      pl.BlockSpec((1, GW), lambda i: (0, i))],
            out_specs=[],
            core_axis_name=("core", "subcore"),
            dimension_semantics=(pltpu.PARALLEL,),
        )(x_hbm, i_hbm)

    return run(x2d, idx)


def _sc_gather(x2d, idx, N, E):
    mesh = plsc.VectorSubcoreMesh(core_axis_name="core",
                                  subcore_axis_name="subcore")
    GW = 128

    @functools.partial(pl.kernel,
                       out_type=jax.ShapeDtypeStruct((N, E), x2d.dtype),
                       mesh=mesh)
    def run(x_hbm, i_hbm, o_hbm):
        def body(i_vmem, o_vmem):
            pltpu.sync_copy(x_hbm.at[i_vmem.at[0]], o_vmem)

        pltpu.emit_pipeline(
            body,
            grid=(N // GW,),
            in_specs=[pl.BlockSpec((1, GW), lambda i: (0, i))],
            out_specs=[pl.BlockSpec((GW, E), lambda i: (i, 0))],
            core_axis_name=("core", "subcore"),
            dimension_semantics=(pltpu.PARALLEL,),
        )(i_hbm, o_hbm)

    return run(x2d, idx)


def _dyn_row(ref, pre, idx):
    base = pl.multiple_of((idx // 8) * 8, 8)
    blk = ref[pre + (pl.ds(base, 8), slice(None))]
    sel = jax.lax.broadcasted_iota(jnp.int32, (8, 1), 0) == (idx - base)
    return jnp.sum(jnp.where(sel, blk, 0.0), axis=0, keepdims=True)


def _dotT(a, bmat):
    return jax.lax.dot_general(a, bmat, (((1,), (1,)), ((), ())),
                               preferred_element_type=jnp.float32)


def _mega_kernel(depot_ref, h_ref, wq_ref, bq_ref, wkv_ref, bkv_ref,
                 rank_ref, coord_ref, wo_ref, bo_ref, out_ref, kv_s, cs_s,
                 *, T, BQ, H, DH, E):
    b = pl.program_id(0)
    d = depot_ref[b]
    scale = 1.0 / (DH ** 0.5)
    inv_tau = 1.0 / TAU
    BK = BQ + WINDOW
    half = WINDOW // 2
    kv_s[:, :] = jnp.dot(h_ref[0, :, :], wkv_ref[:, :],
                         preferred_element_type=jnp.float32) + bkv_ref[0, :]
    rk = rank_ref[0, :, :]
    crow = coord_ref[0, :, :]
    for i in range(T // BQ):
        tgt = b * T + i * BQ + jax.lax.broadcasted_iota(jnp.int32, (BQ, 1), 0)
        cs_s[i * BQ:(i + 1) * BQ, :] = jnp.sum(
            jnp.where(rk == tgt, crow, 0.0), axis=1, keepdims=True)
    cd = _dyn_row(cs_s, (), d)
    kd_extra = jnp.concatenate(
        [jnp.ones((1, 1), jnp.float32), cd, cd * cd], axis=1)
    kvd = _dyn_row(kv_s, (), d)
    kd_all = kvd[:, 0:E]
    vd_all = kvd[:, E:2 * E]
    qd_all = (jnp.dot(_dyn_row(h_ref, (0,), d), wq_ref[:, :],
                      preferred_element_type=jnp.float32)
              + bq_ref[0, :])
    cu_full = cs_s[:, :]
    qd_extra = jnp.concatenate(
        [-inv_tau * cd * cd, (2.0 * inv_tau) * cd,
         jnp.full((1, 1), -inv_tau, jnp.float32)], axis=1)
    k_extra_full = jnp.concatenate(
        [jnp.ones((T, 1), jnp.float32), cu_full, cu_full * cu_full],
        axis=1)
    accd = jnp.zeros((1, E), jnp.float32)
    for h in range(H):
        lo, hi = h * DH, (h + 1) * DH
        qd = qd_all[:, lo:hi] * scale
        sf = (_dotT(qd, kv_s[:, lo:hi])
              + _dotT(qd_extra, k_extra_full))
        mxf = jnp.max(sf, axis=1, keepdims=True)
        pf = jnp.exp(sf - mxf)
        ctx_d = (jnp.dot(pf, kv_s[:, E + lo:E + hi],
                         preferred_element_type=jnp.float32)
                 / jnp.sum(pf, axis=1, keepdims=True))
        accd = accd + jnp.dot(ctx_d, wo_ref[lo:hi, :],
                              preferred_element_type=jnp.float32)

    def body(i, carry):
        qs = pl.multiple_of(i * BQ, BQ)
        h0 = jnp.clip(qs - half, 0, T - BK)
        h0 = pl.multiple_of(h0, 32)
        ct = cs_s[pl.ds(qs, BQ), :]
        cu = cs_s[pl.ds(h0, BK), :]
        t = qs + jax.lax.broadcasted_iota(jnp.int32, (BQ, 1), 0)
        u = h0 + jax.lax.broadcasted_iota(jnp.int32, (1, BK), 1)
        start = jnp.clip(t - half, 0, T - WINDOW)
        mask = (u >= start) & (u < start + WINDOW)
        keep_d = ~((d >= start) & (d < start + WINDOW))
        is_d = t == d
        q_extra = jnp.concatenate(
            [-inv_tau * ct * ct, (2.0 * inv_tau) * ct,
             jnp.full((BQ, 1), -inv_tau, jnp.float32)], axis=1)
        k_extra = jnp.concatenate(
            [jnp.ones((BK, 1), jnp.float32), cu, cu * cu], axis=1)
        q_blk = (jnp.dot(h_ref[0, pl.ds(qs, BQ), :], wq_ref[:, :],
                         preferred_element_type=jnp.float32)
                 + bq_ref[0, :])
        acc = jnp.zeros((BQ, E), jnp.float32)
        for h in range(H):
            lo, hi = h * DH, (h + 1) * DH
            q = q_blk[:, lo:hi] * scale
            kh = kv_s[pl.ds(h0, BK), lo:hi]
            vh = kv_s[pl.ds(h0, BK), E + lo:E + hi]
            s = _dotT(q, kh) + _dotT(q_extra, k_extra)
            s = jnp.where(mask, s, NEG)
            sd = _dotT(q, kd_all[:, lo:hi]) + _dotT(q_extra, kd_extra)
            sd = jnp.where(keep_d, sd, NEG)
            p = jnp.exp(s)
            pd = jnp.exp(sd)
            dn = jnp.sum(p, axis=1, keepdims=True) + pd
            ctx = (jnp.dot(p, vh, preferred_element_type=jnp.float32)
                   + pd * vd_all[:, lo:hi]) / dn
            acc = acc + jnp.dot(ctx, wo_ref[lo:hi, :],
                                preferred_element_type=jnp.float32)
        acc = jnp.where(is_d, accd, acc)
        out_ref[0, pl.ds(qs, BQ), :] = acc + bo_ref[0, :]
        return carry

    jax.lax.fori_loop(0, T // BQ, body, 0)


def kernel(h, coord_1d, Wq_w, Wq_b, Wk_w, Wk_b, Wv_w, Wv_b, Wo_w, Wo_b):
    B, T, E = h.shape
    H = N_HEADS
    DH = E // H
    BR = 256
    BS = 256
    BQ = 256
    N = B * T

    coord_row = coord_1d.reshape(B, 1, T)
    coord_col = coord_1d.reshape(B, T, 1)
    w_kv = jnp.concatenate([Wk_w, Wv_w], axis=1)
    b_kv = jnp.concatenate([Wk_b, Wv_b]).reshape(1, 2 * E)
    b_o = Wo_b.reshape(1, E)

    SPLIT = 2
    E2 = E // SPLIT
    N2 = N * SPLIT

    rank_glob, idx_col = pl.pallas_call(
        functools.partial(_rank_kernel, T=T, BR=BR, SPLIT=SPLIT),
        grid=(B, T // BR),
        in_specs=[
            pl.BlockSpec((1, T, 1), lambda b, j: (b, 0, 0)),
            pl.BlockSpec((1, 1, BR), lambda b, j: (b, 0, j)),
            pl.BlockSpec((1, 1, T), lambda b, j: (b, 0, 0)),
            pl.BlockSpec((1, BR, 1), lambda b, j: (b, j, 0)),
        ],
        out_specs=[
            pl.BlockSpec((1, 1, BR), lambda b, j: (b, 0, j)),
            pl.BlockSpec((1, BR, SPLIT), lambda b, j: (b, j, 0)),
        ],
        out_shape=[
            jax.ShapeDtypeStruct((B, 1, T), jnp.int32),
            jax.ShapeDtypeStruct((B, T, SPLIT), jnp.int32),
        ],
    )(coord_col, coord_row, coord_row, coord_col)

    depot = rank_glob[:, 0, 0] - jnp.arange(B, dtype=jnp.int32) * T
    idx = idx_col.reshape(1, N2)

    h_sorted = _sc_scatter(h.reshape(N2, E2), idx, N2, E2).reshape(B, T, E)

    out_sorted = pl.pallas_call(
        functools.partial(_mega_kernel, T=T, BQ=BQ, H=H, DH=DH, E=E),
        grid_spec=pltpu.PrefetchScalarGridSpec(
            num_scalar_prefetch=1,
            grid=(B,),
            in_specs=[
                pl.BlockSpec((1, T, E), lambda b, dref: (b, 0, 0)),
                pl.BlockSpec((E, E), lambda b, dref: (0, 0)),
                pl.BlockSpec((1, E), lambda b, dref: (0, 0)),
                pl.BlockSpec((E, 2 * E), lambda b, dref: (0, 0)),
                pl.BlockSpec((1, 2 * E), lambda b, dref: (0, 0)),
                pl.BlockSpec((1, 1, T), lambda b, dref: (b, 0, 0)),
                pl.BlockSpec((1, 1, T), lambda b, dref: (b, 0, 0)),
                pl.BlockSpec((E, E), lambda b, dref: (0, 0)),
                pl.BlockSpec((1, E), lambda b, dref: (0, 0)),
            ],
            out_specs=pl.BlockSpec((1, T, E), lambda b, dref: (b, 0, 0)),
            scratch_shapes=[
                pltpu.VMEM((T, 2 * E), jnp.float32),
                pltpu.VMEM((T, 1), jnp.float32),
            ],
        ),
        out_shape=jax.ShapeDtypeStruct((B, T, E), jnp.float32),
        compiler_params=pltpu.CompilerParams(
            vmem_limit_bytes=64 * 1024 * 1024),
    )(depot, h_sorted, Wq_w, Wq_b.reshape(1, E), w_kv, b_kv,
      rank_glob, coord_row, Wo_w, b_o)

    out = _sc_gather(out_sorted.reshape(N2, E2), idx, N2, E2).reshape(B, T, E)
    return out

# --- scband reference (transcript-rebuilt; emitter-appended) ---
"""Pipeline reference for scband-axis-sliding-attention-22093311771366 (READ-ONLY COPY).

The authoritative reference and input builder live on the scoring server;
editing this copy changes nothing except your own understanding.
"""

import jax, jax.numpy as jnp
import numpy as np

EMBED_DIM = 768
N_HEADS = 12
HEAD_DIM = EMBED_DIM // N_HEADS
WINDOW = 64
TAU = 2.0
B, T = 2, 2048


def setup_inputs(seed: int = 0):
    key = jax.random.key(seed)
    ks = jax.random.split(key, 10)
    h = jax.random.normal(ks[0], (B, T, EMBED_DIM), dtype=jnp.float32)
    coord_1d = jax.random.uniform(ks[1], (B, T), dtype=jnp.float32)
    def lin(k):
        kw, kb = jax.random.split(k)
        W = jax.random.normal(kw, (EMBED_DIM, EMBED_DIM), dtype=jnp.float32) * 0.02
        b = jax.random.normal(kb, (EMBED_DIM,), dtype=jnp.float32) * 0.02
        return W, b
    Wq_w, Wq_b = lin(ks[2])
    Wk_w, Wk_b = lin(ks[3])
    Wv_w, Wv_b = lin(ks[4])
    Wo_w, Wo_b = lin(ks[5])
    return {"h": h, "coord_1d": coord_1d, "Wq_w": Wq_w, "Wq_b": Wq_b, "Wk_w": Wk_w, "Wk_b": Wk_b, "Wv_w": Wv_w, "Wv_b": Wv_b, "Wo_w": Wo_w, "Wo_b": Wo_b}


def _forward(h, coord_1d, Wq_w, Wq_b, Wk_w, Wk_b, Wv_w, Wv_b, Wo_w, Wo_b):
    Bv, Tv, E = h.shape
    H, dh, tau = N_HEADS, HEAD_DIM, TAU
    scale = 1.0 / np.sqrt(dh)
    sort_idx = jnp.argsort(coord_1d, axis=1)
    inv_idx = jnp.argsort(sort_idx, axis=1)
    h_sorted = jnp.take_along_axis(h, sort_idx[:, :, None], axis=1)
    coord_sorted = jnp.take_along_axis(coord_1d, sort_idx, axis=1)
    Q = (h_sorted @ Wq_w + Wq_b).reshape(Bv, Tv, H, dh).transpose(0, 2, 1, 3)
    K = (h_sorted @ Wk_w + Wk_b).reshape(Bv, Tv, H, dh).transpose(0, 2, 1, 3)
    V = (h_sorted @ Wv_w + Wv_b).reshape(Bv, Tv, H, dh).transpose(0, 2, 1, 3)
    Wn = min(WINDOW, Tv)
    # centered sliding window indices (T, Wn)
    positions = jnp.arange(Tv)
    half = Wn // 2
    start = jnp.clip(positions - half, 0, None)
    end = start + Wn
    overflow = jnp.clip(end - Tv, 0, None)
    start = jnp.clip(start - overflow, 0, None)
    base_idx = start[:, None] + jnp.arange(Wn)[None, :]
    # depot position in sorted order
    depot_seq_idx = jnp.argmax((sort_idx == 0).astype(jnp.int32), axis=1)  # (B,)
    idx_ext = jnp.concatenate([
        jnp.broadcast_to(base_idx[None], (Bv, Tv, Wn)),
        jnp.broadcast_to(depot_seq_idx[:, None, None], (Bv, Tv, 1)),
    ], axis=2)  # (B, T, Wn+1)
    has_depot = jnp.any(base_idx[None] == depot_seq_idx[:, None, None], axis=2)  # (B, T)
    keep_mask = jnp.concatenate([
        jnp.ones((Bv, Tv, Wn), dtype=bool),
        (~has_depot)[:, :, None],
    ], axis=2)  # (B, T, Wn+1)
    b_arr = jnp.arange(Bv)[:, None, None, None]
    h_arr = jnp.arange(H)[None, :, None, None]
    t_arr = idx_ext[:, None, :, :]  # (B,1,T,Wn+1)
    K_w = K[b_arr, h_arr, t_arr]  # (B,H,T,Wn+1,dh)
    V_w = V[b_arr, h_arr, t_arr]
    scores_local = jnp.einsum('bhtd,bhtwd->bhtw', Q, K_w) * scale
    coord_windows = coord_sorted[jnp.arange(Bv)[:, None, None], idx_ext]  # (B,T,Wn+1)
    dist2 = (coord_windows - coord_sorted[:, :, None]) ** 2
    scores_local = scores_local - dist2[:, None, :, :] / tau
    neg = jnp.finfo(scores_local.dtype).min
    scores_local = jnp.where(keep_mask[:, None, :, :], scores_local, neg)
    attn_local = jax.nn.softmax(scores_local, axis=-1)
    ctx_local = jnp.einsum('bhtw,bhtwd->bhtd', attn_local, V_w)
    local_out = ctx_local.transpose(0, 2, 1, 3).reshape(Bv, Tv, E) @ Wo_w + Wo_b
    # depot attends to the full sequence
    Qd = Q[jnp.arange(Bv), :, depot_seq_idx][:, :, None, :]  # (B,H,1,dh)
    scores_d = jnp.einsum('bhqd,bhtd->bhqt', Qd, K) * scale  # (B,H,1,T)
    coord_d = coord_sorted[jnp.arange(Bv), depot_seq_idx]  # (B,)
    dist_d2 = (coord_sorted - coord_d[:, None]) ** 2  # (B,T)
    scores_d = scores_d - dist_d2[:, None, None, :] / tau
    attn_d = jax.nn.softmax(scores_d, axis=-1)
    ctx_d = jnp.einsum('bhqt,bhtd->bhqd', attn_d, V)  # (B,H,1,dh)
    ctx_d = ctx_d.transpose(0, 2, 1, 3).reshape(Bv, E) @ Wo_w + Wo_b  # (B,E)
    out_sorted = local_out.at[jnp.arange(Bv), depot_seq_idx].set(ctx_d)
    out = jnp.take_along_axis(out_sorted, inv_idx[:, :, None], axis=1)
    return out


def reference(h, coord_1d, Wq_w, Wq_b, Wk_w, Wk_b, Wv_w, Wv_b, Wo_w, Wo_b):
    return _forward(h, coord_1d, Wq_w, Wq_b, Wk_w, Wk_b, Wv_w, Wv_b, Wo_w, Wo_b)

if __name__ == "__main__":
    import jax
    _d = setup_inputs()
    print(jax.jit(kernel)(*tuple(_d.values())))

</pallas_src>

<mosaic_0001>
#map = affine_map<(d0, d1) -> (0, 0)>
module attributes {stable_mosaic.version = 14 : i64} {
  func.func @run(%arg0: i32, %arg1: i32, %arg2: memref<8192x384xf32, #tpu.memory_space<hbm>>, %arg3: memref<1x8192xi32, #tpu.memory_space<hbm>>, %arg4: memref<8192x384xf32, #tpu.memory_space<hbm>>) attributes {dimension_semantics = [#tpu.dimension_semantics<core_parallel>, #tpu.dimension_semantics<subcore_parallel>], iteration_bounds = array<i64: 2, 16>, scalar_prefetch = 0 : i64, scratch_operands = 0 : i64, tpu.core_type = #tpu.core_type<sc_vector_subcore>, window_params = [{transform_indices = #map}, {transform_indices = #map}, {transform_indices = #map}]} {
    %mul3A = arith.constant 1 : i32
    %mul3A_0 = arith.muli %arg1, %mul3A : i32
    %add3A = arith.constant 0 : i32
    %add3A_1 = arith.addi %add3A, %mul3A_0 : i32
    %mul3A_2 = arith.constant 16 : i32
    %mul3A_3 = arith.muli %arg0, %mul3A_2 : i32
    %add3A_4 = arith.addi %add3A_1, %mul3A_3 : i32
    %mul3A_5 = arith.constant 2 : i32
    %mul3A_6 = arith.muli %add3A_4, %mul3A_5 : i32
    "tpu.region"() ({
      %run_scoped3A = memref.alloca() : memref<2x1x128xi32, #tpu.memory_space<vmem>>
      %run_scoped3A_7 = tpu.sem_alloc : memref<2x!tpu.dma_semaphore, #tpu.memory_space<semaphore_mem>>
      %run_scoped3A_8 = memref.alloca() : memref<2x128x384xf32, #tpu.memory_space<vmem>>
      %run_scoped3A_9 = tpu.sem_alloc : memref<2x!tpu.dma_semaphore, #tpu.memory_space<semaphore_mem>>
      %add3A_10 = arith.constant 0 : i32
      %add3A_11 = arith.addi %add3A_10, %mul3A_6 : i32
      %select_n3A = arith.constant true
      %select_n3A_12 = arith.constant 0 : i32
      %select_n3A_13 = arith.constant -1 : i32
      %select_n3A_14 = arith.select %select_n3A, %select_n3A_13, %select_n3A_12 : i32
      %eq3A = arith.constant -1 : i32
      %eq3A_15 = arith.cmpi eq, %select_n3A_14, %eq3A : i32
      %select_n3A_16 = arith.constant 1 : i32
      %select_n3A_17 = arith.select %eq3A_15, %select_n3A_16, %select_n3A_14 : i32
      %add3A_18 = arith.addi %select_n3A_17, %mul3A_6 : i32
      %select_n3A_19 = arith.constant true
      %select_n3A_20 = arith.constant 0 : i32
      %select_n3A_21 = arith.constant 1 : i32
      %select_n3A_22 = arith.select %select_n3A_19, %select_n3A_21, %select_n3A_20 : i32
      %eq3A_23 = arith.constant 2 : i32
      %eq3A_24 = arith.cmpi eq, %select_n3A_22, %eq3A_23 : i32
      %select_n3A_25 = arith.constant 0 : i32
      %select_n3A_26 = arith.select %eq3A_24, %select_n3A_25, %select_n3A_22 : i32
      %add3A_27 = arith.addi %select_n3A_26, %mul3A_6 : i32
      %add3A_28 = arith.constant 1 : i32
      %add3A_29 = arith.addi %select_n3A_26, %add3A_28 : i32
      %select_n3A_30 = arith.constant true
      %select_n3A_31 = arith.select %select_n3A_30, %add3A_29, %select_n3A_26 : i32
      %eq3A_32 = arith.constant 2 : i32
      %eq3A_33 = arith.cmpi eq, %select_n3A_31, %eq3A_32 : i32
      %select_n3A_34 = arith.constant 0 : i32
      %select_n3A_35 = arith.select %eq3A_33, %select_n3A_34, %select_n3A_31 : i32
      %add3A_36 = arith.addi %select_n3A_35, %mul3A_6 : i32
      "tpu.trace_start"() <{level = 10 : i32, message = "ep_initialize_0"}> : () -> ()
      %rem3A = arith.constant 0 : i32
      %rem3A_37 = arith.constant 2 : i32
      %rem3A_38 = arith.remui %rem3A, %rem3A_37 : i32
      %mul3A_39 = arith.constant 128 : i32
      %mul3A_40 = arith.muli %mul3A_39, %add3A_11 : i32
      %dma_start3A = arith.constant 0 : i32
      %dma_start3A_41 = arith.constant 0 : i32
      %dma_start3A_42 = tpu.memref_slice %run_scoped3A[%rem3A_38, %dma_start3A, %dma_start3A_41] : memref<2x1x128xi32, #tpu.memory_space<vmem>> -> memref<1x1x128xi32, #tpu.memory_space<vmem>>
      %dma_start3A_43 = tpu.memref_squeeze %dma_start3A_42 : memref<1x1x128xi32, #tpu.memory_space<vmem>> -> memref<1x128xi32, #tpu.memory_space<vmem>>
      %dma_start3A_44 = arith.constant 0 : i32
      %dma_start3A_45 = tpu.memref_slice %arg3[%dma_start3A_44, %mul3A_40] : memref<1x8192xi32, #tpu.memory_space<hbm>> -> memref<1x128xi32, #tpu.memory_space<hbm>>
      %dma_start3A_46 = tpu.memref_slice %run_scoped3A_7[%rem3A_38] : memref<2x!tpu.dma_semaphore, #tpu.memory_space<semaphore_mem>> -> memref<1x!tpu.dma_semaphore, #tpu.memory_space<semaphore_mem>>
      %dma_start3A_47 = tpu.memref_squeeze %dma_start3A_46 : memref<1x!tpu.dma_semaphore, #tpu.memory_space<semaphore_mem>> -> memref<!tpu.dma_semaphore, #tpu.memory_space<semaphore_mem>>
      %dma_start3A_48 = arith.constant 0 : i32
      %dma_start3A_49 = arith.constant 0 : i32
      %dma_start3A_50 = tpu.memref_slice %run_scoped3A[%rem3A_38, %dma_start3A_48, %dma_start3A_49] : memref<2x1x128xi32, #tpu.memory_space<vmem>> -> memref<1x1x128xi32, #tpu.memory_space<vmem>>
      %dma_start3A_51 = tpu.memref_squeeze %dma_start3A_50 : memref<1x1x128xi32, #tpu.memory_space<vmem>> -> memref<1x128xi32, #tpu.memory_space<vmem>>
      %dma_start3A_52 = arith.constant 0 : i32
      %dma_start3A_53 = tpu.memref_slice %arg3[%dma_start3A_52, %mul3A_40] : memref<1x8192xi32, #tpu.memory_space<hbm>> -> memref<1x128xi32, #tpu.memory_space<hbm>>
      tpu.enqueue_dma source(%dma_start3A_53 : memref<1x128xi32, #tpu.memory_space<hbm>>) target(%dma_start3A_51 : memref<1x128xi32, #tpu.memory_space<vmem>>) target_semaphore(%dma_start3A_47 : memref<!tpu.dma_semaphore, #tpu.memory_space<semaphore_mem>>)
      %add3A_54 = arith.constant 0 : i32
      %add3A_55 = arith.constant 1 : i32
      %add3A_56 = arith.addi %add3A_54, %add3A_55 : i32
      %select_n3A_57 = arith.constant true
      %select_n3A_58 = arith.constant 0 : i32
      %select_n3A_59 = arith.select %select_n3A_57, %add3A_56, %select_n3A_58 : i32
      "tpu.trace_stop"() : () -> ()
      %scan3A = arith.constant 0 : i32
      %scan3A_60 = arith.constant 0 : i32
      %scan3A_61 = arith.constant 0 : i32
      %scan3A_62 = arith.constant 0 : i32
      %scan3A_63 = arith.constant 0 : i32
      %scan3A_64 = arith.constant 2 : i32
      %scan3A_65 = arith.addi %scan3A_63, %scan3A_64 : i32
      %scan3A_66 = arith.constant 1 : i32
      %scan3A_67:5 = scf.for %scan3A_121 = %scan3A_63 to %scan3A_65 step %scan3A_66 iter_args(%scan3A_122 = %select_n3A_59, %scan3A_123 = %scan3A, %scan3A_124 = %scan3A_60, %scan3A_125 = %scan3A_61, %scan3A_126 = %scan3A_62) -> (i32, i32, i32, i32, i32)  : i32 {
        %eq3A_127 = arith.constant 0 : i32
        %eq3A_128 = arith.cmpi eq, %scan3A_121, %eq3A_127 : i32
        %eq3A_129 = arith.constant 1 : i32
        %eq3A_130 = arith.cmpi eq, %scan3A_121, %eq3A_129 : i32
        %add3A_131 = arith.addi %scan3A_126, %mul3A_6 : i32
        %sub3A_132 = arith.constant 1 : i32
        %sub3A_133 = arith.subi %scan3A_126, %sub3A_132 : i32
        %select_n3A_134 = arith.constant true
        %select_n3A_135 = arith.select %select_n3A_134, %sub3A_133, %scan3A_126 : i32
        %eq3A_136 = arith.constant -1 : i32
        %eq3A_137 = arith.cmpi eq, %select_n3A_135, %eq3A_136 : i32
        %select_n3A_138 = arith.constant 1 : i32
        %select_n3A_139 = arith.select %eq3A_137, %select_n3A_138, %select_n3A_135 : i32
        %add3A_140 = arith.addi %select_n3A_139, %mul3A_6 : i32
        %add3A_141 = arith.constant 1 : i32
        %add3A_142 = arith.addi %scan3A_126, %add3A_141 : i32
        %select_n3A_143 = arith.constant true
        %select_n3A_144 = arith.select %select_n3A_143, %add3A_142, %scan3A_126 : i32
        %eq3A_145 = arith.constant 2 : i32
        %eq3A_146 = arith.cmpi eq, %select_n3A_144, %eq3A_145 : i32
        %select_n3A_147 = arith.constant 0 : i32
        %select_n3A_148 = arith.select %eq3A_146, %select_n3A_147, %select_n3A_144 : i32
        %add3A_149 = arith.addi %select_n3A_148, %mul3A_6 : i32
        %add3A_150 = arith.constant 1 : i32
        %add3A_151 = arith.addi %select_n3A_148, %add3A_150 : i32
        %select_n3A_152 = arith.constant true
        %select_n3A_153 = arith.select %select_n3A_152, %add3A_151, %select_n3A_148 : i32
        %eq3A_154 = arith.constant 2 : i32
        %eq3A_155 = arith.cmpi eq, %select_n3A_153, %eq3A_154 : i32
        %select_n3A_156 = arith.constant 0 : i32
        %select_n3A_157 = arith.select %eq3A_155, %select_n3A_156, %select_n3A_153 : i32
        %add3A_158 = arith.addi %select_n3A_157, %mul3A_6 : i32
        %ne3A = arith.cmpi ne, %add3A_131, %add3A_149 : i32
        %or3A = arith.constant false
        %or3A_159 = arith.ori %or3A, %ne3A : i1
        %ge3A = arith.constant 1 : i32
        %ge3A_160 = arith.cmpi sge, %scan3A_121, %ge3A : i32
        %not3A = arith.constant true
        %not3A_161 = arith.xori %ge3A_160, %not3A : i1
        %and3A = arith.andi %or3A_159, %not3A_161 : i1
        %convert_element_type3A = arith.extui %and3A : i1 to i32
        %cond3A = arith.constant 0 : i32
        %cond3A_162 = arith.cmpi ne, %convert_element_type3A, %cond3A : i32
        scf.if %cond3A_162 {
          "tpu.trace_start"() <{level = 10 : i32, message = "ep_copy_in"}> : () -> ()
          %rem3A_264 = arith.constant 2 : i32
          %rem3A_265 = arith.remui %scan3A_122, %rem3A_264 : i32
          %mul3A_266 = arith.constant 128 : i32
          %mul3A_267 = arith.muli %mul3A_266, %add3A_149 : i32
          %dma_start3A_268 = arith.constant 0 : i32
          %dma_start3A_269 = arith.constant 0 : i32
          %dma_start3A_270 = tpu.memref_slice %run_scoped3A[%rem3A_265, %dma_start3A_268, %dma_start3A_269] : memref<2x1x128xi32, #tpu.memory_space<vmem>> -> memref<1x1x128xi32, #tpu.memory_space<vmem>>
          %dma_start3A_271 = tpu.memref_squeeze %dma_start3A_270 : memref<1x1x128xi32, #tpu.memory_space<vmem>> -> memref<1x128xi32, #tpu.memory_space<vmem>>
          %dma_start3A_272 = arith.constant 0 : i32
          %dma_start3A_273 = tpu.memref_slice %arg3[%dma_start3A_272, %mul3A_267] : memref<1x8192xi32, #tpu.memory_space<hbm>> -> memref<1x128xi32, #tpu.memory_space<hbm>>
          %dma_start3A_274 = tpu.memref_slice %run_scoped3A_7[%rem3A_265] : memref<2x!tpu.dma_semaphore, #tpu.memory_space<semaphore_mem>> -> memref<1x!tpu.dma_semaphore, #tpu.memory_space<semaphore_mem>>
          %dma_start3A_275 = tpu.memref_squeeze %dma_start3A_274 : memref<1x!tpu.dma_semaphore, #tpu.memory_space<semaphore_mem>> -> memref<!tpu.dma_semaphore, #tpu.memory_space<semaphore_mem>>
          %dma_start3A_276 = arith.constant 0 : i32
          %dma_start3A_277 = arith.constant 0 : i32
          %dma_start3A_278 = tpu.memref_slice %run_scoped3A[%rem3A_265, %dma_start3A_276, %dma_start3A_277] : memref<2x1x128xi32, #tpu.memory_space<vmem>> -> memref<1x1x128xi32, #tpu.memory_space<vmem>>
          %dma_start3A_279 = tpu.memref_squeeze %dma_start3A_278 : memref<1x1x128xi32, #tpu.memory_space<vmem>> -> memref<1x128xi32, #tpu.memory_space<vmem>>
          %dma_start3A_280 = arith.constant 0 : i32
          %dma_start3A_281 = tpu.memref_slice %arg3[%dma_start3A_280, %mul3A_267] : memref<1x8192xi32, #tpu.memory_space<hbm>> -> memref<1x128xi32, #tpu.memory_space<hbm>>
          tpu.enqueue_dma source(%dma_start3A_281 : memref<1x128xi32, #tpu.memory_space<hbm>>) target(%dma_start3A_279 : memref<1x128xi32, #tpu.memory_space<vmem>>) target_semaphore(%dma_start3A_275 : memref<!tpu.dma_semaphore, #tpu.memory_space<semaphore_mem>>)
          "tpu.trace_stop"() : () -> ()
        } else {
        }
        %and3A_163 = arith.constant true
        %and3A_164 = arith.andi %and3A, %and3A_163 : i1
        %add3A_165 = arith.constant 1 : i32
        %add3A_166 = arith.addi %scan3A_122, %add3A_165 : i32
        %select_n3A_167 = arith.select %and3A_164, %add3A_166, %scan3A_122 : i32
        %ne3A_168 = arith.cmpi ne, %add3A_131, %add3A_149 : i32
        %or3A_169 = arith.constant false
        %or3A_170 = arith.ori %or3A_169, %ne3A_168 : i1
        %or3A_171 = arith.constant false
        %or3A_172 = arith.ori %or3A_170, %or3A_171 : i1
        %ge3A_173 = arith.constant 1 : i32
        %ge3A_174 = arith.cmpi sge, %scan3A_121, %ge3A_173 : i32
        %not3A_175 = arith.constant true
        %not3A_176 = arith.xori %ge3A_174, %not3A_175 : i1
        %and3A_177 = arith.andi %or3A_172, %not3A_176 : i1
        %ne3A_178 = arith.cmpi ne, %add3A_131, %add3A_140 : i32
        %or3A_179 = arith.constant false
        %or3A_180 = arith.ori %or3A_179, %ne3A_178 : i1
        %or3A_181 = arith.ori %or3A_180, %eq3A_128 : i1
        %convert_element_type3A_182 = arith.extui %or3A_181 : i1 to i32
        %cond3A_183 = arith.constant 0 : i32
        %cond3A_184 = arith.cmpi ne, %convert_element_type3A_182, %cond3A_183 : i32
        scf.if %cond3A_184 {
          "tpu.trace_start"() <{level = 10 : i32, message = "ep_wait_in"}> : () -> ()
          %mul3A_264 = arith.constant 128 : i32
          %mul3A_265 = arith.muli %mul3A_264, %add3A_131 : i32
          %rem3A_266 = arith.constant 2 : i32
          %rem3A_267 = arith.remui %scan3A_123, %rem3A_266 : i32
          %dma_wait3A_268 = arith.constant 0 : i32
          %dma_wait3A_269 = arith.constant 0 : i32
          %dma_wait3A_270 = tpu.memref_slice %run_scoped3A[%rem3A_267, %dma_wait3A_268, %dma_wait3A_269] : memref<2x1x128xi32, #tpu.memory_space<vmem>> -> memref<1x1x128xi32, #tpu.memory_space<vmem>>
          %dma_wait3A_271 = tpu.memref_squeeze %dma_wait3A_270 : memref<1x1x128xi32, #tpu.memory_space<vmem>> -> memref<1x128xi32, #tpu.memory_space<vmem>>
          %dma_wait3A_272 = arith.constant 0 : i32
          %dma_wait3A_273 = tpu.memref_slice %arg3[%dma_wait3A_272, %mul3A_265] : memref<1x8192xi32, #tpu.memory_space<hbm>> -> memref<1x128xi32, #tpu.memory_space<hbm>>
          %dma_wait3A_274 = tpu.memref_slice %run_scoped3A_7[%rem3A_267] : memref<2x!tpu.dma_semaphore, #tpu.memory_space<semaphore_mem>> -> memref<1x!tpu.dma_semaphore, #tpu.memory_space<semaphore_mem>>
          %dma_wait3A_275 = tpu.memref_squeeze %dma_wait3A_274 : memref<1x!tpu.dma_semaphore, #tpu.memory_space<semaphore_mem>> -> memref<!tpu.dma_semaphore, #tpu.memory_space<semaphore_mem>>
          %dma_wait3A_276 = arith.constant 0 : i32
          %dma_wait3A_277 = arith.constant 0 : i32
          %dma_wait3A_278 = tpu.memref_slice %run_scoped3A[%rem3A_267, %dma_wait3A_276, %dma_wait3A_277] : memref<2x1x128xi32, #tpu.memory_space<vmem>> -> memref<1x1x128xi32, #tpu.memory_space<vmem>>
          %dma_wait3A_279 = tpu.memref_squeeze %dma_wait3A_278 : memref<1x1x128xi32, #tpu.memory_space<vmem>> -> memref<1x128xi32, #tpu.memory_space<vmem>>
          %dma_wait3A_280 = arith.constant 0 : i32
          %dma_wait3A_281 = tpu.memref_slice %arg3[%dma_wait3A_280, %mul3A_265] : memref<1x8192xi32, #tpu.memory_space<hbm>> -> memref<1x128xi32, #tpu.memory_space<hbm>>
          tpu.wait_dma2 semaphore(%dma_wait3A_275 : memref<!tpu.dma_semaphore, #tpu.memory_space<semaphore_mem>>) src(%dma_wait3A_281 : memref<1x128xi32, #tpu.memory_space<hbm>>) dst(%dma_wait3A_279 : memref<1x128xi32, #tpu.memory_space<vmem>>)
          "tpu.trace_stop"() : () -> ()
        } else {
        }
        %ne3A_185 = arith.cmpi ne, %add3A_131, %add3A_140 : i32
        %or3A_186 = arith.constant false
        %or3A_187 = arith.ori %or3A_186, %ne3A_185 : i1
        %or3A_188 = arith.constant false
        %or3A_189 = arith.ori %or3A_187, %or3A_188 : i1
        %or3A_190 = arith.ori %or3A_189, %eq3A_128 : i1
        %convert_element_type3A_191 = arith.extui %or3A_190 : i1 to i32
        %cond3A_192 = arith.constant 0 : i32
        %cond3A_193 = arith.cmpi ne, %convert_element_type3A_191, %cond3A_192 : i32
        scf.if %cond3A_193 {
        } else {
        }
        %rem3A_194 = arith.constant 2 : i32
        %rem3A_195 = arith.remui %scan3A_123, %rem3A_194 : i32
        %rem3A_196 = arith.constant 2 : i32
        %rem3A_197 = arith.remui %scan3A_124, %rem3A_196 : i32
        %run_scoped3A_198 = arith.constant 0 : i32
        "tpu.trace_start"() <{level = 10 : i32, message = "ep_run_kernel"}> : () -> ()
        "tpu.region"() ({
          %run_scoped3A_264 = tpu.sem_alloc : memref<!tpu.dma_semaphore, #tpu.memory_space<semaphore_mem>>
          %dma_start3A_265 = arith.constant 0 : i32
          %dma_start3A_266 = arith.constant 0 : i32
          %dma_start3A_267 = tpu.memref_slice %run_scoped3A_8[%rem3A_197, %dma_start3A_265, %dma_start3A_266] : memref<2x128x384xf32, #tpu.memory_space<vmem>> -> memref<1x128x384xf32, #tpu.memory_space<vmem>>
          %dma_start3A_268 = tpu.memref_squeeze %dma_start3A_267 : memref<1x128x384xf32, #tpu.memory_space<vmem>> -> memref<128x384xf32, #tpu.memory_space<vmem>>
          %dma_start3A_269 = arith.constant 0 : i32
          %dma_start3A_270 = arith.constant 0 : i32
          %dma_start3A_271 = tpu.memref_slice %run_scoped3A[%rem3A_195, %dma_start3A_269, %dma_start3A_270] : memref<2x1x128xi32, #tpu.memory_space<vmem>> -> memref<1x1x128xi32, #tpu.memory_space<vmem>>
          %dma_start3A_272 = tpu.memref_squeeze %dma_start3A_271 : memref<1x1x128xi32, #tpu.memory_space<vmem>> -> memref<1x128xi32, #tpu.memory_space<vmem>>
          %dma_start3A_273 = arith.constant 0 : i32
          %dma_start3A_274 = tpu.memref_slice %dma_start3A_272[%run_scoped3A_198, %dma_start3A_273] : memref<1x128xi32, #tpu.memory_space<vmem>> -> memref<1x128xi32, #tpu.memory_space<vmem>>
          %dma_start3A_275 = tpu.memref_squeeze %dma_start3A_274 : memref<1x128xi32, #tpu.memory_space<vmem>> -> memref<128xi32, #tpu.memory_space<vmem>>
          %dma_start3A_276 = arith.constant 0 : i32
          %dma_start3A_277 = arith.constant 0 : i32
          %dma_start3A_278 = tpu.memref_slice %arg2[%dma_start3A_276, %dma_start3A_277] : memref<8192x384xf32, #tpu.memory_space<hbm>> -> memref<8192x384xf32, #tpu.memory_space<hbm>>
          tpu.enqueue_indirect_dma source(%dma_start3A_278 : memref<8192x384xf32, #tpu.memory_space<hbm>>) target(%dma_start3A_268 : memref<128x384xf32, #tpu.memory_space<vmem>>) offsets(%dma_start3A_275 : memref<128xi32, #tpu.memory_space<vmem>>) semaphore(%run_scoped3A_264 : memref<!tpu.dma_semaphore, #tpu.memory_space<semaphore_mem>>)
          %dma_wait3A_279 = arith.constant 0 : i32
          %dma_wait3A_280 = arith.constant 0 : i32
          %dma_wait3A_281 = tpu.memref_slice %run_scoped3A_8[%rem3A_197, %dma_wait3A_279, %dma_wait3A_280] : memref<2x128x384xf32, #tpu.memory_space<vmem>> -> memref<1x128x384xf32, #tpu.memory_space<vmem>>
          %dma_wait3A_282 = tpu.memref_squeeze %dma_wait3A_281 : memref<1x128x384xf32, #tpu.memory_space<vmem>> -> memref<128x384xf32, #tpu.memory_space<vmem>>
          %dma_wait3A_283 = arith.constant 0 : i32
          %dma_wait3A_284 = arith.constant 0 : i32
          %dma_wait3A_285 = tpu.memref_slice %run_scoped3A[%rem3A_195, %dma_wait3A_283, %dma_wait3A_284] : memref<2x1x128xi32, #tpu.memory_space<vmem>> -> memref<1x1x128xi32, #tpu.memory_space<vmem>>
          %dma_wait3A_286 = tpu.memref_squeeze %dma_wait3A_285 : memref<1x1x128xi32, #tpu.memory_space<vmem>> -> memref<1x128xi32, #tpu.memory_space<vmem>>
          %dma_wait3A_287 = arith.constant 0 : i32
          %dma_wait3A_288 = tpu.memref_slice %dma_wait3A_286[%run_scoped3A_198, %dma_wait3A_287] : memref<1x128xi32, #tpu.memory_space<vmem>> -> memref<1x128xi32, #tpu.memory_space<vmem>>
          %dma_wait3A_289 = tpu.memref_squeeze %dma_wait3A_288 : memref<1x128xi32, #tpu.memory_space<vmem>> -> memref<128xi32, #tpu.memory_space<vmem>>
          %dma_wait3A_290 = arith.constant 0 : i32
          %dma_wait3A_291 = arith.constant 0 : i32
          %dma_wait3A_292 = tpu.memref_slice %arg2[%dma_wait3A_290, %dma_wait3A_291] : memref<8192x384xf32, #tpu.memory_space<hbm>> -> memref<8192x384xf32, #tpu.memory_space<hbm>>
          tpu.wait_indirect_dma semaphore(%run_scoped3A_264 : memref<!tpu.dma_semaphore, #tpu.memory_space<semaphore_mem>>) src(%dma_wait3A_292 : memref<8192x384xf32, #tpu.memory_space<hbm>>) dst(%dma_wait3A_282 : memref<128x384xf32, #tpu.memory_space<vmem>>)
          tpu.yield
        }) : () -> ()
        "tpu.trace_stop"() : () -> ()
        %ne3A_199 = arith.cmpi ne, %add3A_131, %add3A_149 : i32
        %or3A_200 = arith.constant false
        %or3A_201 = arith.ori %or3A_200, %ne3A_199 : i1
        %or3A_202 = arith.ori %or3A_201, %eq3A_130 : i1
        %convert_element_type3A_203 = arith.extui %or3A_202 : i1 to i32
        %cond3A_204 = arith.constant 0 : i32
        %cond3A_205 = arith.cmpi ne, %convert_element_type3A_203, %cond3A_204 : i32
        scf.if %cond3A_205 {
        } else {
        }
        %and3A_206 = arith.constant false
        %and3A_207 = arith.andi %or3A_202, %and3A_206 : i1
        %ne3A_208 = arith.cmpi ne, %add3A_131, %add3A_149 : i32
        %or3A_209 = arith.constant false
        %or3A_210 = arith.ori %or3A_209, %ne3A_208 : i1
        %or3A_211 = arith.constant false
        %or3A_212 = arith.ori %or3A_210, %or3A_211 : i1
        %or3A_213 = arith.ori %or3A_212, %eq3A_130 : i1
        %convert_element_type3A_214 = arith.extui %or3A_213 : i1 to i32
        %cond3A_215 = arith.constant 0 : i32
        %cond3A_216 = arith.cmpi ne, %convert_element_type3A_214, %cond3A_215 : i32
        scf.if %cond3A_216 {
          "tpu.trace_start"() <{level = 10 : i32, message = "ep_copy_out"}> : () -> ()
          %rem3A_264 = arith.constant 2 : i32
          %rem3A_265 = arith.remui %scan3A_124, %rem3A_264 : i32
          %mul3A_266 = arith.constant 128 : i32
          %mul3A_267 = arith.muli %mul3A_266, %add3A_131 : i32
          %dma_start3A_268 = arith.constant 0 : i32
          %dma_start3A_269 = arith.constant 0 : i32
          %dma_start3A_270 = tpu.memref_slice %run_scoped3A_8[%rem3A_265, %dma_start3A_268, %dma_start3A_269] : memref<2x128x384xf32, #tpu.memory_space<vmem>> -> memref<1x128x384xf32, #tpu.memory_space<vmem>>
          %dma_start3A_271 = tpu.memref_squeeze %dma_start3A_270 : memref<1x128x384xf32, #tpu.memory_space<vmem>> -> memref<128x384xf32, #tpu.memory_space<vmem>>
          %dma_start3A_272 = arith.constant 0 : i32
          %dma_start3A_273 = tpu.memref_slice %arg4[%mul3A_267, %dma_start3A_272] : memref<8192x384xf32, #tpu.memory_space<hbm>> -> memref<128x384xf32, #tpu.memory_space<hbm>>
          %dma_start3A_274 = tpu.memref_slice %run_scoped3A_9[%rem3A_265] : memref<2x!tpu.dma_semaphore, #tpu.memory_space<semaphore_mem>> -> memref<1x!tpu.dma_semaphore, #tpu.memory_space<semaphore_mem>>
          %dma_start3A_275 = tpu.memref_squeeze %dma_start3A_274 : memref<1x!tpu.dma_semaphore, #tpu.memory_space<semaphore_mem>> -> memref<!tpu.dma_semaphore, #tpu.memory_space<semaphore_mem>>
          %dma_start3A_276 = arith.constant 0 : i32
          %dma_start3A_277 = tpu.memref_slice %arg4[%mul3A_267, %dma_start3A_276] : memref<8192x384xf32, #tpu.memory_space<hbm>> -> memref<128x384xf32, #tpu.memory_space<hbm>>
          %dma_start3A_278 = arith.constant 0 : i32
          %dma_start3A_279 = arith.constant 0 : i32
          %dma_start3A_280 = tpu.memref_slice %run_scoped3A_8[%rem3A_265, %dma_start3A_278, %dma_start3A_279] : memref<2x128x384xf32, #tpu.memory_space<vmem>> -> memref<1x128x384xf32, #tpu.memory_space<vmem>>
          %dma_start3A_281 = tpu.memref_squeeze %dma_start3A_280 : memref<1x128x384xf32, #tpu.memory_space<vmem>> -> memref<128x384xf32, #tpu.memory_space<vmem>>
          tpu.enqueue_dma source(%dma_start3A_281 : memref<128x384xf32, #tpu.memory_space<vmem>>) target(%dma_start3A_277 : memref<128x384xf32, #tpu.memory_space<hbm>>) target_semaphore(%dma_start3A_275 : memref<!tpu.dma_semaphore, #tpu.memory_space<semaphore_mem>>)
          "tpu.trace_stop"() : () -> ()
        } else {
        }
        %and3A_217 = arith.constant true
        %and3A_218 = arith.andi %or3A_213, %and3A_217 : i1
        %add3A_219 = arith.constant 1 : i32
        %add3A_220 = arith.addi %scan3A_124, %add3A_219 : i32
        %select_n3A_221 = arith.select %and3A_218, %add3A_220, %scan3A_124 : i32
        %ne3A_222 = arith.cmpi ne, %add3A_131, %add3A_140 : i32
        %or3A_223 = arith.constant false
        %or3A_224 = arith.ori %or3A_223, %ne3A_222 : i1
        %not3A_225 = arith.constant true
        %not3A_226 = arith.xori %eq3A_128, %not3A_225 : i1
        %and3A_227 = arith.andi %or3A_224, %not3A_226 : i1
        %convert_element_type3A_228 = arith.extui %and3A_227 : i1 to i32
        %cond3A_229 = arith.constant 0 : i32
        %cond3A_230 = arith.cmpi ne, %convert_element_type3A_228, %cond3A_229 : i32
        scf.if %cond3A_230 {
        } else {
        }
        %and3A_231 = arith.constant false
        %and3A_232 = arith.andi %and3A_227, %and3A_231 : i1
        %ne3A_233 = arith.cmpi ne, %add3A_131, %add3A_140 : i32
        %or3A_234 = arith.constant false
        %or3A_235 = arith.ori %or3A_234, %ne3A_233 : i1
        %or3A_236 = arith.constant false
        %or3A_237 = arith.ori %or3A_235, %or3A_236 : i1
        %not3A_238 = arith.constant true
        %not3A_239 = arith.xori %eq3A_128, %not3A_238 : i1
        %and3A_240 = arith.andi %or3A_237, %not3A_239 : i1
        %convert_element_type3A_241 = arith.extui %and3A_240 : i1 to i32
        %cond3A_242 = arith.constant 0 : i32
        %cond3A_243 = arith.cmpi ne, %convert_element_type3A_241, %cond3A_242 : i32
        scf.if %cond3A_243 {
          "tpu.trace_start"() <{level = 10 : i32, message = "ep_wait_out"}> : () -> ()
          %rem3A_264 = arith.constant 2 : i32
          %rem3A_265 = arith.remui %scan3A_125, %rem3A_264 : i32
          %mul3A_266 = arith.constant 128 : i32
          %mul3A_267 = arith.muli %mul3A_266, %add3A_140 : i32
          %dma_wait3A_268 = arith.constant 0 : i32
          %dma_wait3A_269 = arith.constant 0 : i32
          %dma_wait3A_270 = tpu.memref_slice %run_scoped3A_8[%rem3A_265, %dma_wait3A_268, %dma_wait3A_269] : memref<2x128x384xf32, #tpu.memory_space<vmem>> -> memref<1x128x384xf32, #tpu.memory_space<vmem>>
          %dma_wait3A_271 = tpu.memref_squeeze %dma_wait3A_270 : memref<1x128x384xf32, #tpu.memory_space<vmem>> -> memref<128x384xf32, #tpu.memory_space<vmem>>
          %dma_wait3A_272 = arith.constant 0 : i32
          %dma_wait3A_273 = tpu.memref_slice %arg4[%mul3A_267, %dma_wait3A_272] : memref<8192x384xf32, #tpu.memory_space<hbm>> -> memref<128x384xf32, #tpu.memory_space<hbm>>
          %dma_wait3A_274 = tpu.memref_slice %run_scoped3A_9[%rem3A_265] : memref<2x!tpu.dma_semaphore, #tpu.memory_space<semaphore_mem>> -> memref<1x!tpu.dma_semaphore, #tpu.memory_space<semaphore_mem>>
          %dma_wait3A_275 = tpu.memref_squeeze %dma_wait3A_274 : memref<1x!tpu.dma_semaphore, #tpu.memory_space<semaphore_mem>> -> memref<!tpu.dma_semaphore, #tpu.memory_space<semaphore_mem>>
          %dma_wait3A_276 = arith.constant 0 : i32
          %dma_wait3A_277 = tpu.memref_slice %arg4[%mul3A_267, %dma_wait3A_276] : memref<8192x384xf32, #tpu.memory_space<hbm>> -> memref<128x384xf32, #tpu.memory_space<hbm>>
          %dma_wait3A_278 = arith.constant 0 : i32
          %dma_wait3A_279 = arith.constant 0 : i32
          %dma_wait3A_280 = tpu.memref_slice %run_scoped3A_8[%rem3A_265, %dma_wait3A_278, %dma_wait3A_279] : memref<2x128x384xf32, #tpu.memory_space<vmem>> -> memref<1x128x384xf32, #tpu.memory_space<vmem>>
          %dma_wait3A_281 = tpu.memref_squeeze %dma_wait3A_280 : memref<1x128x384xf32, #tpu.memory_space<vmem>> -> memref<128x384xf32, #tpu.memory_space<vmem>>
          tpu.wait_dma2 semaphore(%dma_wait3A_275 : memref<!tpu.dma_semaphore, #tpu.memory_space<semaphore_mem>>) src(%dma_wait3A_281 : memref<128x384xf32, #tpu.memory_space<vmem>>) dst(%dma_wait3A_277 : memref<128x384xf32, #tpu.memory_space<hbm>>)
          "tpu.trace_stop"() : () -> ()
        } else {
        }
        %and3A_244 = arith.constant true
        %and3A_245 = arith.andi %and3A_240, %and3A_244 : i1
        %add3A_246 = arith.constant 1 : i32
        %add3A_247 = arith.addi %scan3A_125, %add3A_246 : i32
        %select_n3A_248 = arith.select %and3A_245, %add3A_247, %scan3A_125 : i32
        %ne3A_249 = arith.cmpi ne, %add3A_131, %add3A_149 : i32
        %or3A_250 = arith.constant false
        %or3A_251 = arith.ori %or3A_250, %ne3A_249 : i1
        %or3A_252 = arith.ori %or3A_251, %eq3A_130 : i1
        %add3A_253 = arith.constant 1 : i32
        %add3A_254 = arith.addi %scan3A_123, %add3A_253 : i32
        %select_n3A_255 = arith.select %or3A_252, %add3A_254, %scan3A_123 : i32
        %add3A_256 = arith.constant 1 : i32
        %add3A_257 = arith.addi %scan3A_126, %add3A_256 : i32
        %select_n3A_258 = arith.constant true
        %select_n3A_259 = arith.select %select_n3A_258, %add3A_257, %scan3A_126 : i32
        %eq3A_260 = arith.constant 2 : i32
        %eq3A_261 = arith.cmpi eq, %select_n3A_259, %eq3A_260 : i32
        %select_n3A_262 = arith.constant 0 : i32
        %select_n3A_263 = arith.select %eq3A_261, %select_n3A_262, %select_n3A_259 : i32
        scf.yield %select_n3A_167, %select_n3A_255, %select_n3A_221, %select_n3A_248, %select_n3A_263 : i32, i32, i32, i32, i32
      }
      %scan3A_68 = arith.constant 2 : i32
      %sub3A = arith.constant 1 : i32
      %sub3A_69 = arith.subi %scan3A_67#4, %sub3A : i32
      %select_n3A_70 = arith.constant true
      %select_n3A_71 = arith.select %select_n3A_70, %sub3A_69, %scan3A_67#4 : i32
      %eq3A_72 = arith.constant -1 : i32
      %eq3A_73 = arith.cmpi eq, %select_n3A_71, %eq3A_72 : i32
      %select_n3A_74 = arith.constant 1 : i32
      %select_n3A_75 = arith.select %eq3A_73, %select_n3A_74, %select_n3A_71 : i32
      %add3A_76 = arith.addi %select_n3A_75, %mul3A_6 : i32
      %sub3A_77 = arith.constant 1 : i32
      %sub3A_78 = arith.subi %select_n3A_75, %sub3A_77 : i32
      %select_n3A_79 = arith.constant true
      %select_n3A_80 = arith.select %select_n3A_79, %sub3A_78, %select_n3A_75 : i32
      %eq3A_81 = arith.constant -1 : i32
      %eq3A_82 = arith.cmpi eq, %select_n3A_80, %eq3A_81 : i32
      %select_n3A_83 = arith.constant 1 : i32
      %select_n3A_84 = arith.select %eq3A_82, %select_n3A_83, %select_n3A_80 : i32
      %add3A_85 = arith.addi %select_n3A_84, %mul3A_6 : i32
      %add3A_86 = arith.constant 1 : i32
      %add3A_87 = arith.addi %select_n3A_75, %add3A_86 : i32
      %select_n3A_88 = arith.constant true
      %select_n3A_89 = arith.select %select_n3A_88, %add3A_87, %select_n3A_75 : i32
      %eq3A_90 = arith.constant 2 : i32
      %eq3A_91 = arith.cmpi eq, %select_n3A_89, %eq3A_90 : i32
      %select_n3A_92 = arith.constant 0 : i32
      %select_n3A_93 = arith.select %eq3A_91, %select_n3A_92, %select_n3A_89 : i32
      %add3A_94 = arith.addi %select_n3A_93, %mul3A_6 : i32
      %add3A_95 = arith.constant 1 : i32
      %add3A_96 = arith.addi %select_n3A_93, %add3A_95 : i32
      %select_n3A_97 = arith.constant true
      %select_n3A_98 = arith.select %select_n3A_97, %add3A_96, %select_n3A_93 : i32
      %eq3A_99 = arith.constant 2 : i32
      %eq3A_100 = arith.cmpi eq, %select_n3A_98, %eq3A_99 : i32
      %select_n3A_101 = arith.constant 0 : i32
      %select_n3A_102 = arith.select %eq3A_100, %select_n3A_101, %select_n3A_98 : i32
      %add3A_103 = arith.addi %select_n3A_102, %mul3A_6 : i32
      "tpu.trace_start"() <{level = 10 : i32, message = "ep_finalize"}> : () -> ()
      %rem3A_104 = arith.constant 2 : i32
      %rem3A_105 = arith.remui %scan3A_67#3, %rem3A_104 : i32
      %mul3A_106 = arith.constant 128 : i32
      %mul3A_107 = arith.muli %mul3A_106, %add3A_76 : i32
      %dma_wait3A = arith.constant 0 : i32
      %dma_wait3A_108 = arith.constant 0 : i32
      %dma_wait3A_109 = tpu.memref_slice %run_scoped3A_8[%rem3A_105, %dma_wait3A, %dma_wait3A_108] : memref<2x128x384xf32, #tpu.memory_space<vmem>> -> memref<1x128x384xf32, #tpu.memory_space<vmem>>
      %dma_wait3A_110 = tpu.memref_squeeze %dma_wait3A_109 : memref<1x128x384xf32, #tpu.memory_space<vmem>> -> memref<128x384xf32, #tpu.memory_space<vmem>>
      %dma_wait3A_111 = arith.constant 0 : i32
      %dma_wait3A_112 = tpu.memref_slice %arg4[%mul3A_107, %dma_wait3A_111] : memref<8192x384xf32, #tpu.memory_space<hbm>> -> memref<128x384xf32, #tpu.memory_space<hbm>>
      %dma_wait3A_113 = tpu.memref_slice %run_scoped3A_9[%rem3A_105] : memref<2x!tpu.dma_semaphore, #tpu.memory_space<semaphore_mem>> -> memref<1x!tpu.dma_semaphore, #tpu.memory_space<semaphore_mem>>
      %dma_wait3A_114 = tpu.memref_squeeze %dma_wait3A_113 : memref<1x!tpu.dma_semaphore, #tpu.memory_space<semaphore_mem>> -> memref<!tpu.dma_semaphore, #tpu.memory_space<semaphore_mem>>
      %dma_wait3A_115 = arith.constant 0 : i32
      %dma_wait3A_116 = tpu.memref_slice %arg4[%mul3A_107, %dma_wait3A_115] : memref<8192x384xf32, #tpu.memory_space<hbm>> -> memref<128x384xf32, #tpu.memory_space<hbm>>
      %dma_wait3A_117 = arith.constant 0 : i32
      %dma_wait3A_118 = arith.constant 0 : i32
      %dma_wait3A_119 = tpu.memref_slice %run_scoped3A_8[%rem3A_105, %dma_wait3A_117, %dma_wait3A_118] : memref<2x128x384xf32, #tpu.memory_space<vmem>> -> memref<1x128x384xf32, #tpu.memory_space<vmem>>
      %dma_wait3A_120 = tpu.memref_squeeze %dma_wait3A_119 : memref<1x128x384xf32, #tpu.memory_space<vmem>> -> memref<128x384xf32, #tpu.memory_space<vmem>>
      tpu.wait_dma2 semaphore(%dma_wait3A_114 : memref<!tpu.dma_semaphore, #tpu.memory_space<semaphore_mem>>) src(%dma_wait3A_120 : memref<128x384xf32, #tpu.memory_space<vmem>>) dst(%dma_wait3A_116 : memref<128x384xf32, #tpu.memory_space<hbm>>)
      "tpu.trace_stop"() : () -> ()
      tpu.yield
    }) : () -> ()
    return
  }
}

#map = affine_map<(d0, d1) -> (0, 0)>
module attributes {stable_mosaic.version = 14 : i64} {
  func.func @run(%arg0: i32, %arg1: i32, %arg2: memref<8192x384xf32, #tpu.memory_space<hbm>>, %arg3: memref<1x8192xi32, #tpu.memory_space<hbm>>, %arg4: memref<8192x384xf32, #tpu.memory_space<hbm>>) attributes {dimension_semantics = [#tpu.dimension_semantics<core_parallel>, #tpu.dimension_semantics<subcore_parallel>], iteration_bounds = array<i64: 2, 16>, scalar_prefetch = 0 : i64, scratch_operands = 0 : i64, tpu.core_type = #tpu.core_type<sc_vector_subcore>, window_params = [{transform_indices = #map}, {transform_indices = #map}, {transform_indices = #map}]} {
    %mul3A = arith.constant 1 : i32
    %mul3A_0 = arith.muli %arg1, %mul3A : i32
    %add3A = arith.constant 0 : i32
    %add3A_1 = arith.addi %add3A, %mul3A_0 : i32
    %mul3A_2 = arith.constant 16 : i32
    %mul3A_3 = arith.muli %arg0, %mul3A_2 : i32
    %add3A_4 = arith.addi %add3A_1, %mul3A_3 : i32
    %mul3A_5 = arith.constant 2 : i32
    %mul3A_6 = arith.muli %add3A_4, %mul3A_5 : i32
    "tpu.region"() ({
      %run_scoped3A = memref.alloca() : memref<2x128x384xf32, #tpu.memory_space<vmem>>
      %run_scoped3A_7 = tpu.sem_alloc : memref<2x!tpu.dma_semaphore, #tpu.memory_space<semaphore_mem>>
      %run_scoped3A_8 = memref.alloca() : memref<2x1x128xi32, #tpu.memory_space<vmem>>
      %run_scoped3A_9 = tpu.sem_alloc : memref<2x!tpu.dma_semaphore, #tpu.memory_space<semaphore_mem>>
      %add3A_10 = arith.constant 0 : i32
      %add3A_11 = arith.addi %add3A_10, %mul3A_6 : i32
      %select_n3A = arith.constant true
      %select_n3A_12 = arith.constant 0 : i32
      %select_n3A_13 = arith.constant -1 : i32
      %select_n3A_14 = arith.select %select_n3A, %select_n3A_13, %select_n3A_12 : i32
      %eq3A = arith.constant -1 : i32
      %eq3A_15 = arith.cmpi eq, %select_n3A_14, %eq3A : i32
      %select_n3A_16 = arith.constant 1 : i32
      %select_n3A_17 = arith.select %eq3A_15, %select_n3A_16, %select_n3A_14 : i32
      %add3A_18 = arith.addi %select_n3A_17, %mul3A_6 : i32
      %select_n3A_19 = arith.constant true
      %select_n3A_20 = arith.constant 0 : i32
      %select_n3A_21 = arith.constant 1 : i32
      %select_n3A_22 = arith.select %select_n3A_19, %select_n3A_21, %select_n3A_20 : i32
      %eq3A_23 = arith.constant 2 : i32
      %eq3A_24 = arith.cmpi eq, %select_n3A_22, %eq3A_23 : i32
      %select_n3A_25 = arith.constant 0 : i32
      %select_n3A_26 = arith.select %eq3A_24, %select_n3A_25, %select_n3A_22 : i32
      %add3A_27 = arith.addi %select_n3A_26, %mul3A_6 : i32
      %add3A_28 = arith.constant 1 : i32
      %add3A_29 = arith.addi %select_n3A_26, %add3A_28 : i32
      %select_n3A_30 = arith.constant true
      %select_n3A_31 = arith.select %select_n3A_30, %add3A_29, %select_n3A_26 : i32
      %eq3A_32 = arith.constant 2 : i32
      %eq3A_33 = arith.cmpi eq, %select_n3A_31, %eq3A_32 : i32
      %select_n3A_34 = arith.constant 0 : i32
      %select_n3A_35 = arith.select %eq3A_33, %select_n3A_34, %select_n3A_31 : i32
      %add3A_36 = arith.addi %select_n3A_35, %mul3A_6 : i32
      "tpu.trace_start"() <{level = 10 : i32, message = "ep_initialize_0"}> : () -> ()
      %rem3A = arith.constant 0 : i32
      %rem3A_37 = arith.constant 2 : i32
      %rem3A_38 = arith.remui %rem3A, %rem3A_37 : i32
      %mul3A_39 = arith.constant 128 : i32
      %mul3A_40 = arith.muli %mul3A_39, %add3A_11 : i32
      %dma_start3A = arith.constant 0 : i32
      %dma_start3A_41 = arith.constant 0 : i32
      %dma_start3A_42 = tpu.memref_slice %run_scoped3A[%rem3A_38, %dma_start3A, %dma_start3A_41] : memref<2x128x384xf32, #tpu.memory_space<vmem>> -> memref<1x128x384xf32, #tpu.memory_space<vmem>>
      %dma_start3A_43 = tpu.memref_squeeze %dma_start3A_42 : memref<1x128x384xf32, #tpu.memory_space<vmem>> -> memref<128x384xf32, #tpu.memory_space<vmem>>
      %dma_start3A_44 = arith.constant 0 : i32
      %dma_start3A_45 = tpu.memref_slice %arg2[%mul3A_40, %dma_start3A_44] : memref<8192x384xf32, #tpu.memory_space<hbm>> -> memref<128x384xf32, #tpu.memory_space<hbm>>
      %dma_start3A_46 = tpu.memref_slice %run_scoped3A_7[%rem3A_38] : memref<2x!tpu.dma_semaphore, #tpu.memory_space<semaphore_mem>> -> memref<1x!tpu.dma_semaphore, #tpu.memory_space<semaphore_mem>>
      %dma_start3A_47 = tpu.memref_squeeze %dma_start3A_46 : memref<1x!tpu.dma_semaphore, #tpu.memory_space<semaphore_mem>> -> memref<!tpu.dma_semaphore, #tpu.memory_space<semaphore_mem>>
      %dma_start3A_48 = arith.constant 0 : i32
      %dma_start3A_49 = arith.constant 0 : i32
      %dma_start3A_50 = tpu.memref_slice %run_scoped3A[%rem3A_38, %dma_start3A_48, %dma_start3A_49] : memref<2x128x384xf32, #tpu.memory_space<vmem>> -> memref<1x128x384xf32, #tpu.memory_space<vmem>>
      %dma_start3A_51 = tpu.memref_squeeze %dma_start3A_50 : memref<1x128x384xf32, #tpu.memory_space<vmem>> -> memref<128x384xf32, #tpu.memory_space<vmem>>
      %dma_start3A_52 = arith.constant 0 : i32
      %dma_start3A_53 = tpu.memref_slice %arg2[%mul3A_40, %dma_start3A_52] : memref<8192x384xf32, #tpu.memory_space<hbm>> -> memref<128x384xf32, #tpu.memory_space<hbm>>
      tpu.enqueue_dma source(%dma_start3A_53 : memref<128x384xf32, #tpu.memory_space<hbm>>) target(%dma_start3A_51 : memref<128x384xf32, #tpu.memory_space<vmem>>) target_semaphore(%dma_start3A_47 : memref<!tpu.dma_semaphore, #tpu.memory_space<semaphore_mem>>)
      %add3A_54 = arith.constant 0 : i32
      %add3A_55 = arith.constant 1 : i32
      %add3A_56 = arith.addi %add3A_54, %add3A_55 : i32
      %select_n3A_57 = arith.constant true
      %select_n3A_58 = arith.constant 0 : i32
      %select_n3A_59 = arith.select %select_n3A_57, %add3A_56, %select_n3A_58 : i32
      %rem3A_60 = arith.constant 0 : i32
      %rem3A_61 = arith.constant 2 : i32
      %rem3A_62 = arith.remui %rem3A_60, %rem3A_61 : i32
      %mul3A_63 = arith.constant 128 : i32
      %mul3A_64 = arith.muli %mul3A_63, %add3A_11 : i32
      %dma_start3A_65 = arith.constant 0 : i32
      %dma_start3A_66 = arith.constant 0 : i32
      %dma_start3A_67 = tpu.memref_slice %run_scoped3A_8[%rem3A_62, %dma_start3A_65, %dma_start3A_66] : memref<2x1x128xi32, #tpu.memory_space<vmem>> -> memref<1x1x128xi32, #tpu.memory_space<vmem>>
      %dma_start3A_68 = tpu.memref_squeeze %dma_start3A_67 : memref<1x1x128xi32, #tpu.memory_space<vmem>> -> memref<1x128xi32, #tpu.memory_space<vmem>>
      %dma_start3A_69 = arith.constant 0 : i32
      %dma_start3A_70 = tpu.memref_slice %arg3[%dma_start3A_69, %mul3A_64] : memref<1x8192xi32, #tpu.memory_space<hbm>> -> memref<1x128xi32, #tpu.memory_space<hbm>>
      %dma_start3A_71 = tpu.memref_slice %run_scoped3A_9[%rem3A_62] : memref<2x!tpu.dma_semaphore, #tpu.memory_space<semaphore_mem>> -> memref<1x!tpu.dma_semaphore, #tpu.memory_space<semaphore_mem>>
      %dma_start3A_72 = tpu.memref_squeeze %dma_start3A_71 : memref<1x!tpu.dma_semaphore, #tpu.memory_space<semaphore_mem>> -> memref<!tpu.dma_semaphore, #tpu.memory_space<semaphore_mem>>
      %dma_start3A_73 = arith.constant 0 : i32
      %dma_start3A_74 = arith.constant 0 : i32
      %dma_start3A_75 = tpu.memref_slice %run_scoped3A_8[%rem3A_62, %dma_start3A_73, %dma_start3A_74] : memref<2x1x128xi32, #tpu.memory_space<vmem>> -> memref<1x1x128xi32, #tpu.memory_space<vmem>>
      %dma_start3A_76 = tpu.memref_squeeze %dma_start3A_75 : memref<1x1x128xi32, #tpu.memory_space<vmem>> -> memref<1x128xi32, #tpu.memory_space<vmem>>
      %dma_start3A_77 = arith.constant 0 : i32
      %dma_start3A_78 = tpu.memref_slice %arg3[%dma_start3A_77, %mul3A_64] : memref<1x8192xi32, #tpu.memory_space<hbm>> -> memref<1x128xi32, #tpu.memory_space<hbm>>
      tpu.enqueue_dma source(%dma_start3A_78 : memref<1x128xi32, #tpu.memory_space<hbm>>) target(%dma_start3A_76 : memref<1x128xi32, #tpu.memory_space<vmem>>) target_semaphore(%dma_start3A_72 : memref<!tpu.dma_semaphore, #tpu.memory_space<semaphore_mem>>)
      %add3A_79 = arith.constant 0 : i32
      %add3A_80 = arith.constant 1 : i32
      %add3A_81 = arith.addi %add3A_79, %add3A_80 : i32
      %select_n3A_82 = arith.constant true
      %select_n3A_83 = arith.constant 0 : i32
      %select_n3A_84 = arith.select %select_n3A_82, %add3A_81, %select_n3A_83 : i32
      "tpu.trace_stop"() : () -> ()
      %scan3A = arith.constant 0 : i32
      %scan3A_85 = arith.constant 0 : i32
      %scan3A_86 = arith.constant 0 : i32
      %scan3A_87 = arith.constant 0 : i32
      %scan3A_88 = arith.constant 2 : i32
      %scan3A_89 = arith.addi %scan3A_87, %scan3A_88 : i32
      %scan3A_90 = arith.constant 1 : i32
      %scan3A_91:5 = scf.for %scan3A_128 = %scan3A_87 to %scan3A_89 step %scan3A_90 iter_args(%scan3A_129 = %select_n3A_59, %scan3A_130 = %scan3A, %scan3A_131 = %select_n3A_84, %scan3A_132 = %scan3A_85, %scan3A_133 = %scan3A_86) -> (i32, i32, i32, i32, i32)  : i32 {
        %eq3A_134 = arith.constant 0 : i32
        %eq3A_135 = arith.cmpi eq, %scan3A_128, %eq3A_134 : i32
        %eq3A_136 = arith.constant 1 : i32
        %eq3A_137 = arith.cmpi eq, %scan3A_128, %eq3A_136 : i32
        %add3A_138 = arith.addi %scan3A_133, %mul3A_6 : i32
        %sub3A_139 = arith.constant 1 : i32
        %sub3A_140 = arith.subi %scan3A_133, %sub3A_139 : i32
        %select_n3A_141 = arith.constant true
        %select_n3A_142 = arith.select %select_n3A_141, %sub3A_140, %scan3A_133 : i32
        %eq3A_143 = arith.constant -1 : i32
        %eq3A_144 = arith.cmpi eq, %select_n3A_142, %eq3A_143 : i32
        %select_n3A_145 = arith.constant 1 : i32
        %select_n3A_146 = arith.select %eq3A_144, %select_n3A_145, %select_n3A_142 : i32
        %add3A_147 = arith.addi %select_n3A_146, %mul3A_6 : i32
        %add3A_148 = arith.constant 1 : i32
        %add3A_149 = arith.addi %scan3A_133, %add3A_148 : i32
        %select_n3A_150 = arith.constant true
        %select_n3A_151 = arith.select %select_n3A_150, %add3A_149, %scan3A_133 : i32
        %eq3A_152 = arith.constant 2 : i32
        %eq3A_153 = arith.cmpi eq, %select_n3A_151, %eq3A_152 : i32
        %select_n3A_154 = arith.constant 0 : i32
        %select_n3A_155 = arith.select %eq3A_153, %select_n3A_154, %select_n3A_151 : i32
        %add3A_156 = arith.addi %select_n3A_155, %mul3A_6 : i32
        %add3A_157 = arith.constant 1 : i32
        %add3A_158 = arith.addi %select_n3A_155, %add3A_157 : i32
        %select_n3A_159 = arith.constant true
        %select_n3A_160 = arith.select %select_n3A_159, %add3A_158, %select_n3A_155 : i32
        %eq3A_161 = arith.constant 2 : i32
        %eq3A_162 = arith.cmpi eq, %select_n3A_160, %eq3A_161 : i32
        %select_n3A_163 = arith.constant 0 : i32
        %select_n3A_164 = arith.select %eq3A_162, %select_n3A_163, %select_n3A_160 : i32
        %add3A_165 = arith.addi %select_n3A_164, %mul3A_6 : i32
        %ne3A = arith.cmpi ne, %add3A_138, %add3A_156 : i32
        %or3A = arith.constant false
        %or3A_166 = arith.ori %or3A, %ne3A : i1
        %or3A_167 = arith.constant false
        %or3A_168 = arith.ori %or3A_166, %or3A_167 : i1
        %ge3A = arith.constant 1 : i32
        %ge3A_169 = arith.cmpi sge, %scan3A_128, %ge3A : i32
        %not3A = arith.constant true
        %not3A_170 = arith.xori %ge3A_169, %not3A : i1
        %and3A = arith.andi %or3A_168, %not3A_170 : i1
        %convert_element_type3A = arith.extui %and3A : i1 to i32
        %cond3A = arith.constant 0 : i32
        %cond3A_171 = arith.cmpi ne, %convert_element_type3A, %cond3A : i32
        scf.if %cond3A_171 {
          "tpu.trace_start"() <{level = 10 : i32, message = "ep_copy_in"}> : () -> ()
          %rem3A_282 = arith.constant 2 : i32
          %rem3A_283 = arith.remui %scan3A_129, %rem3A_282 : i32
          %mul3A_284 = arith.constant 128 : i32
          %mul3A_285 = arith.muli %mul3A_284, %add3A_156 : i32
          %dma_start3A_286 = arith.constant 0 : i32
          %dma_start3A_287 = arith.constant 0 : i32
          %dma_start3A_288 = tpu.memref_slice %run_scoped3A[%rem3A_283, %dma_start3A_286, %dma_start3A_287] : memref<2x128x384xf32, #tpu.memory_space<vmem>> -> memref<1x128x384xf32, #tpu.memory_space<vmem>>
          %dma_start3A_289 = tpu.memref_squeeze %dma_start3A_288 : memref<1x128x384xf32, #tpu.memory_space<vmem>> -> memref<128x384xf32, #tpu.memory_space<vmem>>
          %dma_start3A_290 = arith.constant 0 : i32
          %dma_start3A_291 = tpu.memref_slice %arg2[%mul3A_285, %dma_start3A_290] : memref<8192x384xf32, #tpu.memory_space<hbm>> -> memref<128x384xf32, #tpu.memory_space<hbm>>
          %dma_start3A_292 = tpu.memref_slice %run_scoped3A_7[%rem3A_283] : memref<2x!tpu.dma_semaphore, #tpu.memory_space<semaphore_mem>> -> memref<1x!tpu.dma_semaphore, #tpu.memory_space<semaphore_mem>>
          %dma_start3A_293 = tpu.memref_squeeze %dma_start3A_292 : memref<1x!tpu.dma_semaphore, #tpu.memory_space<semaphore_mem>> -> memref<!tpu.dma_semaphore, #tpu.memory_space<semaphore_mem>>
          %dma_start3A_294 = arith.constant 0 : i32
          %dma_start3A_295 = arith.constant 0 : i32
          %dma_start3A_296 = tpu.memref_slice %run_scoped3A[%rem3A_283, %dma_start3A_294, %dma_start3A_295] : memref<2x128x384xf32, #tpu.memory_space<vmem>> -> memref<1x128x384xf32, #tpu.memory_space<vmem>>
          %dma_start3A_297 = tpu.memref_squeeze %dma_start3A_296 : memref<1x128x384xf32, #tpu.memory_space<vmem>> -> memref<128x384xf32, #tpu.memory_space<vmem>>
          %dma_start3A_298 = arith.constant 0 : i32
          %dma_start3A_299 = tpu.memref_slice %arg2[%mul3A_285, %dma_start3A_298] : memref<8192x384xf32, #tpu.memory_space<hbm>> -> memref<128x384xf32, #tpu.memory_space<hbm>>
          tpu.enqueue_dma source(%dma_start3A_299 : memref<128x384xf32, #tpu.memory_space<hbm>>) target(%dma_start3A_297 : memref<128x384xf32, #tpu.memory_space<vmem>>) target_semaphore(%dma_start3A_293 : memref<!tpu.dma_semaphore, #tpu.memory_space<semaphore_mem>>)
          "tpu.trace_stop"() : () -> ()
        } else {
        }
        %and3A_172 = arith.constant true
        %and3A_173 = arith.andi %and3A, %and3A_172 : i1
        %add3A_174 = arith.constant 1 : i32
        %add3A_175 = arith.addi %scan3A_129, %add3A_174 : i32
        %select_n3A_176 = arith.select %and3A_173, %add3A_175, %scan3A_129 : i32
        %ne3A_177 = arith.cmpi ne, %add3A_138, %add3A_156 : i32
        %or3A_178 = arith.constant false
        %or3A_179 = arith.ori %or3A_178, %ne3A_177 : i1
        %ge3A_180 = arith.constant 1 : i32
        %ge3A_181 = arith.cmpi sge, %scan3A_128, %ge3A_180 : i32
        %not3A_182 = arith.constant true
        %not3A_183 = arith.xori %ge3A_181, %not3A_182 : i1
        %and3A_184 = arith.andi %or3A_179, %not3A_183 : i1
        %convert_element_type3A_185 = arith.extui %and3A_184 : i1 to i32
        %cond3A_186 = arith.constant 0 : i32
        %cond3A_187 = arith.cmpi ne, %convert_element_type3A_185, %cond3A_186 : i32
        scf.if %cond3A_187 {
          "tpu.trace_start"() <{level = 10 : i32, message = "ep_copy_in"}> : () -> ()
          %rem3A_282 = arith.constant 2 : i32
          %rem3A_283 = arith.remui %scan3A_131, %rem3A_282 : i32
          %mul3A_284 = arith.constant 128 : i32
          %mul3A_285 = arith.muli %mul3A_284, %add3A_156 : i32
          %dma_start3A_286 = arith.constant 0 : i32
          %dma_start3A_287 = arith.constant 0 : i32
          %dma_start3A_288 = tpu.memref_slice %run_scoped3A_8[%rem3A_283, %dma_start3A_286, %dma_start3A_287] : memref<2x1x128xi32, #tpu.memory_space<vmem>> -> memref<1x1x128xi32, #tpu.memory_space<vmem>>
          %dma_start3A_289 = tpu.memref_squeeze %dma_start3A_288 : memref<1x1x128xi32, #tpu.memory_space<vmem>> -> memref<1x128xi32, #tpu.memory_space<vmem>>
          %dma_start3A_290 = arith.constant 0 : i32
          %dma_start3A_291 = tpu.memref_slice %arg3[%dma_start3A_290, %mul3A_285] : memref<1x8192xi32, #tpu.memory_space<hbm>> -> memref<1x128xi32, #tpu.memory_space<hbm>>
          %dma_start3A_292 = tpu.memref_slice %run_scoped3A_9[%rem3A_283] : memref<2x!tpu.dma_semaphore, #tpu.memory_space<semaphore_mem>> -> memref<1x!tpu.dma_semaphore, #tpu.memory_space<semaphore_mem>>
          %dma_start3A_293 = tpu.memref_squeeze %dma_start3A_292 : memref<1x!tpu.dma_semaphore, #tpu.memory_space<semaphore_mem>> -> memref<!tpu.dma_semaphore, #tpu.memory_space<semaphore_mem>>
          %dma_start3A_294 = arith.constant 0 : i32
          %dma_start3A_295 = arith.constant 0 : i32
          %dma_start3A_296 = tpu.memref_slice %run_scoped3A_8[%rem3A_283, %dma_start3A_294, %dma_start3A_295] : memref<2x1x128xi32, #tpu.memory_space<vmem>> -> memref<1x1x128xi32, #tpu.memory_space<vmem>>
          %dma_start3A_297 = tpu.memref_squeeze %dma_start3A_296 : memref<1x1x128xi32, #tpu.memory_space<vmem>> -> memref<1x128xi32, #tpu.memory_space<vmem>>
          %dma_start3A_298 = arith.constant 0 : i32
          %dma_start3A_299 = tpu.memref_slice %arg3[%dma_start3A_298, %mul3A_285] : memref<1x8192xi32, #tpu.memory_space<hbm>> -> memref<1x128xi32, #tpu.memory_space<hbm>>
          tpu.enqueue_dma source(%dma_start3A_299 : memref<1x128xi32, #tpu.memory_space<hbm>>) target(%dma_start3A_297 : memref<1x128xi32, #tpu.memory_space<vmem>>) target_semaphore(%dma_start3A_293 : memref<!tpu.dma_semaphore, #tpu.memory_space<semaphore_mem>>)
          "tpu.trace_stop"() : () -> ()
        } else {
        }
        %and3A_188 = arith.constant true
        %and3A_189 = arith.andi %and3A_184, %and3A_188 : i1
        %add3A_190 = arith.constant 1 : i32
        %add3A_191 = arith.addi %scan3A_131, %add3A_190 : i32
        %select_n3A_192 = arith.select %and3A_189, %add3A_191, %scan3A_131 : i32
        %ne3A_193 = arith.cmpi ne, %add3A_138, %add3A_147 : i32
        %or3A_194 = arith.constant false
        %or3A_195 = arith.ori %or3A_194, %ne3A_193 : i1
        %or3A_196 = arith.constant false
        %or3A_197 = arith.ori %or3A_195, %or3A_196 : i1
        %or3A_198 = arith.ori %or3A_197, %eq3A_135 : i1
        %convert_element_type3A_199 = arith.extui %or3A_198 : i1 to i32
        %cond3A_200 = arith.constant 0 : i32
        %cond3A_201 = arith.cmpi ne, %convert_element_type3A_199, %cond3A_200 : i32
        scf.if %cond3A_201 {
          "tpu.trace_start"() <{level = 10 : i32, message = "ep_wait_in"}> : () -> ()
          %mul3A_282 = arith.constant 128 : i32
          %mul3A_283 = arith.muli %mul3A_282, %add3A_138 : i32
          %rem3A_284 = arith.constant 2 : i32
          %rem3A_285 = arith.remui %scan3A_130, %rem3A_284 : i32
          %dma_wait3A = arith.constant 0 : i32
          %dma_wait3A_286 = arith.constant 0 : i32
          %dma_wait3A_287 = tpu.memref_slice %run_scoped3A[%rem3A_285, %dma_wait3A, %dma_wait3A_286] : memref<2x128x384xf32, #tpu.memory_space<vmem>> -> memref<1x128x384xf32, #tpu.memory_space<vmem>>
          %dma_wait3A_288 = tpu.memref_squeeze %dma_wait3A_287 : memref<1x128x384xf32, #tpu.memory_space<vmem>> -> memref<128x384xf32, #tpu.memory_space<vmem>>
          %dma_wait3A_289 = arith.constant 0 : i32
          %dma_wait3A_290 = tpu.memref_slice %arg2[%mul3A_283, %dma_wait3A_289] : memref<8192x384xf32, #tpu.memory_space<hbm>> -> memref<128x384xf32, #tpu.memory_space<hbm>>
          %dma_wait3A_291 = tpu.memref_slice %run_scoped3A_7[%rem3A_285] : memref<2x!tpu.dma_semaphore, #tpu.memory_space<semaphore_mem>> -> memref<1x!tpu.dma_semaphore, #tpu.memory_space<semaphore_mem>>
          %dma_wait3A_292 = tpu.memref_squeeze %dma_wait3A_291 : memref<1x!tpu.dma_semaphore, #tpu.memory_space<semaphore_mem>> -> memref<!tpu.dma_semaphore, #tpu.memory_space<semaphore_mem>>
          %dma_wait3A_293 = arith.constant 0 : i32
          %dma_wait3A_294 = arith.constant 0 : i32
          %dma_wait3A_295 = tpu.memref_slice %run_scoped3A[%rem3A_285, %dma_wait3A_293, %dma_wait3A_294] : memref<2x128x384xf32, #tpu.memory_space<vmem>> -> memref<1x128x384xf32, #tpu.memory_space<vmem>>
          %dma_wait3A_296 = tpu.memref_squeeze %dma_wait3A_295 : memref<1x128x384xf32, #tpu.memory_space<vmem>> -> memref<128x384xf32, #tpu.memory_space<vmem>>
          %dma_wait3A_297 = arith.constant 0 : i32
          %dma_wait3A_298 = tpu.memref_slice %arg2[%mul3A_283, %dma_wait3A_297] : memref<8192x384xf32, #tpu.memory_space<hbm>> -> memref<128x384xf32, #tpu.memory_space<hbm>>
          tpu.wait_dma2 semaphore(%dma_wait3A_292 : memref<!tpu.dma_semaphore, #tpu.memory_space<semaphore_mem>>) src(%dma_wait3A_298 : memref<128x384xf32, #tpu.memory_space<hbm>>) dst(%dma_wait3A_296 : memref<128x384xf32, #tpu.memory_space<vmem>>)
          "tpu.trace_stop"() : () -> ()
        } else {
        }
        %ne3A_202 = arith.cmpi ne, %add3A_138, %add3A_147 : i32
        %or3A_203 = arith.constant false
        %or3A_204 = arith.ori %or3A_203, %ne3A_202 : i1
        %or3A_205 = arith.ori %or3A_204, %eq3A_135 : i1
        %convert_element_type3A_206 = arith.extui %or3A_205 : i1 to i32
        %cond3A_207 = arith.constant 0 : i32
        %cond3A_208 = arith.cmpi ne, %convert_element_type3A_206, %cond3A_207 : i32
        scf.if %cond3A_208 {
          "tpu.trace_start"() <{level = 10 : i32, message = "ep_wait_in"}> : () -> ()
          %mul3A_282 = arith.constant 128 : i32
          %mul3A_283 = arith.muli %mul3A_282, %add3A_138 : i32
          %rem3A_284 = arith.constant 2 : i32
          %rem3A_285 = arith.remui %scan3A_132, %rem3A_284 : i32
          %dma_wait3A = arith.constant 0 : i32
          %dma_wait3A_286 = arith.constant 0 : i32
          %dma_wait3A_287 = tpu.memref_slice %run_scoped3A_8[%rem3A_285, %dma_wait3A, %dma_wait3A_286] : memref<2x1x128xi32, #tpu.memory_space<vmem>> -> memref<1x1x128xi32, #tpu.memory_space<vmem>>
          %dma_wait3A_288 = tpu.memref_squeeze %dma_wait3A_287 : memref<1x1x128xi32, #tpu.memory_space<vmem>> -> memref<1x128xi32, #tpu.memory_space<vmem>>
          %dma_wait3A_289 = arith.constant 0 : i32
          %dma_wait3A_290 = tpu.memref_slice %arg3[%dma_wait3A_289, %mul3A_283] : memref<1x8192xi32, #tpu.memory_space<hbm>> -> memref<1x128xi32, #tpu.memory_space<hbm>>
          %dma_wait3A_291 = tpu.memref_slice %run_scoped3A_9[%rem3A_285] : memref<2x!tpu.dma_semaphore, #tpu.memory_space<semaphore_mem>> -> memref<1x!tpu.dma_semaphore, #tpu.memory_space<semaphore_mem>>
          %dma_wait3A_292 = tpu.memref_squeeze %dma_wait3A_291 : memref<1x!tpu.dma_semaphore, #tpu.memory_space<semaphore_mem>> -> memref<!tpu.dma_semaphore, #tpu.memory_space<semaphore_mem>>
          %dma_wait3A_293 = arith.constant 0 : i32
          %dma_wait3A_294 = arith.constant 0 : i32
          %dma_wait3A_295 = tpu.memref_slice %run_scoped3A_8[%rem3A_285, %dma_wait3A_293, %dma_wait3A_294] : memref<2x1x128xi32, #tpu.memory_space<vmem>> -> memref<1x1x128xi32, #tpu.memory_space<vmem>>
          %dma_wait3A_296 = tpu.memref_squeeze %dma_wait3A_295 : memref<1x1x128xi32, #tpu.memory_space<vmem>> -> memref<1x128xi32, #tpu.memory_space<vmem>>
          %dma_wait3A_297 = arith.constant 0 : i32
          %dma_wait3A_298 = tpu.memref_slice %arg3[%dma_wait3A_297, %mul3A_283] : memref<1x8192xi32, #tpu.memory_space<hbm>> -> memref<1x128xi32, #tpu.memory_space<hbm>>
          tpu.wait_dma2 semaphore(%dma_wait3A_292 : memref<!tpu.dma_semaphore, #tpu.memory_space<semaphore_mem>>) src(%dma_wait3A_298 : memref<1x128xi32, #tpu.memory_space<hbm>>) dst(%dma_wait3A_296 : memref<1x128xi32, #tpu.memory_space<vmem>>)
          "tpu.trace_stop"() : () -> ()
        } else {
        }
        %rem3A_209 = arith.constant 2 : i32
        %rem3A_210 = arith.remui %scan3A_130, %rem3A_209 : i32
        %rem3A_211 = arith.constant 2 : i32
        %rem3A_212 = arith.remui %scan3A_132, %rem3A_211 : i32
        %run_scoped3A_213 = arith.constant 0 : i32
        "tpu.trace_start"() <{level = 10 : i32, message = "ep_run_kernel"}> : () -> ()
        "tpu.region"() ({
          %run_scoped3A_282 = tpu.sem_alloc : memref<!tpu.dma_semaphore, #tpu.memory_space<semaphore_mem>>
          %dma_start3A_283 = arith.constant 0 : i32
          %dma_start3A_284 = arith.constant 0 : i32
          %dma_start3A_285 = tpu.memref_slice %run_scoped3A[%rem3A_210, %dma_start3A_283, %dma_start3A_284] : memref<2x128x384xf32, #tpu.memory_space<vmem>> -> memref<1x128x384xf32, #tpu.memory_space<vmem>>
          %dma_start3A_286 = tpu.memref_squeeze %dma_start3A_285 : memref<1x128x384xf32, #tpu.memory_space<vmem>> -> memref<128x384xf32, #tpu.memory_space<vmem>>
          %dma_start3A_287 = arith.constant 0 : i32
          %dma_start3A_288 = arith.constant 0 : i32
          %dma_start3A_289 = tpu.memref_slice %run_scoped3A_8[%rem3A_212, %dma_start3A_287, %dma_start3A_288] : memref<2x1x128xi32, #tpu.memory_space<vmem>> -> memref<1x1x128xi32, #tpu.memory_space<vmem>>
          %dma_start3A_290 = tpu.memref_squeeze %dma_start3A_289 : memref<1x1x128xi32, #tpu.memory_space<vmem>> -> memref<1x128xi32, #tpu.memory_space<vmem>>
          %dma_start3A_291 = arith.constant 0 : i32
          %dma_start3A_292 = tpu.memref_slice %dma_start3A_290[%run_scoped3A_213, %dma_start3A_291] : memref<1x128xi32, #tpu.memory_space<vmem>> -> memref<1x128xi32, #tpu.memory_space<vmem>>
          %dma_start3A_293 = tpu.memref_squeeze %dma_start3A_292 : memref<1x128xi32, #tpu.memory_space<vmem>> -> memref<128xi32, #tpu.memory_space<vmem>>
          %dma_start3A_294 = arith.constant 0 : i32
          %dma_start3A_295 = arith.constant 0 : i32
          %dma_start3A_296 = tpu.memref_slice %arg4[%dma_start3A_294, %dma_start3A_295] : memref<8192x384xf32, #tpu.memory_space<hbm>> -> memref<8192x384xf32, #tpu.memory_space<hbm>>
          tpu.enqueue_indirect_dma source(%dma_start3A_286 : memref<128x384xf32, #tpu.memory_space<vmem>>) target(%dma_start3A_296 : memref<8192x384xf32, #tpu.memory_space<hbm>>) offsets(%dma_start3A_293 : memref<128xi32, #tpu.memory_space<vmem>>) semaphore(%run_scoped3A_282 : memref<!tpu.dma_semaphore, #tpu.memory_space<semaphore_mem>>)
          %dma_wait3A = arith.constant 0 : i32
          %dma_wait3A_297 = arith.constant 0 : i32
          %dma_wait3A_298 = tpu.memref_slice %run_scoped3A[%rem3A_210, %dma_wait3A, %dma_wait3A_297] : memref<2x128x384xf32, #tpu.memory_space<vmem>> -> memref<1x128x384xf32, #tpu.memory_space<vmem>>
          %dma_wait3A_299 = tpu.memref_squeeze %dma_wait3A_298 : memref<1x128x384xf32, #tpu.memory_space<vmem>> -> memref<128x384xf32, #tpu.memory_space<vmem>>
          %dma_wait3A_300 = arith.constant 0 : i32
          %dma_wait3A_301 = arith.constant 0 : i32
          %dma_wait3A_302 = tpu.memref_slice %run_scoped3A_8[%rem3A_212, %dma_wait3A_300, %dma_wait3A_301] : memref<2x1x128xi32, #tpu.memory_space<vmem>> -> memref<1x1x128xi32, #tpu.memory_space<vmem>>
          %dma_wait3A_303 = tpu.memref_squeeze %dma_wait3A_302 : memref<1x1x128xi32, #tpu.memory_space<vmem>> -> memref<1x128xi32, #tpu.memory_space<vmem>>
          %dma_wait3A_304 = arith.constant 0 : i32
          %dma_wait3A_305 = tpu.memref_slice %dma_wait3A_303[%run_scoped3A_213, %dma_wait3A_304] : memref<1x128xi32, #tpu.memory_space<vmem>> -> memref<1x128xi32, #tpu.memory_space<vmem>>
          %dma_wait3A_306 = tpu.memref_squeeze %dma_wait3A_305 : memref<1x128xi32, #tpu.memory_space<vmem>> -> memref<128xi32, #tpu.memory_space<vmem>>
          %dma_wait3A_307 = arith.constant 0 : i32
          %dma_wait3A_308 = arith.constant 0 : i32
          %dma_wait3A_309 = tpu.memref_slice %arg4[%dma_wait3A_307, %dma_wait3A_308] : memref<8192x384xf32, #tpu.memory_space<hbm>> -> memref<8192x384xf32, #tpu.memory_space<hbm>>
          tpu.wait_indirect_dma semaphore(%run_scoped3A_282 : memref<!tpu.dma_semaphore, #tpu.memory_space<semaphore_mem>>) src(%dma_wait3A_299 : memref<128x384xf32, #tpu.memory_space<vmem>>) dst(%dma_wait3A_309 : memref<8192x384xf32, #tpu.memory_space<hbm>>)
          tpu.yield
        }) : () -> ()
        "tpu.trace_stop"() : () -> ()
        %ne3A_214 = arith.cmpi ne, %add3A_138, %add3A_156 : i32
        %or3A_215 = arith.constant false
        %or3A_216 = arith.ori %or3A_215, %ne3A_214 : i1
        %or3A_217 = arith.constant false
        %or3A_218 = arith.ori %or3A_216, %or3A_217 : i1
        %or3A_219 = arith.ori %or3A_218, %eq3A_137 : i1
        %convert_element_type3A_220 = arith.extui %or3A_219 : i1 to i32
        %cond3A_221 = arith.constant 0 : i32
        %cond3A_222 = arith.cmpi ne, %convert_element_type3A_220, %cond3A_221 : i32
        scf.if %cond3A_222 {
        } else {
        }
        %and3A_223 = arith.constant false
        %and3A_224 = arith.andi %or3A_219, %and3A_223 : i1
        %ne3A_225 = arith.cmpi ne, %add3A_138, %add3A_156 : i32
        %or3A_226 = arith.constant false
        %or3A_227 = arith.ori %or3A_226, %ne3A_225 : i1
        %or3A_228 = arith.ori %or3A_227, %eq3A_137 : i1
        %convert_element_type3A_229 = arith.extui %or3A_228 : i1 to i32
        %cond3A_230 = arith.constant 0 : i32
        %cond3A_231 = arith.cmpi ne, %convert_element_type3A_229, %cond3A_230 : i32
        scf.if %cond3A_231 {
        } else {
        }
        %and3A_232 = arith.constant false
        %and3A_233 = arith.andi %or3A_228, %and3A_232 : i1
        %ne3A_234 = arith.cmpi ne, %add3A_138, %add3A_147 : i32
        %or3A_235 = arith.constant false
        %or3A_236 = arith.ori %or3A_235, %ne3A_234 : i1
        %or3A_237 = arith.constant false
        %or3A_238 = arith.ori %or3A_236, %or3A_237 : i1
        %not3A_239 = arith.constant true
        %not3A_240 = arith.xori %eq3A_135, %not3A_239 : i1
        %and3A_241 = arith.andi %or3A_238, %not3A_240 : i1
        %convert_element_type3A_242 = arith.extui %and3A_241 : i1 to i32
        %cond3A_243 = arith.constant 0 : i32
        %cond3A_244 = arith.cmpi ne, %convert_element_type3A_242, %cond3A_243 : i32
        scf.if %cond3A_244 {
        } else {
        }
        %and3A_245 = arith.constant false
        %and3A_246 = arith.andi %and3A_241, %and3A_245 : i1
        %ne3A_247 = arith.cmpi ne, %add3A_138, %add3A_147 : i32
        %or3A_248 = arith.constant false
        %or3A_249 = arith.ori %or3A_248, %ne3A_247 : i1
        %not3A_250 = arith.constant true
        %not3A_251 = arith.xori %eq3A_135, %not3A_250 : i1
        %and3A_252 = arith.andi %or3A_249, %not3A_251 : i1
        %convert_element_type3A_253 = arith.extui %and3A_252 : i1 to i32
        %cond3A_254 = arith.constant 0 : i32
        %cond3A_255 = arith.cmpi ne, %convert_element_type3A_253, %cond3A_254 : i32
        scf.if %cond3A_255 {
        } else {
        }
        %and3A_256 = arith.constant false
        %and3A_257 = arith.andi %and3A_252, %and3A_256 : i1
        %ne3A_258 = arith.cmpi ne, %add3A_138, %add3A_156 : i32
        %or3A_259 = arith.constant false
        %or3A_260 = arith.ori %or3A_259, %ne3A_258 : i1
        %or3A_261 = arith.constant false
        %or3A_262 = arith.ori %or3A_260, %or3A_261 : i1
        %or3A_263 = arith.ori %or3A_262, %eq3A_137 : i1
        %add3A_264 = arith.constant 1 : i32
        %add3A_265 = arith.addi %scan3A_130, %add3A_264 : i32
        %select_n3A_266 = arith.select %or3A_263, %add3A_265, %scan3A_130 : i32
        %ne3A_267 = arith.cmpi ne, %add3A_138, %add3A_156 : i32
        %or3A_268 = arith.constant false
        %or3A_269 = arith.ori %or3A_268, %ne3A_267 : i1
        %or3A_270 = arith.ori %or3A_269, %eq3A_137 : i1
        %add3A_271 = arith.constant 1 : i32
        %add3A_272 = arith.addi %scan3A_132, %add3A_271 : i32
        %select_n3A_273 = arith.select %or3A_270, %add3A_272, %scan3A_132 : i32
        %add3A_274 = arith.constant 1 : i32
        %add3A_275 = arith.addi %scan3A_133, %add3A_274 : i32
        %select_n3A_276 = arith.constant true
        %select_n3A_277 = arith.select %select_n3A_276, %add3A_275, %scan3A_133 : i32
        %eq3A_278 = arith.constant 2 : i32
        %eq3A_279 = arith.cmpi eq, %select_n3A_277, %eq3A_278 : i32
        %select_n3A_280 = arith.constant 0 : i32
        %select_n3A_281 = arith.select %eq3A_279, %select_n3A_280, %select_n3A_277 : i32
        scf.yield %select_n3A_176, %select_n3A_266, %select_n3A_192, %select_n3A_273, %select_n3A_281 : i32, i32, i32, i32, i32
      }
      %scan3A_92 = arith.constant 2 : i32
      %sub3A = arith.constant 1 : i32
      %sub3A_93 = arith.subi %scan3A_91#4, %sub3A : i32
      %select_n3A_94 = arith.constant true
      %select_n3A_95 = arith.select %select_n3A_94, %sub3A_93, %scan3A_91#4 : i32
      %eq3A_96 = arith.constant -1 : i32
      %eq3A_97 = arith.cmpi eq, %select_n3A_95, %eq3A_96 : i32
      %select_n3A_98 = arith.constant 1 : i32
      %select_n3A_99 = arith.select %eq3A_97, %select_n3A_98, %select_n3A_95 : i32
      %add3A_100 = arith.addi %select_n3A_99, %mul3A_6 : i32
      %sub3A_101 = arith.constant 1 : i32
      %sub3A_102 = arith.subi %select_n3A_99, %sub3A_101 : i32
      %select_n3A_103 = arith.constant true
      %select_n3A_104 = arith.select %select_n3A_103, %sub3A_102, %select_n3A_99 : i32
      %eq3A_105 = arith.constant -1 : i32
      %eq3A_106 = arith.cmpi eq, %select_n3A_104, %eq3A_105 : i32
      %select_n3A_107 = arith.constant 1 : i32
      %select_n3A_108 = arith.select %eq3A_106, %select_n3A_107, %select_n3A_104 : i32
      %add3A_109 = arith.addi %select_n3A_108, %mul3A_6 : i32
      %add3A_110 = arith.constant 1 : i32
      %add3A_111 = arith.addi %select_n3A_99, %add3A_110 : i32
      %select_n3A_112 = arith.constant true
      %select_n3A_113 = arith.select %select_n3A_112, %add3A_111, %select_n3A_99 : i32
      %eq3A_114 = arith.constant 2 : i32
      %eq3A_115 = arith.cmpi eq, %select_n3A_113, %eq3A_114 : i32
      %select_n3A_116 = arith.constant 0 : i32
      %select_n3A_117 = arith.select %eq3A_115, %select_n3A_116, %select_n3A_113 : i32
      %add3A_118 = arith.addi %select_n3A_117, %mul3A_6 : i32
      %add3A_119 = arith.constant 1 : i32
      %add3A_120 = arith.addi %select_n3A_117, %add3A_119 : i32
      %select_n3A_121 = arith.constant true
      %select_n3A_122 = arith.select %select_n3A_121, %add3A_120, %select_n3A_117 : i32
      %eq3A_123 = arith.constant 2 : i32
      %eq3A_124 = arith.cmpi eq, %select_n3A_122, %eq3A_123 : i32
      %select_n3A_125 = arith.constant 0 : i32
      %select_n3A_126 = arith.select %eq3A_124, %select_n3A_125, %select_n3A_122 : i32
      %add3A_127 = arith.addi %select_n3A_126, %mul3A_6 : i32
      tpu.yield
    }) : () -> ()
    return
  }
}

module attributes {stable_mosaic.version = 14 : i64} {
  func.func @_rank_kernel(%arg0: i32, %arg1: i32, %arg2: memref<1x2048x1xf32, #tpu.memory_space<vmem>>, %arg3: memref<1x1x256xf32, #tpu.memory_space<vmem>>, %arg4: memref<1x1x2048xf32, #tpu.memory_space<vmem>>, %arg5: memref<1x256x1xf32, #tpu.memory_space<vmem>>, %arg6: memref<1x1x256xi32, #tpu.memory_space<vmem>>, %arg7: memref<1x256x2xi32, #tpu.memory_space<vmem>>) attributes {dimension_semantics = [#tpu.dimension_semantics<arbitrary>, #tpu.dimension_semantics<arbitrary>], iteration_bounds = array<i64: 2, 8>, scalar_prefetch = 0 : i64, scratch_operands = 0 : i64, tpu.core_type = #tpu.core_type<tc>, window_params = [{transform_indices = @transform_0, window_bounds = array<i64: 1, 2048, 1>}, {transform_indices = @transform_1, window_bounds = array<i64: 1, 1, 256>}, {transform_indices = @transform_2, window_bounds = array<i64: 1, 1, 2048>}, {transform_indices = @transform_3, window_bounds = array<i64: 1, 256, 1>}, {transform_indices = @transform_4, window_bounds = array<i64: 1, 1, 256>}, {transform_indices = @transform_5, window_bounds = array<i64: 1, 256, 2>}]} {
    %mul3A = arith.constant 256 : i32
    %mul3A_0 = arith.muli %arg1, %mul3A : i32
    %get3A = arith.constant 0 : index
    %get3A_1 = arith.constant 0 : index
    %get3A_2 = arith.constant 0 : index
    %get3A_3 = vector.load %arg2[%get3A, %get3A_1, %get3A_2] : memref<1x2048x1xf32, #tpu.memory_space<vmem>>, vector<1x2048x1xf32>
    %get3A_4 = vector.shape_cast %get3A_3 : vector<1x2048x1xf32> to vector<2048x1xf32>
    %get3A_5 = arith.constant 0 : index
    %get3A_6 = arith.constant 0 : index
    %get3A_7 = arith.constant 0 : index
    %get3A_8 = vector.load %arg3[%get3A_5, %get3A_6, %get3A_7] : memref<1x1x256xf32, #tpu.memory_space<vmem>>, vector<1x1x256xf32>
    %get3A_9 = vector.shape_cast %get3A_8 : vector<1x1x256xf32> to vector<1x256xf32>
    %iota3A = tpu.iota {dimensions = array<i32: 0>} : vector<2048x1xi32>
    %iota3A_10 = tpu.iota {dimensions = array<i32: 1>} : vector<1x256xi32>
    %add3A = vector.broadcast %mul3A_0 : i32 to vector<1x256xi32>
    %add3A_11 = arith.addi %add3A, %iota3A_10 : vector<1x256xi32>
    %lt3A = vector.broadcast %get3A_4 : vector<2048x1xf32> to vector<2048x256xf32>
    %lt3A_12 = vector.broadcast %get3A_9 : vector<1x256xf32> to vector<2048x256xf32>
    %lt3A_13 = arith.cmpf olt, %lt3A, %lt3A_12 : vector<2048x256xf32>
    %eq3A = vector.broadcast %get3A_4 : vector<2048x1xf32> to vector<2048x256xf32>
    %eq3A_14 = vector.broadcast %get3A_9 : vector<1x256xf32> to vector<2048x256xf32>
    %eq3A_15 = arith.cmpf oeq, %eq3A, %eq3A_14 : vector<2048x256xf32>
    %lt3A_16 = vector.broadcast %iota3A : vector<2048x1xi32> to vector<2048x256xi32>
    %lt3A_17 = vector.broadcast %add3A_11 : vector<1x256xi32> to vector<2048x256xi32>
    %lt3A_18 = arith.cmpi slt, %lt3A_16, %lt3A_17 : vector<2048x256xi32>
    %and3A = arith.andi %eq3A_15, %lt3A_18 : vector<2048x256xi1>
    %or3A = arith.ori %lt3A_13, %and3A : vector<2048x256xi1>
    %convert_element_type3A = arith.extui %or3A : vector<2048x256xi1> to vector<2048x256xi32>
    %reduce_sum3A = arith.constant dense<0> : vector<256xi32>
    %reduce_sum3A_19 = vector.multi_reduction <add>, %convert_element_type3A, %reduce_sum3A [0] : vector<2048x256xi32> to vector<256xi32>
    %mul3A_20 = arith.constant 2048 : i32
    %mul3A_21 = arith.muli %arg0, %mul3A_20 : i32
    %add3A_22 = vector.broadcast %mul3A_21 : i32 to vector<256xi32>
    %add3A_23 = arith.addi %reduce_sum3A_19, %add3A_22 : vector<256xi32>
    %swap3A = arith.constant 0 : index
    %swap3A_24 = arith.constant 0 : index
    %swap3A_25 = arith.constant 0 : index
    %swap3A_26 = vector.load %arg6[%swap3A, %swap3A_24, %swap3A_25] : memref<1x1x256xi32, #tpu.memory_space<vmem>>, vector<1x1x256xi32>
    %swap3A_27 = vector.shape_cast %swap3A_26 : vector<1x1x256xi32> to vector<256xi32>
    %swap3A_28 = vector.shape_cast %add3A_23 : vector<256xi32> to vector<1x1x256xi32>
    tpu.vector_store %arg6[%swap3A, %swap3A_24, %swap3A_25], %swap3A_28 {strides = array<i32>} : memref<1x1x256xi32, #tpu.memory_space<vmem>>, vector<1x1x256xi32>,
    %get3A_29 = arith.constant 0 : index
    %get3A_30 = arith.constant 0 : index
    %get3A_31 = arith.constant 0 : index
    %get3A_32 = vector.load %arg4[%get3A_29, %get3A_30, %get3A_31] : memref<1x1x2048xf32, #tpu.memory_space<vmem>>, vector<1x1x2048xf32>
    %get3A_33 = vector.shape_cast %get3A_32 : vector<1x1x2048xf32> to vector<1x2048xf32>
    %get3A_34 = arith.constant 0 : index
    %get3A_35 = arith.constant 0 : index
    %get3A_36 = arith.constant 0 : index
    %get3A_37 = vector.load %arg5[%get3A_34, %get3A_35, %get3A_36] : memref<1x256x1xf32, #tpu.memory_space<vmem>>, vector<1x256x1xf32>
    %get3A_38 = vector.shape_cast %get3A_37 : vector<1x256x1xf32> to vector<256x1xf32>
    %iota3A_39 = tpu.iota {dimensions = array<i32: 1>} : vector<1x2048xi32>
    %iota3A_40 = tpu.iota {dimensions = array<i32: 0>} : vector<256x1xi32>
    %add3A_41 = vector.broadcast %mul3A_0 : i32 to vector<256x1xi32>
    %add3A_42 = arith.addi %add3A_41, %iota3A_40 : vector<256x1xi32>
    %lt3A_43 = vector.broadcast %get3A_33 : vector<1x2048xf32> to vector<256x2048xf32>
    %lt3A_44 = vector.broadcast %get3A_38 : vector<256x1xf32> to vector<256x2048xf32>
    %lt3A_45 = arith.cmpf olt, %lt3A_43, %lt3A_44 : vector<256x2048xf32>
    %eq3A_46 = vector.broadcast %get3A_33 : vector<1x2048xf32> to vector<256x2048xf32>
    %eq3A_47 = vector.broadcast %get3A_38 : vector<256x1xf32> to vector<256x2048xf32>
    %eq3A_48 = arith.cmpf oeq, %eq3A_46, %eq3A_47 : vector<256x2048xf32>
    %lt3A_49 = vector.broadcast %iota3A_39 : vector<1x2048xi32> to vector<256x2048xi32>
    %lt3A_50 = vector.broadcast %add3A_42 : vector<256x1xi32> to vector<256x2048xi32>
    %lt3A_51 = arith.cmpi slt, %lt3A_49, %lt3A_50 : vector<256x2048xi32>
    %and3A_52 = arith.andi %eq3A_48, %lt3A_51 : vector<256x2048xi1>
    %or3A_53 = arith.ori %lt3A_45, %and3A_52 : vector<256x2048xi1>
    %convert_element_type3A_54 = arith.extui %or3A_53 : vector<256x2048xi1> to vector<256x2048xi32>
    %reduce_sum3A_55 = arith.constant dense<0> : vector<256xi32>
    %reduce_sum3A_56 = vector.multi_reduction <add>, %convert_element_type3A_54, %reduce_sum3A_55 [1] : vector<256x2048xi32> to vector<256xi32>
    %broadcast_in_dim3A = vector.shape_cast %reduce_sum3A_56 : vector<256xi32> to vector<256x1xi32>
    %mul3A_57 = arith.constant 2048 : i32
    %mul3A_58 = arith.muli %arg0, %mul3A_57 : i32
    %add3A_59 = vector.broadcast %mul3A_58 : i32 to vector<256x1xi32>
    %add3A_60 = arith.addi %broadcast_in_dim3A, %add3A_59 : vector<256x1xi32>
    %mul3A_61 = arith.constant 2 : i32
    %mul3A_62 = vector.broadcast %mul3A_61 : i32 to vector<256x1xi32>
    %mul3A_63 = arith.muli %mul3A_62, %add3A_60 : vector<256x1xi32>
    %iota3A_64 = tpu.iota {dimensions = array<i32: 1>} : vector<256x2xi32>
    %add3A_65 = vector.broadcast %mul3A_63 : vector<256x1xi32> to vector<256x2xi32>
    %add3A_66 = arith.addi %add3A_65, %iota3A_64 : vector<256x2xi32>
    %swap3A_67 = arith.constant 0 : index
    %swap3A_68 = arith.constant 0 : index
    %swap3A_69 = arith.constant 0 : index
    %swap3A_70 = vector.load %arg7[%swap3A_67, %swap3A_68, %swap3A_69] : memref<1x256x2xi32, #tpu.memory_space<vmem>>, vector<1x256x2xi32>
    %swap3A_71 = vector.shape_cast %swap3A_70 : vector<1x256x2xi32> to vector<256x2xi32>
    %swap3A_72 = vector.shape_cast %add3A_66 : vector<256x2xi32> to vector<1x256x2xi32>
    tpu.vector_store %arg7[%swap3A_67, %swap3A_68, %swap3A_69], %swap3A_72 {strides = array<i32>} : memref<1x256x2xi32, #tpu.memory_space<vmem>>, vector<1x256x2xi32>,
    return
  }
  func.func @transform_0(%arg0: i32, %arg1: i32) -> (i32, i32, i32) {
    %c0_i32 = arith.constant 0 : i32
    %c0_i32_0 = arith.constant 0 : i32
    %c0_i32_1 = arith.constant 0 : i32
    return %arg0, %c0_i32, %c0_i32_0 : i32, i32, i32
  }
  func.func @transform_1(%arg0: i32, %arg1: i32) -> (i32, i32, i32) {
    %c0_i32 = arith.constant 0 : i32
    %c0_i32_0 = arith.constant 0 : i32
    return %arg0, %c0_i32, %arg1 : i32, i32, i32
  }
  func.func @transform_2(%arg0: i32, %arg1: i32) -> (i32, i32, i32) {
    %c0_i32 = arith.constant 0 : i32
    %c0_i32_0 = arith.constant 0 : i32
    %c0_i32_1 = arith.constant 0 : i32
    return %arg0, %c0_i32, %c0_i32_0 : i32, i32, i32
  }
  func.func @transform_3(%arg0: i32, %arg1: i32) -> (i32, i32, i32) {
    %c0_i32 = arith.constant 0 : i32
    %c0_i32_0 = arith.constant 0 : i32
    return %arg0, %arg1, %c0_i32 : i32, i32, i32
  }
  func.func @transform_4(%arg0: i32, %arg1: i32) -> (i32, i32, i32) {
    %c0_i32 = arith.constant 0 : i32
    %c0_i32_0 = arith.constant 0 : i32
    return %arg0, %c0_i32, %arg1 : i32, i32, i32
  }
  func.func @transform_5(%arg0: i32, %arg1: i32) -> (i32, i32, i32) {
    %c0_i32 = arith.constant 0 : i32
    %c0_i32_0 = arith.constant 0 : i32
    return %arg0, %arg1, %c0_i32 : i32, i32, i32
  }
}

module attributes {stable_mosaic.version = 14 : i64} {
  func.func @_mega_kernel(%arg0: i32, %arg1: memref<2xi32, #tpu.memory_space<smem>>, %arg2: memref<1x2048x768xf32, #tpu.memory_space<vmem>>, %arg3: memref<768x768xf32, #tpu.memory_space<vmem>>, %arg4: memref<1x768xf32, #tpu.memory_space<vmem>>, %arg5: memref<768x1536xf32, #tpu.memory_space<vmem>>, %arg6: memref<1x1536xf32, #tpu.memory_space<vmem>>, %arg7: memref<1x1x2048xi32, #tpu.memory_space<vmem>>, %arg8: memref<1x1x2048xf32, #tpu.memory_space<vmem>>, %arg9: memref<768x768xf32, #tpu.memory_space<vmem>>, %arg10: memref<1x768xf32, #tpu.memory_space<vmem>>, %arg11: memref<1x2048x768xf32, #tpu.memory_space<vmem>>, %arg12: memref<2048x1536xf32, #tpu.memory_space<vmem>>, %arg13: memref<2048x1xf32, #tpu.memory_space<vmem>>) attributes {dimension_semantics = [#tpu.dimension_semantics<arbitrary>], iteration_bounds = array<i64: 2>, scalar_prefetch = 1 : i64, scratch_operands = 2 : i64, tpu.core_type = #tpu.core_type<tc>, window_params = [{transform_indices = @transform_0, window_bounds = array<i64: 1, 2048, 768>}, {pipeline_mode = #tpu.pipeline_mode<synchronous>, transform_indices = @transform_1, window_bounds = array<i64: 768, 768>}, {pipeline_mode = #tpu.pipeline_mode<synchronous>, transform_indices = @transform_2, window_bounds = array<i64: 1, 768>}, {pipeline_mode = #tpu.pipeline_mode<synchronous>, transform_indices = @transform_3, window_bounds = array<i64: 768, 1536>}, {pipeline_mode = #tpu.pipeline_mode<synchronous>, transform_indices = @transform_4, window_bounds = array<i64: 1, 1536>}, {transform_indices = @transform_5, window_bounds = array<i64: 1, 1, 2048>}, {transform_indices = @transform_6, window_bounds = array<i64: 1, 1, 2048>}, {pipeline_mode = #tpu.pipeline_mode<synchronous>, transform_indices = @transform_7, window_bounds = array<i64: 768, 768>}, {pipeline_mode = #tpu.pipeline_mode<synchronous>, transform_indices = @transform_8, window_bounds = array<i64: 1, 768>}, {transform_indices = @transform_9, window_bounds = array<i64: 1, 2048, 768>}]} {
    %get3A = arith.index_cast %arg0 : i32 to index
    %get3A_0 = memref.load %arg1[%get3A] : memref<2xi32, #tpu.memory_space<smem>>
    %get3A_1 = arith.constant 0 : index
    %get3A_2 = arith.constant 0 : index
    %get3A_3 = arith.constant 0 : index
    %get3A_4 = vector.load %arg2[%get3A_1, %get3A_2, %get3A_3] : memref<1x2048x768xf32, #tpu.memory_space<vmem>>, vector<1x2048x768xf32>
    %get3A_5 = vector.shape_cast %get3A_4 : vector<1x2048x768xf32> to vector<2048x768xf32>
    %get3A_6 = arith.constant 0 : index
    %get3A_7 = arith.constant 0 : index
    %get3A_8 = vector.load %arg5[%get3A_6, %get3A_7] : memref<768x1536xf32, #tpu.memory_space<vmem>>, vector<768x1536xf32>
    %dot_general3A = arith.constant dense<0.000000e+00> : vector<2048x1536xf32>
    %dot_general3A_9 = tpu.matmul %get3A_5, %get3A_8, %dot_general3A {dimension_numbers = #tpu.dot_dimension_numbers<[1], [0], [0], [1], [0, 0, 1, 1], [], []>, transpose_lhs_hint = false} : vector<2048x768xf32>, vector<768x1536xf32>, vector<2048x1536xf32> -> vector<2048x1536xf32>
    %get3A_10 = arith.constant 0 : index
    %get3A_11 = arith.constant 0 : index
    %get3A_12 = vector.load %arg6[%get3A_10, %get3A_11] : memref<1x1536xf32, #tpu.memory_space<vmem>>, vector<1x1536xf32>
    %get3A_13 = vector.shape_cast %get3A_12 : vector<1x1536xf32> to vector<1536xf32>
    %broadcast_in_dim3A = vector.shape_cast %get3A_13 : vector<1536xf32> to vector<1x1536xf32>
    %add3A = vector.broadcast %broadcast_in_dim3A : vector<1x1536xf32> to vector<2048x1536xf32>
    %add3A_14 = arith.addf %dot_general3A_9, %add3A : vector<2048x1536xf32>
    %swap3A = arith.constant 0 : index
    %swap3A_15 = arith.constant 0 : index
    %swap3A_16 = vector.load %arg12[%swap3A, %swap3A_15] : memref<2048x1536xf32, #tpu.memory_space<vmem>>, vector<2048x1536xf32>
    tpu.vector_store %arg12[%swap3A, %swap3A_15], %add3A_14 {strides = array<i32>} : memref<2048x1536xf32, #tpu.memory_space<vmem>>, vector<2048x1536xf32>,
    %get3A_17 = arith.constant 0 : index
    %get3A_18 = arith.constant 0 : index
    %get3A_19 = arith.constant 0 : index
    %get3A_20 = vector.load %arg7[%get3A_17, %get3A_18, %get3A_19] : memref<1x1x2048xi32, #tpu.memory_space<vmem>>, vector<1x1x2048xi32>
    %get3A_21 = vector.shape_cast %get3A_20 : vector<1x1x2048xi32> to vector<1x2048xi32>
    %get3A_22 = arith.constant 0 : index
    %get3A_23 = arith.constant 0 : index
    %get3A_24 = arith.constant 0 : index
    %get3A_25 = vector.load %arg8[%get3A_22, %get3A_23, %get3A_24] : memref<1x1x2048xf32, #tpu.memory_space<vmem>>, vector<1x1x2048xf32>
    %get3A_26 = vector.shape_cast %get3A_25 : vector<1x1x2048xf32> to vector<1x2048xf32>
    %mul3A = arith.constant 2048 : i32
    %mul3A_27 = arith.muli %arg0, %mul3A : i32
    %add3A_28 = arith.constant 0 : i32
    %add3A_29 = arith.addi %mul3A_27, %add3A_28 : i32
    %iota3A = tpu.iota {dimensions = array<i32: 0>} : vector<256x1xi32>
    %add3A_30 = vector.broadcast %add3A_29 : i32 to vector<256x1xi32>
    %add3A_31 = arith.addi %add3A_30, %iota3A : vector<256x1xi32>
    %eq3A = vector.broadcast %get3A_21 : vector<1x2048xi32> to vector<256x2048xi32>
    %eq3A_32 = vector.broadcast %add3A_31 : vector<256x1xi32> to vector<256x2048xi32>
    %eq3A_33 = arith.cmpi eq, %eq3A, %eq3A_32 : vector<256x2048xi32>
    %jit3A = arith.constant 0.000000e+00 : f32
    %broadcast_in_dim3A_34 = vector.shape_cast %get3A_26 : vector<1x2048xf32> to vector<1x2048xf32>
    %broadcast_in_dim3A_35 = vector.broadcast %broadcast_in_dim3A_34 : vector<1x2048xf32> to vector<256x2048xf32>
    %broadcast_in_dim3A_36 = vector.broadcast %jit3A : f32 to vector<256x2048xf32>
    %select_n3A = arith.select %eq3A_33, %broadcast_in_dim3A_35, %broadcast_in_dim3A_36 : vector<256x2048xi1>, vector<256x2048xf32>
    %reduce_sum3A = arith.constant dense<0.000000e+00> : vector<256xf32>
    %reduce_sum3A_37 = vector.multi_reduction <add>, %select_n3A, %reduce_sum3A [1] : vector<256x2048xf32> to vector<256xf32>
    %broadcast_in_dim3A_38 = vector.shape_cast %reduce_sum3A_37 : vector<256xf32> to vector<256x1xf32>
    %swap3A_39 = arith.constant 0 : index
    %swap3A_40 = arith.constant 0 : index
    %swap3A_41 = vector.load %arg13[%swap3A_39, %swap3A_40] : memref<2048x1xf32, #tpu.memory_space<vmem>>, vector<256x1xf32>
    tpu.vector_store %arg13[%swap3A_39, %swap3A_40], %broadcast_in_dim3A_38 {strides = array<i32>} : memref<2048x1xf32, #tpu.memory_space<vmem>>, vector<256x1xf32>,
    %mul3A_42 = arith.constant 2048 : i32
    %mul3A_43 = arith.muli %arg0, %mul3A_42 : i32
    %add3A_44 = arith.constant 256 : i32
    %add3A_45 = arith.addi %mul3A_43, %add3A_44 : i32
    %iota3A_46 = tpu.iota {dimensions = array<i32: 0>} : vector<256x1xi32>
    %add3A_47 = vector.broadcast %add3A_45 : i32 to vector<256x1xi32>
    %add3A_48 = arith.addi %add3A_47, %iota3A_46 : vector<256x1xi32>
    %eq3A_49 = vector.broadcast %get3A_21 : vector<1x2048xi32> to vector<256x2048xi32>
    %eq3A_50 = vector.broadcast %add3A_48 : vector<256x1xi32> to vector<256x2048xi32>
    %eq3A_51 = arith.cmpi eq, %eq3A_49, %eq3A_50 : vector<256x2048xi32>
    %jit3A_52 = arith.constant 0.000000e+00 : f32
    %broadcast_in_dim3A_53 = vector.shape_cast %get3A_26 : vector<1x2048xf32> to vector<1x2048xf32>
    %broadcast_in_dim3A_54 = vector.broadcast %broadcast_in_dim3A_53 : vector<1x2048xf32> to vector<256x2048xf32>
    %broadcast_in_dim3A_55 = vector.broadcast %jit3A_52 : f32 to vector<256x2048xf32>
    %select_n3A_56 = arith.select %eq3A_51, %broadcast_in_dim3A_54, %broadcast_in_dim3A_55 : vector<256x2048xi1>, vector<256x2048xf32>
    %reduce_sum3A_57 = arith.constant dense<0.000000e+00> : vector<256xf32>
    %reduce_sum3A_58 = vector.multi_reduction <add>, %select_n3A_56, %reduce_sum3A_57 [1] : vector<256x2048xf32> to vector<256xf32>
    %broadcast_in_dim3A_59 = vector.shape_cast %reduce_sum3A_58 : vector<256xf32> to vector<256x1xf32>
    %swap3A_60 = arith.constant 256 : index
    %swap3A_61 = arith.constant 0 : index
    %swap3A_62 = vector.load %arg13[%swap3A_60, %swap3A_61] : memref<2048x1xf32, #tpu.memory_space<vmem>>, vector<256x1xf32>
    tpu.vector_store %arg13[%swap3A_60, %swap3A_61], %broadcast_in_dim3A_59 {strides = array<i32>} : memref<2048x1xf32, #tpu.memory_space<vmem>>, vector<256x1xf32>,
    %mul3A_63 = arith.constant 2048 : i32
    %mul3A_64 = arith.muli %arg0, %mul3A_63 : i32
    %add3A_65 = arith.constant 512 : i32
    %add3A_66 = arith.addi %mul3A_64, %add3A_65 : i32
    %iota3A_67 = tpu.iota {dimensions = array<i32: 0>} : vector<256x1xi32>
    %add3A_68 = vector.broadcast %add3A_66 : i32 to vector<256x1xi32>
    %add3A_69 = arith.addi %add3A_68, %iota3A_67 : vector<256x1xi32>
    %eq3A_70 = vector.broadcast %get3A_21 : vector<1x2048xi32> to vector<256x2048xi32>
    %eq3A_71 = vector.broadcast %add3A_69 : vector<256x1xi32> to vector<256x2048xi32>
    %eq3A_72 = arith.cmpi eq, %eq3A_70, %eq3A_71 : vector<256x2048xi32>
    %jit3A_73 = arith.constant 0.000000e+00 : f32
    %broadcast_in_dim3A_74 = vector.shape_cast %get3A_26 : vector<1x2048xf32> to vector<1x2048xf32>
    %broadcast_in_dim3A_75 = vector.broadcast %broadcast_in_dim3A_74 : vector<1x2048xf32> to vector<256x2048xf32>
    %broadcast_in_dim3A_76 = vector.broadcast %jit3A_73 : f32 to vector<256x2048xf32>
    %select_n3A_77 = arith.select %eq3A_72, %broadcast_in_dim3A_75, %broadcast_in_dim3A_76 : vector<256x2048xi1>, vector<256x2048xf32>
    %reduce_sum3A_78 = arith.constant dense<0.000000e+00> : vector<256xf32>
    %reduce_sum3A_79 = vector.multi_reduction <add>, %select_n3A_77, %reduce_sum3A_78 [1] : vector<256x2048xf32> to vector<256xf32>
    %broadcast_in_dim3A_80 = vector.shape_cast %reduce_sum3A_79 : vector<256xf32> to vector<256x1xf32>
    %swap3A_81 = arith.constant 512 : index
    %swap3A_82 = arith.constant 0 : index
    %swap3A_83 = vector.load %arg13[%swap3A_81, %swap3A_82] : memref<2048x1xf32, #tpu.memory_space<vmem>>, vector<256x1xf32>
    tpu.vector_store %arg13[%swap3A_81, %swap3A_82], %broadcast_in_dim3A_80 {strides = array<i32>} : memref<2048x1xf32, #tpu.memory_space<vmem>>, vector<256x1xf32>,
    %mul3A_84 = arith.constant 2048 : i32
    %mul3A_85 = arith.muli %arg0, %mul3A_84 : i32
    %add3A_86 = arith.constant 768 : i32
    %add3A_87 = arith.addi %mul3A_85, %add3A_86 : i32
    %iota3A_88 = tpu.iota {dimensions = array<i32: 0>} : vector<256x1xi32>
    %add3A_89 = vector.broadcast %add3A_87 : i32 to vector<256x1xi32>
    %add3A_90 = arith.addi %add3A_89, %iota3A_88 : vector<256x1xi32>
    %eq3A_91 = vector.broadcast %get3A_21 : vector<1x2048xi32> to vector<256x2048xi32>
    %eq3A_92 = vector.broadcast %add3A_90 : vector<256x1xi32> to vector<256x2048xi32>
    %eq3A_93 = arith.cmpi eq, %eq3A_91, %eq3A_92 : vector<256x2048xi32>
    %jit3A_94 = arith.constant 0.000000e+00 : f32
    %broadcast_in_dim3A_95 = vector.shape_cast %get3A_26 : vector<1x2048xf32> to vector<1x2048xf32>
    %broadcast_in_dim3A_96 = vector.broadcast %broadcast_in_dim3A_95 : vector<1x2048xf32> to vector<256x2048xf32>
    %broadcast_in_dim3A_97 = vector.broadcast %jit3A_94 : f32 to vector<256x2048xf32>
    %select_n3A_98 = arith.select %eq3A_93, %broadcast_in_dim3A_96, %broadcast_in_dim3A_97 : vector<256x2048xi1>, vector<256x2048xf32>
    %reduce_sum3A_99 = arith.constant dense<0.000000e+00> : vector<256xf32>
    %reduce_sum3A_100 = vector.multi_reduction <add>, %select_n3A_98, %reduce_sum3A_99 [1] : vector<256x2048xf32> to vector<256xf32>
    %broadcast_in_dim3A_101 = vector.shape_cast %reduce_sum3A_100 : vector<256xf32> to vector<256x1xf32>
    %swap3A_102 = arith.constant 768 : index
    %swap3A_103 = arith.constant 0 : index
    %swap3A_104 = vector.load %arg13[%swap3A_102, %swap3A_103] : memref<2048x1xf32, #tpu.memory_space<vmem>>, vector<256x1xf32>
    tpu.vector_store %arg13[%swap3A_102, %swap3A_103], %broadcast_in_dim3A_101 {strides = array<i32>} : memref<2048x1xf32, #tpu.memory_space<vmem>>, vector<256x1xf32>,
    %mul3A_105 = arith.constant 2048 : i32
    %mul3A_106 = arith.muli %arg0, %mul3A_105 : i32
    %add3A_107 = arith.constant 1024 : i32
    %add3A_108 = arith.addi %mul3A_106, %add3A_107 : i32
    %iota3A_109 = tpu.iota {dimensions = array<i32: 0>} : vector<256x1xi32>
    %add3A_110 = vector.broadcast %add3A_108 : i32 to vector<256x1xi32>
    %add3A_111 = arith.addi %add3A_110, %iota3A_109 : vector<256x1xi32>
    %eq3A_112 = vector.broadcast %get3A_21 : vector<1x2048xi32> to vector<256x2048xi32>
    %eq3A_113 = vector.broadcast %add3A_111 : vector<256x1xi32> to vector<256x2048xi32>
    %eq3A_114 = arith.cmpi eq, %eq3A_112, %eq3A_113 : vector<256x2048xi32>
    %jit3A_115 = arith.constant 0.000000e+00 : f32
    %broadcast_in_dim3A_116 = vector.shape_cast %get3A_26 : vector<1x2048xf32> to vector<1x2048xf32>
    %broadcast_in_dim3A_117 = vector.broadcast %broadcast_in_dim3A_116 : vector<1x2048xf32> to vector<256x2048xf32>
    %broadcast_in_dim3A_118 = vector.broadcast %jit3A_115 : f32 to vector<256x2048xf32>
    %select_n3A_119 = arith.select %eq3A_114, %broadcast_in_dim3A_117, %broadcast_in_dim3A_118 : vector<256x2048xi1>, vector<256x2048xf32>
    %reduce_sum3A_120 = arith.constant dense<0.000000e+00> : vector<256xf32>
    %reduce_sum3A_121 = vector.multi_reduction <add>, %select_n3A_119, %reduce_sum3A_120 [1] : vector<256x2048xf32> to vector<256xf32>
    %broadcast_in_dim3A_122 = vector.shape_cast %reduce_sum3A_121 : vector<256xf32> to vector<256x1xf32>
    %swap3A_123 = arith.constant 1024 : index
    %swap3A_124 = arith.constant 0 : index
    %swap3A_125 = vector.load %arg13[%swap3A_123, %swap3A_124] : memref<2048x1xf32, #tpu.memory_space<vmem>>, vector<256x1xf32>
    tpu.vector_store %arg13[%swap3A_123, %swap3A_124], %broadcast_in_dim3A_122 {strides = array<i32>} : memref<2048x1xf32, #tpu.memory_space<vmem>>, vector<256x1xf32>,
    %mul3A_126 = arith.constant 2048 : i32
    %mul3A_127 = arith.muli %arg0, %mul3A_126 : i32
    %add3A_128 = arith.constant 1280 : i32
    %add3A_129 = arith.addi %mul3A_127, %add3A_128 : i32
    %iota3A_130 = tpu.iota {dimensions = array<i32: 0>} : vector<256x1xi32>
    %add3A_131 = vector.broadcast %add3A_129 : i32 to vector<256x1xi32>
    %add3A_132 = arith.addi %add3A_131, %iota3A_130 : vector<256x1xi32>
    %eq3A_133 = vector.broadcast %get3A_21 : vector<1x2048xi32> to vector<256x2048xi32>
    %eq3A_134 = vector.broadcast %add3A_132 : vector<256x1xi32> to vector<256x2048xi32>
    %eq3A_135 = arith.cmpi eq, %eq3A_133, %eq3A_134 : vector<256x2048xi32>
    %jit3A_136 = arith.constant 0.000000e+00 : f32
    %broadcast_in_dim3A_137 = vector.shape_cast %get3A_26 : vector<1x2048xf32> to vector<1x2048xf32>
    %broadcast_in_dim3A_138 = vector.broadcast %broadcast_in_dim3A_137 : vector<1x2048xf32> to vector<256x2048xf32>
    %broadcast_in_dim3A_139 = vector.broadcast %jit3A_136 : f32 to vector<256x2048xf32>
    %select_n3A_140 = arith.select %eq3A_135, %broadcast_in_dim3A_138, %broadcast_in_dim3A_139 : vector<256x2048xi1>, vector<256x2048xf32>
    %reduce_sum3A_141 = arith.constant dense<0.000000e+00> : vector<256xf32>
    %reduce_sum3A_142 = vector.multi_reduction <add>, %select_n3A_140, %reduce_sum3A_141 [1] : vector<256x2048xf32> to vector<256xf32>
    %broadcast_in_dim3A_143 = vector.shape_cast %reduce_sum3A_142 : vector<256xf32> to vector<256x1xf32>
    %swap3A_144 = arith.constant 1280 : index
    %swap3A_145 = arith.constant 0 : index
    %swap3A_146 = vector.load %arg13[%swap3A_144, %swap3A_145] : memref<2048x1xf32, #tpu.memory_space<vmem>>, vector<256x1xf32>
    tpu.vector_store %arg13[%swap3A_144, %swap3A_145], %broadcast_in_dim3A_143 {strides = array<i32>} : memref<2048x1xf32, #tpu.memory_space<vmem>>, vector<256x1xf32>,
    %mul3A_147 = arith.constant 2048 : i32
    %mul3A_148 = arith.muli %arg0, %mul3A_147 : i32
    %add3A_149 = arith.constant 1536 : i32
    %add3A_150 = arith.addi %mul3A_148, %add3A_149 : i32
    %iota3A_151 = tpu.iota {dimensions = array<i32: 0>} : vector<256x1xi32>
    %add3A_152 = vector.broadcast %add3A_150 : i32 to vector<256x1xi32>
    %add3A_153 = arith.addi %add3A_152, %iota3A_151 : vector<256x1xi32>
    %eq3A_154 = vector.broadcast %get3A_21 : vector<1x2048xi32> to vector<256x2048xi32>
    %eq3A_155 = vector.broadcast %add3A_153 : vector<256x1xi32> to vector<256x2048xi32>
    %eq3A_156 = arith.cmpi eq, %eq3A_154, %eq3A_155 : vector<256x2048xi32>
    %jit3A_157 = arith.constant 0.000000e+00 : f32
    %broadcast_in_dim3A_158 = vector.shape_cast %get3A_26 : vector<1x2048xf32> to vector<1x2048xf32>
    %broadcast_in_dim3A_159 = vector.broadcast %broadcast_in_dim3A_158 : vector<1x2048xf32> to vector<256x2048xf32>
    %broadcast_in_dim3A_160 = vector.broadcast %jit3A_157 : f32 to vector<256x2048xf32>
    %select_n3A_161 = arith.select %eq3A_156, %broadcast_in_dim3A_159, %broadcast_in_dim3A_160 : vector<256x2048xi1>, vector<256x2048xf32>
    %reduce_sum3A_162 = arith.constant dense<0.000000e+00> : vector<256xf32>
    %reduce_sum3A_163 = vector.multi_reduction <add>, %select_n3A_161, %reduce_sum3A_162 [1] : vector<256x2048xf32> to vector<256xf32>
    %broadcast_in_dim3A_164 = vector.shape_cast %reduce_sum3A_163 : vector<256xf32> to vector<256x1xf32>
    %swap3A_165 = arith.constant 1536 : index
    %swap3A_166 = arith.constant 0 : index
    %swap3A_167 = vector.load %arg13[%swap3A_165, %swap3A_166] : memref<2048x1xf32, #tpu.memory_space<vmem>>, vector<256x1xf32>
    tpu.vector_store %arg13[%swap3A_165, %swap3A_166], %broadcast_in_dim3A_164 {strides = array<i32>} : memref<2048x1xf32, #tpu.memory_space<vmem>>, vector<256x1xf32>,
    %mul3A_168 = arith.constant 2048 : i32
    %mul3A_169 = arith.muli %arg0, %mul3A_168 : i32
    %add3A_170 = arith.constant 1792 : i32
    %add3A_171 = arith.addi %mul3A_169, %add3A_170 : i32
    %iota3A_172 = tpu.iota {dimensions = array<i32: 0>} : vector<256x1xi32>
    %add3A_173 = vector.broadcast %add3A_171 : i32 to vector<256x1xi32>
    %add3A_174 = arith.addi %add3A_173, %iota3A_172 : vector<256x1xi32>
    %eq3A_175 = vector.broadcast %get3A_21 : vector<1x2048xi32> to vector<256x2048xi32>
    %eq3A_176 = vector.broadcast %add3A_174 : vector<256x1xi32> to vector<256x2048xi32>
    %eq3A_177 = arith.cmpi eq, %eq3A_175, %eq3A_176 : vector<256x2048xi32>
    %jit3A_178 = arith.constant 0.000000e+00 : f32
    %broadcast_in_dim3A_179 = vector.shape_cast %get3A_26 : vector<1x2048xf32> to vector<1x2048xf32>
    %broadcast_in_dim3A_180 = vector.broadcast %broadcast_in_dim3A_179 : vector<1x2048xf32> to vector<256x2048xf32>
    %broadcast_in_dim3A_181 = vector.broadcast %jit3A_178 : f32 to vector<256x2048xf32>
    %select_n3A_182 = arith.select %eq3A_177, %broadcast_in_dim3A_180, %broadcast_in_dim3A_181 : vector<256x2048xi1>, vector<256x2048xf32>
    %reduce_sum3A_183 = arith.constant dense<0.000000e+00> : vector<256xf32>
    %reduce_sum3A_184 = vector.multi_reduction <add>, %select_n3A_182, %reduce_sum3A_183 [1] : vector<256x2048xf32> to vector<256xf32>
    %broadcast_in_dim3A_185 = vector.shape_cast %reduce_sum3A_184 : vector<256xf32> to vector<256x1xf32>
    %swap3A_186 = arith.constant 1792 : index
    %swap3A_187 = arith.constant 0 : index
    %swap3A_188 = vector.load %arg13[%swap3A_186, %swap3A_187] : memref<2048x1xf32, #tpu.memory_space<vmem>>, vector<256x1xf32>
    tpu.vector_store %arg13[%swap3A_186, %swap3A_187], %broadcast_in_dim3A_185 {strides = array<i32>} : memref<2048x1xf32, #tpu.memory_space<vmem>>, vector<256x1xf32>,
    %jit3A_189 = arith.constant 8 : i32
    %div3A = arith.divsi %get3A_0, %jit3A_189 : i32
    %sign3A = arith.constant 0 : i32
    %sign3A_190 = arith.cmpi sgt, %get3A_0, %sign3A : i32
    %sign3A_191 = arith.extui %sign3A_190 : i1 to i32
    %sign3A_192 = arith.constant 0 : i32
    %sign3A_193 = arith.cmpi slt, %get3A_0, %sign3A_192 : i32
    %sign3A_194 = arith.extui %sign3A_193 : i1 to i32
    %sign3A_195 = arith.subi %sign3A_191, %sign3A_194 : i32
    %sign3A_196 = arith.constant 0 : i32
    %sign3A_197 = arith.cmpi sgt, %jit3A_189, %sign3A_196 : i32
    %sign3A_198 = arith.extui %sign3A_197 : i1 to i32
    %sign3A_199 = arith.constant 0 : i32
    %sign3A_200 = arith.cmpi slt, %jit3A_189, %sign3A_199 : i32
    %sign3A_201 = arith.extui %sign3A_200 : i1 to i32
    %sign3A_202 = arith.subi %sign3A_198, %sign3A_201 : i32
    %ne3A = arith.cmpi ne, %sign3A_195, %sign3A_202 : i32
    %rem3A = arith.remsi %get3A_0, %jit3A_189 : i32
    %ne3A_203 = arith.constant 0 : i32
    %ne3A_204 = arith.cmpi ne, %rem3A, %ne3A_203 : i32
    %and3A = arith.andi %ne3A, %ne3A_204 : i1
    %sub3A = arith.constant 1 : i32
    %sub3A_205 = arith.subi %div3A, %sub3A : i32
    %select_n3A_206 = arith.select %and3A, %sub3A_205, %div3A : i32
    %mul3A_207 = arith.constant 8 : i32
    %mul3A_208 = arith.muli %select_n3A_206, %mul3A_207 : i32
    %multiple_of3A = tpu.assume_multiple %mul3A_208, 8 : i32
    %get3A_209 = arith.index_cast %multiple_of3A : i32 to index
    %get3A_210 = arith.constant 0 : index
    %get3A_211 = vector.load %arg13[%get3A_209, %get3A_210] : memref<2048x1xf32, #tpu.memory_space<vmem>>, vector<8x1xf32>
    %iota3A_212 = tpu.iota {dimensions = array<i32: 0>} : vector<8x1xi32>
    %sub3A_213 = arith.subi %get3A_0, %multiple_of3A : i32
    %eq3A_214 = vector.broadcast %sub3A_213 : i32 to vector<8x1xi32>
    %eq3A_215 = arith.cmpi eq, %iota3A_212, %eq3A_214 : vector<8x1xi32>
    %jit3A_216 = arith.constant 0.000000e+00 : f32
    %broadcast_in_dim3A_217 = vector.broadcast %jit3A_216 : f32 to vector<8x1xf32>
    %select_n3A_218 = arith.select %eq3A_215, %get3A_211, %broadcast_in_dim3A_217 : vector<8x1xi1>, vector<8x1xf32>
    %reduce_sum3A_219 = arith.constant dense<0.000000e+00> : vector<1xf32>
    %reduce_sum3A_220 = vector.multi_reduction <add>, %select_n3A_218, %reduce_sum3A_219 [0] : vector<8x1xf32> to vector<1xf32>
    %broadcast_in_dim3A_221 = vector.shape_cast %reduce_sum3A_220 : vector<1xf32> to vector<1x1xf32>
    %broadcast_in_dim3A_222 = arith.constant 1.000000e+00 : f32
    %broadcast_in_dim3A_223 = vector.broadcast %broadcast_in_dim3A_222 : f32 to vector<1x1xf32>
    %mul3A_224 = arith.mulf %broadcast_in_dim3A_221, %broadcast_in_dim3A_221 : vector<1x1xf32>
    %concatenate3A = tpu.concatenate %broadcast_in_dim3A_223, %broadcast_in_dim3A_221, %mul3A_224 in 1 : vector<1x1xf32>, vector<1x1xf32>, vector<1x1xf32> -> vector<1x3xf32>
    %jit3A_225 = arith.constant 8 : i32
    %div3A_226 = arith.divsi %get3A_0, %jit3A_225 : i32
    %sign3A_227 = arith.constant 0 : i32
    %sign3A_228 = arith.cmpi sgt, %get3A_0, %sign3A_227 : i32
    %sign3A_229 = arith.extui %sign3A_228 : i1 to i32
    %sign3A_230 = arith.constant 0 : i32
    %sign3A_231 = arith.cmpi slt, %get3A_0, %sign3A_230 : i32
    %sign3A_232 = arith.extui %sign3A_231 : i1 to i32
    %sign3A_233 = arith.subi %sign3A_229, %sign3A_232 : i32
    %sign3A_234 = arith.constant 0 : i32
    %sign3A_235 = arith.cmpi sgt, %jit3A_225, %sign3A_234 : i32
    %sign3A_236 = arith.extui %sign3A_235 : i1 to i32
    %sign3A_237 = arith.constant 0 : i32
    %sign3A_238 = arith.cmpi slt, %jit3A_225, %sign3A_237 : i32
    %sign3A_239 = arith.extui %sign3A_238 : i1 to i32
    %sign3A_240 = arith.subi %sign3A_236, %sign3A_239 : i32
    %ne3A_241 = arith.cmpi ne, %sign3A_233, %sign3A_240 : i32
    %rem3A_242 = arith.remsi %get3A_0, %jit3A_225 : i32
    %ne3A_243 = arith.constant 0 : i32
    %ne3A_244 = arith.cmpi ne, %rem3A_242, %ne3A_243 : i32
    %and3A_245 = arith.andi %ne3A_241, %ne3A_244 : i1
    %sub3A_246 = arith.constant 1 : i32
    %sub3A_247 = arith.subi %div3A_226, %sub3A_246 : i32
    %select_n3A_248 = arith.select %and3A_245, %sub3A_247, %div3A_226 : i32
    %mul3A_249 = arith.constant 8 : i32
    %mul3A_250 = arith.muli %select_n3A_248, %mul3A_249 : i32
    %multiple_of3A_251 = tpu.assume_multiple %mul3A_250, 8 : i32
    %get3A_252 = arith.index_cast %multiple_of3A_251 : i32 to index
    %get3A_253 = arith.constant 0 : index
    %get3A_254 = vector.load %arg12[%get3A_252, %get3A_253] : memref<2048x1536xf32, #tpu.memory_space<vmem>>, vector<8x1536xf32>
    %iota3A_255 = tpu.iota {dimensions = array<i32: 0>} : vector<8x1xi32>
    %sub3A_256 = arith.subi %get3A_0, %multiple_of3A_251 : i32
    %eq3A_257 = vector.broadcast %sub3A_256 : i32 to vector<8x1xi32>
    %eq3A_258 = arith.cmpi eq, %iota3A_255, %eq3A_257 : vector<8x1xi32>
    %jit3A_259 = arith.constant 0.000000e+00 : f32
    %broadcast_in_dim3A_260 = vector.shape_cast %eq3A_258 : vector<8x1xi1> to vector<8x1xi1>
    %broadcast_in_dim3A_261 = vector.broadcast %broadcast_in_dim3A_260 : vector<8x1xi1> to vector<8x1536xi1>
    %broadcast_in_dim3A_262 = vector.broadcast %jit3A_259 : f32 to vector<8x1536xf32>
    %select_n3A_263 = arith.select %broadcast_in_dim3A_261, %get3A_254, %broadcast_in_dim3A_262 : vector<8x1536xi1>, vector<8x1536xf32>
    %reduce_sum3A_264 = arith.constant dense<0.000000e+00> : vector<1536xf32>
    %reduce_sum3A_265 = vector.multi_reduction <add>, %select_n3A_263, %reduce_sum3A_264 [0] : vector<8x1536xf32> to vector<1536xf32>
    %broadcast_in_dim3A_266 = vector.shape_cast %reduce_sum3A_265 : vector<1536xf32> to vector<1x1536xf32>
    %slice3A = vector.extract_strided_slice %broadcast_in_dim3A_266 {offsets = [0, 0], sizes = [1, 768], strides = [1, 1]} : vector<1x1536xf32> to vector<1x768xf32>
    %slice3A_267 = vector.extract_strided_slice %broadcast_in_dim3A_266 {offsets = [0, 768], sizes = [1, 768], strides = [1, 1]} : vector<1x1536xf32> to vector<1x768xf32>
    %jit3A_268 = arith.constant 8 : i32
    %div3A_269 = arith.divsi %get3A_0, %jit3A_268 : i32
    %sign3A_270 = arith.constant 0 : i32
    %sign3A_271 = arith.cmpi sgt, %get3A_0, %sign3A_270 : i32
    %sign3A_272 = arith.extui %sign3A_271 : i1 to i32
    %sign3A_273 = arith.constant 0 : i32
    %sign3A_274 = arith.cmpi slt, %get3A_0, %sign3A_273 : i32
    %sign3A_275 = arith.extui %sign3A_274 : i1 to i32
    %sign3A_276 = arith.subi %sign3A_272, %sign3A_275 : i32
    %sign3A_277 = arith.constant 0 : i32
    %sign3A_278 = arith.cmpi sgt, %jit3A_268, %sign3A_277 : i32
    %sign3A_279 = arith.extui %sign3A_278 : i1 to i32
    %sign3A_280 = arith.constant 0 : i32
    %sign3A_281 = arith.cmpi slt, %jit3A_268, %sign3A_280 : i32
    %sign3A_282 = arith.extui %sign3A_281 : i1 to i32
    %sign3A_283 = arith.subi %sign3A_279, %sign3A_282 : i32
    %ne3A_284 = arith.cmpi ne, %sign3A_276, %sign3A_283 : i32
    %rem3A_285 = arith.remsi %get3A_0, %jit3A_268 : i32
    %ne3A_286 = arith.constant 0 : i32
    %ne3A_287 = arith.cmpi ne, %rem3A_285, %ne3A_286 : i32
    %and3A_288 = arith.andi %ne3A_284, %ne3A_287 : i1
    %sub3A_289 = arith.constant 1 : i32
    %sub3A_290 = arith.subi %div3A_269, %sub3A_289 : i32
    %select_n3A_291 = arith.select %and3A_288, %sub3A_290, %div3A_269 : i32
    %mul3A_292 = arith.constant 8 : i32
    %mul3A_293 = arith.muli %select_n3A_291, %mul3A_292 : i32
    %multiple_of3A_294 = tpu.assume_multiple %mul3A_293, 8 : i32
    %get3A_295 = arith.constant 0 : index
    %get3A_296 = arith.index_cast %multiple_of3A_294 : i32 to index
    %get3A_297 = arith.constant 0 : index
    %get3A_298 = vector.load %arg2[%get3A_295, %get3A_296, %get3A_297] : memref<1x2048x768xf32, #tpu.memory_space<vmem>>, vector<1x8x768xf32>
    %get3A_299 = vector.shape_cast %get3A_298 : vector<1x8x768xf32> to vector<8x768xf32>
    %iota3A_300 = tpu.iota {dimensions = array<i32: 0>} : vector<8x1xi32>
    %sub3A_301 = arith.subi %get3A_0, %multiple_of3A_294 : i32
    %eq3A_302 = vector.broadcast %sub3A_301 : i32 to vector<8x1xi32>
    %eq3A_303 = arith.cmpi eq, %iota3A_300, %eq3A_302 : vector<8x1xi32>
    %jit3A_304 = arith.constant 0.000000e+00 : f32
    %broadcast_in_dim3A_305 = vector.shape_cast %eq3A_303 : vector<8x1xi1> to vector<8x1xi1>
    %broadcast_in_dim3A_306 = vector.broadcast %broadcast_in_dim3A_305 : vector<8x1xi1> to vector<8x768xi1>
    %broadcast_in_dim3A_307 = vector.broadcast %jit3A_304 : f32 to vector<8x768xf32>
    %select_n3A_308 = arith.select %broadcast_in_dim3A_306, %get3A_299, %broadcast_in_dim3A_307 : vector<8x768xi1>, vector<8x768xf32>
    %reduce_sum3A_309 = arith.constant dense<0.000000e+00> : vector<768xf32>
    %reduce_sum3A_310 = vector.multi_reduction <add>, %select_n3A_308, %reduce_sum3A_309 [0] : vector<8x768xf32> to vector<768xf32>
    %broadcast_in_dim3A_311 = vector.shape_cast %reduce_sum3A_310 : vector<768xf32> to vector<1x768xf32>
    %get3A_312 = arith.constant 0 : index
    %get3A_313 = arith.constant 0 : index
    %get3A_314 = vector.load %arg3[%get3A_312, %get3A_313] : memref<768x768xf32, #tpu.memory_space<vmem>>, vector<768x768xf32>
    %dot_general3A_315 = arith.constant dense<0.000000e+00> : vector<1x768xf32>
    %dot_general3A_316 = tpu.matmul %broadcast_in_dim3A_311, %get3A_314, %dot_general3A_315 {dimension_numbers = #tpu.dot_dimension_numbers<[1], [0], [0], [1], [0, 0, 1, 1], [], []>, transpose_lhs_hint = false} : vector<1x768xf32>, vector<768x768xf32>, vector<1x768xf32> -> vector<1x768xf32>
    %get3A_317 = arith.constant 0 : index
    %get3A_318 = arith.constant 0 : index
    %get3A_319 = vector.load %arg4[%get3A_317, %get3A_318] : memref<1x768xf32, #tpu.memory_space<vmem>>, vector<1x768xf32>
    %get3A_320 = vector.shape_cast %get3A_319 : vector<1x768xf32> to vector<768xf32>
    %broadcast_in_dim3A_321 = vector.shape_cast %get3A_320 : vector<768xf32> to vector<1x768xf32>
    %add3A_322 = arith.addf %dot_general3A_316, %broadcast_in_dim3A_321 : vector<1x768xf32>
    %get3A_323 = arith.constant 0 : index
    %get3A_324 = arith.constant 0 : index
    %get3A_325 = vector.load %arg13[%get3A_323, %get3A_324] : memref<2048x1xf32, #tpu.memory_space<vmem>>, vector<2048x1xf32>
    %mul3A_326 = arith.constant -5.000000e-01 : f32
    %mul3A_327 = vector.broadcast %mul3A_326 : f32 to vector<1x1xf32>
    %mul3A_328 = arith.mulf %mul3A_327, %broadcast_in_dim3A_221 : vector<1x1xf32>
    %mul3A_329 = arith.mulf %mul3A_328, %broadcast_in_dim3A_221 : vector<1x1xf32>
    %mul3A_330 = arith.constant 1.000000e+00 : f32
    %mul3A_331 = vector.broadcast %mul3A_330 : f32 to vector<1x1xf32>
    %mul3A_332 = arith.mulf %mul3A_331, %broadcast_in_dim3A_221 : vector<1x1xf32>
    %broadcast_in_dim3A_333 = arith.constant -5.000000e-01 : f32
    %broadcast_in_dim3A_334 = vector.broadcast %broadcast_in_dim3A_333 : f32 to vector<1x1xf32>
    %concatenate3A_335 = tpu.concatenate %mul3A_329, %mul3A_332, %broadcast_in_dim3A_334 in 1 : vector<1x1xf32>, vector<1x1xf32>, vector<1x1xf32> -> vector<1x3xf32>
    %broadcast_in_dim3A_336 = arith.constant 1.000000e+00 : f32
    %broadcast_in_dim3A_337 = vector.broadcast %broadcast_in_dim3A_336 : f32 to vector<2048x1xf32>
    %mul3A_338 = arith.mulf %get3A_325, %get3A_325 : vector<2048x1xf32>
    %concatenate3A_339 = tpu.concatenate %broadcast_in_dim3A_337, %get3A_325, %mul3A_338 in 1 : vector<2048x1xf32>, vector<2048x1xf32>, vector<2048x1xf32> -> vector<2048x3xf32>
    %broadcast_in_dim3A_340 = arith.constant 0.000000e+00 : f32
    %broadcast_in_dim3A_341 = vector.broadcast %broadcast_in_dim3A_340 : f32 to vector<1x768xf32>
    %slice3A_342 = vector.extract_strided_slice %add3A_322 {offsets = [0, 0], sizes = [1, 64], strides = [1, 1]} : vector<1x768xf32> to vector<1x64xf32>
    %mul3A_343 = arith.constant 1.250000e-01 : f32
    %mul3A_344 = vector.broadcast %mul3A_343 : f32 to vector<1x64xf32>
    %mul3A_345 = arith.mulf %slice3A_342, %mul3A_344 : vector<1x64xf32>
    %get3A_346 = arith.constant 0 : index
    %get3A_347 = arith.constant 0 : index
    %get3A_348 = vector.load %arg12[%get3A_346, %get3A_347] : memref<2048x1536xf32, #tpu.memory_space<vmem>>, vector<2048x64xf32>
    %dot_general3A_349 = arith.constant dense<0.000000e+00> : vector<1x2048xf32>
    %dot_general3A_350 = tpu.matmul %mul3A_345, %get3A_348, %dot_general3A_349 {dimension_numbers = #tpu.dot_dimension_numbers<[1], [1], [0], [0], [0, 0, 1, 0], [], []>, transpose_lhs_hint = false} : vector<1x64xf32>, vector<2048x64xf32>, vector<1x2048xf32> -> vector<1x2048xf32>
    %dot_general3A_351 = arith.constant dense<0.000000e+00> : vector<1x2048xf32>
    %dot_general3A_352 = tpu.matmul %concatenate3A_335, %concatenate3A_339, %dot_general3A_351 {dimension_numbers = #tpu.dot_dimension_numbers<[1], [1], [0], [0], [0, 0, 1, 0], [], []>, transpose_lhs_hint = false} : vector<1x3xf32>, vector<2048x3xf32>, vector<1x2048xf32> -> vector<1x2048xf32>
    %add3A_353 = arith.addf %dot_general3A_350, %dot_general3A_352 : vector<1x2048xf32>
    %reduce_max3A = arith.constant dense<0xFF800000> : vector<1xf32>
    %reduce_max3A_354 = vector.multi_reduction <maximumf>, %add3A_353, %reduce_max3A [1] : vector<1x2048xf32> to vector<1xf32>
    %broadcast_in_dim3A_355 = vector.shape_cast %reduce_max3A_354 : vector<1xf32> to vector<1x1xf32>
    %sub3A_356 = vector.broadcast %broadcast_in_dim3A_355 : vector<1x1xf32> to vector<1x2048xf32>
    %sub3A_357 = arith.subf %add3A_353, %sub3A_356 : vector<1x2048xf32>
    %exp3A = math.exp %sub3A_357 : vector<1x2048xf32>
    %get3A_358 = arith.constant 0 : index
    %get3A_359 = arith.constant 768 : index
    %get3A_360 = vector.load %arg12[%get3A_358, %get3A_359] : memref<2048x1536xf32, #tpu.memory_space<vmem>>, vector<2048x64xf32>
    %dot_general3A_361 = arith.constant dense<0.000000e+00> : vector<1x64xf32>
    %dot_general3A_362 = tpu.matmul %exp3A, %get3A_360, %dot_general3A_361 {dimension_numbers = #tpu.dot_dimension_numbers<[1], [0], [0], [1], [0, 0, 1, 1], [], []>, transpose_lhs_hint = false} : vector<1x2048xf32>, vector<2048x64xf32>, vector<1x64xf32> -> vector<1x64xf32>
    %reduce_sum3A_363 = arith.constant dense<0.000000e+00> : vector<1xf32>
    %reduce_sum3A_364 = vector.multi_reduction <add>, %exp3A, %reduce_sum3A_363 [1] : vector<1x2048xf32> to vector<1xf32>
    %broadcast_in_dim3A_365 = vector.shape_cast %reduce_sum3A_364 : vector<1xf32> to vector<1x1xf32>
    %div3A_366 = vector.broadcast %broadcast_in_dim3A_365 : vector<1x1xf32> to vector<1x64xf32>
    %div3A_367 = arith.divf %dot_general3A_362, %div3A_366 : vector<1x64xf32>
    %get3A_368 = arith.constant 0 : index
    %get3A_369 = arith.constant 0 : index
    %get3A_370 = vector.load %arg9[%get3A_368, %get3A_369] : memref<768x768xf32, #tpu.memory_space<vmem>>, vector<64x768xf32>
    %dot_general3A_371 = arith.constant dense<0.000000e+00> : vector<1x768xf32>
    %dot_general3A_372 = tpu.matmul %div3A_367, %get3A_370, %dot_general3A_371 {dimension_numbers = #tpu.dot_dimension_numbers<[1], [0], [0], [1], [0, 0, 1, 1], [], []>, transpose_lhs_hint = false} : vector<1x64xf32>, vector<64x768xf32>, vector<1x768xf32> -> vector<1x768xf32>
    %add3A_373 = arith.addf %broadcast_in_dim3A_341, %dot_general3A_372 : vector<1x768xf32>
    %slice3A_374 = vector.extract_strided_slice %add3A_322 {offsets = [0, 64], sizes = [1, 64], strides = [1, 1]} : vector<1x768xf32> to vector<1x64xf32>
    %mul3A_375 = arith.constant 1.250000e-01 : f32
    %mul3A_376 = vector.broadcast %mul3A_375 : f32 to vector<1x64xf32>
    %mul3A_377 = arith.mulf %slice3A_374, %mul3A_376 : vector<1x64xf32>
    %get3A_378 = arith.constant 0 : index
    %get3A_379 = arith.constant 64 : index
    %get3A_380 = vector.load %arg12[%get3A_378, %get3A_379] : memref<2048x1536xf32, #tpu.memory_space<vmem>>, vector<2048x64xf32>
    %dot_general3A_381 = arith.constant dense<0.000000e+00> : vector<1x2048xf32>
    %dot_general3A_382 = tpu.matmul %mul3A_377, %get3A_380, %dot_general3A_381 {dimension_numbers = #tpu.dot_dimension_numbers<[1], [1], [0], [0], [0, 0, 1, 0], [], []>, transpose_lhs_hint = false} : vector<1x64xf32>, vector<2048x64xf32>, vector<1x2048xf32> -> vector<1x2048xf32>
    %dot_general3A_383 = arith.constant dense<0.000000e+00> : vector<1x2048xf32>
    %dot_general3A_384 = tpu.matmul %concatenate3A_335, %concatenate3A_339, %dot_general3A_383 {dimension_numbers = #tpu.dot_dimension_numbers<[1], [1], [0], [0], [0, 0, 1, 0], [], []>, transpose_lhs_hint = false} : vector<1x3xf32>, vector<2048x3xf32>, vector<1x2048xf32> -> vector<1x2048xf32>
    %add3A_385 = arith.addf %dot_general3A_382, %dot_general3A_384 : vector<1x2048xf32>
    %reduce_max3A_386 = arith.constant dense<0xFF800000> : vector<1xf32>
    %reduce_max3A_387 = vector.multi_reduction <maximumf>, %add3A_385, %reduce_max3A_386 [1] : vector<1x2048xf32> to vector<1xf32>
    %broadcast_in_dim3A_388 = vector.shape_cast %reduce_max3A_387 : vector<1xf32> to vector<1x1xf32>
    %sub3A_389 = vector.broadcast %broadcast_in_dim3A_388 : vector<1x1xf32> to vector<1x2048xf32>
    %sub3A_390 = arith.subf %add3A_385, %sub3A_389 : vector<1x2048xf32>
    %exp3A_391 = math.exp %sub3A_390 : vector<1x2048xf32>
    %get3A_392 = arith.constant 0 : index
    %get3A_393 = arith.constant 832 : index
    %get3A_394 = vector.load %arg12[%get3A_392, %get3A_393] : memref<2048x1536xf32, #tpu.memory_space<vmem>>, vector<2048x64xf32>
    %dot_general3A_395 = arith.constant dense<0.000000e+00> : vector<1x64xf32>
    %dot_general3A_396 = tpu.matmul %exp3A_391, %get3A_394, %dot_general3A_395 {dimension_numbers = #tpu.dot_dimension_numbers<[1], [0], [0], [1], [0, 0, 1, 1], [], []>, transpose_lhs_hint = false} : vector<1x2048xf32>, vector<2048x64xf32>, vector<1x64xf32> -> vector<1x64xf32>
    %reduce_sum3A_397 = arith.constant dense<0.000000e+00> : vector<1xf32>
    %reduce_sum3A_398 = vector.multi_reduction <add>, %exp3A_391, %reduce_sum3A_397 [1] : vector<1x2048xf32> to vector<1xf32>
    %broadcast_in_dim3A_399 = vector.shape_cast %reduce_sum3A_398 : vector<1xf32> to vector<1x1xf32>
    %div3A_400 = vector.broadcast %broadcast_in_dim3A_399 : vector<1x1xf32> to vector<1x64xf32>
    %div3A_401 = arith.divf %dot_general3A_396, %div3A_400 : vector<1x64xf32>
    %get3A_402 = arith.constant 64 : index
    %get3A_403 = arith.constant 0 : index
    %get3A_404 = vector.load %arg9[%get3A_402, %get3A_403] : memref<768x768xf32, #tpu.memory_space<vmem>>, vector<64x768xf32>
    %dot_general3A_405 = arith.constant dense<0.000000e+00> : vector<1x768xf32>
    %dot_general3A_406 = tpu.matmul %div3A_401, %get3A_404, %dot_general3A_405 {dimension_numbers = #tpu.dot_dimension_numbers<[1], [0], [0], [1], [0, 0, 1, 1], [], []>, transpose_lhs_hint = false} : vector<1x64xf32>, vector<64x768xf32>, vector<1x768xf32> -> vector<1x768xf32>
    %add3A_407 = arith.addf %add3A_373, %dot_general3A_406 : vector<1x768xf32>
    %slice3A_408 = vector.extract_strided_slice %add3A_322 {offsets = [0, 128], sizes = [1, 64], strides = [1, 1]} : vector<1x768xf32> to vector<1x64xf32>
    %mul3A_409 = arith.constant 1.250000e-01 : f32
    %mul3A_410 = vector.broadcast %mul3A_409 : f32 to vector<1x64xf32>
    %mul3A_411 = arith.mulf %slice3A_408, %mul3A_410 : vector<1x64xf32>
    %get3A_412 = arith.constant 0 : index
    %get3A_413 = arith.constant 128 : index
    %get3A_414 = vector.load %arg12[%get3A_412, %get3A_413] : memref<2048x1536xf32, #tpu.memory_space<vmem>>, vector<2048x64xf32>
    %dot_general3A_415 = arith.constant dense<0.000000e+00> : vector<1x2048xf32>
    %dot_general3A_416 = tpu.matmul %mul3A_411, %get3A_414, %dot_general3A_415 {dimension_numbers = #tpu.dot_dimension_numbers<[1], [1], [0], [0], [0, 0, 1, 0], [], []>, transpose_lhs_hint = false} : vector<1x64xf32>, vector<2048x64xf32>, vector<1x2048xf32> -> vector<1x2048xf32>
    %dot_general3A_417 = arith.constant dense<0.000000e+00> : vector<1x2048xf32>
    %dot_general3A_418 = tpu.matmul %concatenate3A_335, %concatenate3A_339, %dot_general3A_417 {dimension_numbers = #tpu.dot_dimension_numbers<[1], [1], [0], [0], [0, 0, 1, 0], [], []>, transpose_lhs_hint = false} : vector<1x3xf32>, vector<2048x3xf32>, vector<1x2048xf32> -> vector<1x2048xf32>
    %add3A_419 = arith.addf %dot_general3A_416, %dot_general3A_418 : vector<1x2048xf32>
    %reduce_max3A_420 = arith.constant dense<0xFF800000> : vector<1xf32>
    %reduce_max3A_421 = vector.multi_reduction <maximumf>, %add3A_419, %reduce_max3A_420 [1] : vector<1x2048xf32> to vector<1xf32>
    %broadcast_in_dim3A_422 = vector.shape_cast %reduce_max3A_421 : vector<1xf32> to vector<1x1xf32>
    %sub3A_423 = vector.broadcast %broadcast_in_dim3A_422 : vector<1x1xf32> to vector<1x2048xf32>
    %sub3A_424 = arith.subf %add3A_419, %sub3A_423 : vector<1x2048xf32>
    %exp3A_425 = math.exp %sub3A_424 : vector<1x2048xf32>
    %get3A_426 = arith.constant 0 : index
    %get3A_427 = arith.constant 896 : index
    %get3A_428 = vector.load %arg12[%get3A_426, %get3A_427] : memref<2048x1536xf32, #tpu.memory_space<vmem>>, vector<2048x64xf32>
    %dot_general3A_429 = arith.constant dense<0.000000e+00> : vector<1x64xf32>
    %dot_general3A_430 = tpu.matmul %exp3A_425, %get3A_428, %dot_general3A_429 {dimension_numbers = #tpu.dot_dimension_numbers<[1], [0], [0], [1], [0, 0, 1, 1], [], []>, transpose_lhs_hint = false} : vector<1x2048xf32>, vector<2048x64xf32>, vector<1x64xf32> -> vector<1x64xf32>
    %reduce_sum3A_431 = arith.constant dense<0.000000e+00> : vector<1xf32>
    %reduce_sum3A_432 = vector.multi_reduction <add>, %exp3A_425, %reduce_sum3A_431 [1] : vector<1x2048xf32> to vector<1xf32>
    %broadcast_in_dim3A_433 = vector.shape_cast %reduce_sum3A_432 : vector<1xf32> to vector<1x1xf32>
    %div3A_434 = vector.broadcast %broadcast_in_dim3A_433 : vector<1x1xf32> to vector<1x64xf32>
    %div3A_435 = arith.divf %dot_general3A_430, %div3A_434 : vector<1x64xf32>
    %get3A_436 = arith.constant 128 : index
    %get3A_437 = arith.constant 0 : index
    %get3A_438 = vector.load %arg9[%get3A_436, %get3A_437] : memref<768x768xf32, #tpu.memory_space<vmem>>, vector<64x768xf32>
    %dot_general3A_439 = arith.constant dense<0.000000e+00> : vector<1x768xf32>
    %dot_general3A_440 = tpu.matmul %div3A_435, %get3A_438, %dot_general3A_439 {dimension_numbers = #tpu.dot_dimension_numbers<[1], [0], [0], [1], [0, 0, 1, 1], [], []>, transpose_lhs_hint = false} : vector<1x64xf32>, vector<64x768xf32>, vector<1x768xf32> -> vector<1x768xf32>
    %add3A_441 = arith.addf %add3A_407, %dot_general3A_440 : vector<1x768xf32>
    %slice3A_442 = vector.extract_strided_slice %add3A_322 {offsets = [0, 192], sizes = [1, 64], strides = [1, 1]} : vector<1x768xf32> to vector<1x64xf32>
    %mul3A_443 = arith.constant 1.250000e-01 : f32
    %mul3A_444 = vector.broadcast %mul3A_443 : f32 to vector<1x64xf32>
    %mul3A_445 = arith.mulf %slice3A_442, %mul3A_444 : vector<1x64xf32>
    %get3A_446 = arith.constant 0 : index
    %get3A_447 = arith.constant 192 : index
    %get3A_448 = vector.load %arg12[%get3A_446, %get3A_447] : memref<2048x1536xf32, #tpu.memory_space<vmem>>, vector<2048x64xf32>
    %dot_general3A_449 = arith.constant dense<0.000000e+00> : vector<1x2048xf32>
    %dot_general3A_450 = tpu.matmul %mul3A_445, %get3A_448, %dot_general3A_449 {dimension_numbers = #tpu.dot_dimension_numbers<[1], [1], [0], [0], [0, 0, 1, 0], [], []>, transpose_lhs_hint = false} : vector<1x64xf32>, vector<2048x64xf32>, vector<1x2048xf32> -> vector<1x2048xf32>
    %dot_general3A_451 = arith.constant dense<0.000000e+00> : vector<1x2048xf32>
    %dot_general3A_452 = tpu.matmul %concatenate3A_335, %concatenate3A_339, %dot_general3A_451 {dimension_numbers = #tpu.dot_dimension_numbers<[1], [1], [0], [0], [0, 0, 1, 0], [], []>, transpose_lhs_hint = false} : vector<1x3xf32>, vector<2048x3xf32>, vector<1x2048xf32> -> vector<1x2048xf32>
    %add3A_453 = arith.addf %dot_general3A_450, %dot_general3A_452 : vector<1x2048xf32>
    %reduce_max3A_454 = arith.constant dense<0xFF800000> : vector<1xf32>
    %reduce_max3A_455 = vector.multi_reduction <maximumf>, %add3A_453, %reduce_max3A_454 [1] : vector<1x2048xf32> to vector<1xf32>
    %broadcast_in_dim3A_456 = vector.shape_cast %reduce_max3A_455 : vector<1xf32> to vector<1x1xf32>
    %sub3A_457 = vector.broadcast %broadcast_in_dim3A_456 : vector<1x1xf32> to vector<1x2048xf32>
    %sub3A_458 = arith.subf %add3A_453, %sub3A_457 : vector<1x2048xf32>
    %exp3A_459 = math.exp %sub3A_458 : vector<1x2048xf32>
    %get3A_460 = arith.constant 0 : index
    %get3A_461 = arith.constant 960 : index
    %get3A_462 = vector.load %arg12[%get3A_460, %get3A_461] : memref<2048x1536xf32, #tpu.memory_space<vmem>>, vector<2048x64xf32>
    %dot_general3A_463 = arith.constant dense<0.000000e+00> : vector<1x64xf32>
    %dot_general3A_464 = tpu.matmul %exp3A_459, %get3A_462, %dot_general3A_463 {dimension_numbers = #tpu.dot_dimension_numbers<[1], [0], [0], [1], [0, 0, 1, 1], [], []>, transpose_lhs_hint = false} : vector<1x2048xf32>, vector<2048x64xf32>, vector<1x64xf32> -> vector<1x64xf32>
    %reduce_sum3A_465 = arith.constant dense<0.000000e+00> : vector<1xf32>
    %reduce_sum3A_466 = vector.multi_reduction <add>, %exp3A_459, %reduce_sum3A_465 [1] : vector<1x2048xf32> to vector<1xf32>
    %broadcast_in_dim3A_467 = vector.shape_cast %reduce_sum3A_466 : vector<1xf32> to vector<1x1xf32>
    %div3A_468 = vector.broadcast %broadcast_in_dim3A_467 : vector<1x1xf32> to vector<1x64xf32>
    %div3A_469 = arith.divf %dot_general3A_464, %div3A_468 : vector<1x64xf32>
    %get3A_470 = arith.constant 192 : index
    %get3A_471 = arith.constant 0 : index
    %get3A_472 = vector.load %arg9[%get3A_470, %get3A_471] : memref<768x768xf32, #tpu.memory_space<vmem>>, vector<64x768xf32>
    %dot_general3A_473 = arith.constant dense<0.000000e+00> : vector<1x768xf32>
    %dot_general3A_474 = tpu.matmul %div3A_469, %get3A_472, %dot_general3A_473 {dimension_numbers = #tpu.dot_dimension_numbers<[1], [0], [0], [1], [0, 0, 1, 1], [], []>, transpose_lhs_hint = false} : vector<1x64xf32>, vector<64x768xf32>, vector<1x768xf32> -> vector<1x768xf32>
    %add3A_475 = arith.addf %add3A_441, %dot_general3A_474 : vector<1x768xf32>
    %slice3A_476 = vector.extract_strided_slice %add3A_322 {offsets = [0, 256], sizes = [1, 64], strides = [1, 1]} : vector<1x768xf32> to vector<1x64xf32>
    %mul3A_477 = arith.constant 1.250000e-01 : f32
    %mul3A_478 = vector.broadcast %mul3A_477 : f32 to vector<1x64xf32>
    %mul3A_479 = arith.mulf %slice3A_476, %mul3A_478 : vector<1x64xf32>
    %get3A_480 = arith.constant 0 : index
    %get3A_481 = arith.constant 256 : index
    %get3A_482 = vector.load %arg12[%get3A_480, %get3A_481] : memref<2048x1536xf32, #tpu.memory_space<vmem>>, vector<2048x64xf32>
    %dot_general3A_483 = arith.constant dense<0.000000e+00> : vector<1x2048xf32>
    %dot_general3A_484 = tpu.matmul %mul3A_479, %get3A_482, %dot_general3A_483 {dimension_numbers = #tpu.dot_dimension_numbers<[1], [1], [0], [0], [0, 0, 1, 0], [], []>, transpose_lhs_hint = false} : vector<1x64xf32>, vector<2048x64xf32>, vector<1x2048xf32> -> vector<1x2048xf32>
    %dot_general3A_485 = arith.constant dense<0.000000e+00> : vector<1x2048xf32>
    %dot_general3A_486 = tpu.matmul %concatenate3A_335, %concatenate3A_339, %dot_general3A_485 {dimension_numbers = #tpu.dot_dimension_numbers<[1], [1], [0], [0], [0, 0, 1, 0], [], []>, transpose_lhs_hint = false} : vector<1x3xf32>, vector<2048x3xf32>, vector<1x2048xf32> -> vector<1x2048xf32>
    %add3A_487 = arith.addf %dot_general3A_484, %dot_general3A_486 : vector<1x2048xf32>
    %reduce_max3A_488 = arith.constant dense<0xFF800000> : vector<1xf32>
    %reduce_max3A_489 = vector.multi_reduction <maximumf>, %add3A_487, %reduce_max3A_488 [1] : vector<1x2048xf32> to vector<1xf32>
    %broadcast_in_dim3A_490 = vector.shape_cast %reduce_max3A_489 : vector<1xf32> to vector<1x1xf32>
    %sub3A_491 = vector.broadcast %broadcast_in_dim3A_490 : vector<1x1xf32> to vector<1x2048xf32>
    %sub3A_492 = arith.subf %add3A_487, %sub3A_491 : vector<1x2048xf32>
    %exp3A_493 = math.exp %sub3A_492 : vector<1x2048xf32>
    %get3A_494 = arith.constant 0 : index
    %get3A_495 = arith.constant 1024 : index
    %get3A_496 = vector.load %arg12[%get3A_494, %get3A_495] : memref<2048x1536xf32, #tpu.memory_space<vmem>>, vector<2048x64xf32>
    %dot_general3A_497 = arith.constant dense<0.000000e+00> : vector<1x64xf32>
    %dot_general3A_498 = tpu.matmul %exp3A_493, %get3A_496, %dot_general3A_497 {dimension_numbers = #tpu.dot_dimension_numbers<[1], [0], [0], [1], [0, 0, 1, 1], [], []>, transpose_lhs_hint = false} : vector<1x2048xf32>, vector<2048x64xf32>, vector<1x64xf32> -> vector<1x64xf32>
    %reduce_sum3A_499 = arith.constant dense<0.000000e+00> : vector<1xf32>
    %reduce_sum3A_500 = vector.multi_reduction <add>, %exp3A_493, %reduce_sum3A_499 [1] : vector<1x2048xf32> to vector<1xf32>
    %broadcast_in_dim3A_501 = vector.shape_cast %reduce_sum3A_500 : vector<1xf32> to vector<1x1xf32>
    %div3A_502 = vector.broadcast %broadcast_in_dim3A_501 : vector<1x1xf32> to vector<1x64xf32>
    %div3A_503 = arith.divf %dot_general3A_498, %div3A_502 : vector<1x64xf32>
    %get3A_504 = arith.constant 256 : index
    %get3A_505 = arith.constant 0 : index
    %get3A_506 = vector.load %arg9[%get3A_504, %get3A_505] : memref<768x768xf32, #tpu.memory_space<vmem>>, vector<64x768xf32>
    %dot_general3A_507 = arith.constant dense<0.000000e+00> : vector<1x768xf32>
    %dot_general3A_508 = tpu.matmul %div3A_503, %get3A_506, %dot_general3A_507 {dimension_numbers = #tpu.dot_dimension_numbers<[1], [0], [0], [1], [0, 0, 1, 1], [], []>, transpose_lhs_hint = false} : vector<1x64xf32>, vector<64x768xf32>, vector<1x768xf32> -> vector<1x768xf32>
    %add3A_509 = arith.addf %add3A_475, %dot_general3A_508 : vector<1x768xf32>
    %slice3A_510 = vector.extract_strided_slice %add3A_322 {offsets = [0, 320], sizes = [1, 64], strides = [1, 1]} : vector<1x768xf32> to vector<1x64xf32>
    %mul3A_511 = arith.constant 1.250000e-01 : f32
    %mul3A_512 = vector.broadcast %mul3A_511 : f32 to vector<1x64xf32>
    %mul3A_513 = arith.mulf %slice3A_510, %mul3A_512 : vector<1x64xf32>
    %get3A_514 = arith.constant 0 : index
    %get3A_515 = arith.constant 320 : index
    %get3A_516 = vector.load %arg12[%get3A_514, %get3A_515] : memref<2048x1536xf32, #tpu.memory_space<vmem>>, vector<2048x64xf32>
    %dot_general3A_517 = arith.constant dense<0.000000e+00> : vector<1x2048xf32>
    %dot_general3A_518 = tpu.matmul %mul3A_513, %get3A_516, %dot_general3A_517 {dimension_numbers = #tpu.dot_dimension_numbers<[1], [1], [0], [0], [0, 0, 1, 0], [], []>, transpose_lhs_hint = false} : vector<1x64xf32>, vector<2048x64xf32>, vector<1x2048xf32> -> vector<1x2048xf32>
    %dot_general3A_519 = arith.constant dense<0.000000e+00> : vector<1x2048xf32>
    %dot_general3A_520 = tpu.matmul %concatenate3A_335, %concatenate3A_339, %dot_general3A_519 {dimension_numbers = #tpu.dot_dimension_numbers<[1], [1], [0], [0], [0, 0, 1, 0], [], []>, transpose_lhs_hint = false} : vector<1x3xf32>, vector<2048x3xf32>, vector<1x2048xf32> -> vector<1x2048xf32>
    %add3A_521 = arith.addf %dot_general3A_518, %dot_general3A_520 : vector<1x2048xf32>
    %reduce_max3A_522 = arith.constant dense<0xFF800000> : vector<1xf32>
    %reduce_max3A_523 = vector.multi_reduction <maximumf>, %add3A_521, %reduce_max3A_522 [1] : vector<1x2048xf32> to vector<1xf32>
    %broadcast_in_dim3A_524 = vector.shape_cast %reduce_max3A_523 : vector<1xf32> to vector<1x1xf32>
    %sub3A_525 = vector.broadcast %broadcast_in_dim3A_524 : vector<1x1xf32> to vector<1x2048xf32>
    %sub3A_526 = arith.subf %add3A_521, %sub3A_525 : vector<1x2048xf32>
    %exp3A_527 = math.exp %sub3A_526 : vector<1x2048xf32>
    %get3A_528 = arith.constant 0 : index
    %get3A_529 = arith.constant 1088 : index
    %get3A_530 = vector.load %arg12[%get3A_528, %get3A_529] : memref<2048x1536xf32, #tpu.memory_space<vmem>>, vector<2048x64xf32>
    %dot_general3A_531 = arith.constant dense<0.000000e+00> : vector<1x64xf32>
    %dot_general3A_532 = tpu.matmul %exp3A_527, %get3A_530, %dot_general3A_531 {dimension_numbers = #tpu.dot_dimension_numbers<[1], [0], [0], [1], [0, 0, 1, 1], [], []>, transpose_lhs_hint = false} : vector<1x2048xf32>, vector<2048x64xf32>, vector<1x64xf32> -> vector<1x64xf32>
    %reduce_sum3A_533 = arith.constant dense<0.000000e+00> : vector<1xf32>
    %reduce_sum3A_534 = vector.multi_reduction <add>, %exp3A_527, %reduce_sum3A_533 [1] : vector<1x2048xf32> to vector<1xf32>
    %broadcast_in_dim3A_535 = vector.shape_cast %reduce_sum3A_534 : vector<1xf32> to vector<1x1xf32>
    %div3A_536 = vector.broadcast %broadcast_in_dim3A_535 : vector<1x1xf32> to vector<1x64xf32>
    %div3A_537 = arith.divf %dot_general3A_532, %div3A_536 : vector<1x64xf32>
    %get3A_538 = arith.constant 320 : index
    %get3A_539 = arith.constant 0 : index
    %get3A_540 = vector.load %arg9[%get3A_538, %get3A_539] : memref<768x768xf32, #tpu.memory_space<vmem>>, vector<64x768xf32>
    %dot_general3A_541 = arith.constant dense<0.000000e+00> : vector<1x768xf32>
    %dot_general3A_542 = tpu.matmul %div3A_537, %get3A_540, %dot_general3A_541 {dimension_numbers = #tpu.dot_dimension_numbers<[1], [0], [0], [1], [0, 0, 1, 1], [], []>, transpose_lhs_hint = false} : vector<1x64xf32>, vector<64x768xf32>, vector<1x768xf32> -> vector<1x768xf32>
    %add3A_543 = arith.addf %add3A_509, %dot_general3A_542 : vector<1x768xf32>
    %slice3A_544 = vector.extract_strided_slice %add3A_322 {offsets = [0, 384], sizes = [1, 64], strides = [1, 1]} : vector<1x768xf32> to vector<1x64xf32>
    %mul3A_545 = arith.constant 1.250000e-01 : f32
    %mul3A_546 = vector.broadcast %mul3A_545 : f32 to vector<1x64xf32>
    %mul3A_547 = arith.mulf %slice3A_544, %mul3A_546 : vector<1x64xf32>
    %get3A_548 = arith.constant 0 : index
    %get3A_549 = arith.constant 384 : index
    %get3A_550 = vector.load %arg12[%get3A_548, %get3A_549] : memref<2048x1536xf32, #tpu.memory_space<vmem>>, vector<2048x64xf32>
    %dot_general3A_551 = arith.constant dense<0.000000e+00> : vector<1x2048xf32>
    %dot_general3A_552 = tpu.matmul %mul3A_547, %get3A_550, %dot_general3A_551 {dimension_numbers = #tpu.dot_dimension_numbers<[1], [1], [0], [0], [0, 0, 1, 0], [], []>, transpose_lhs_hint = false} : vector<1x64xf32>, vector<2048x64xf32>, vector<1x2048xf32> -> vector<1x2048xf32>
    %dot_general3A_553 = arith.constant dense<0.000000e+00> : vector<1x2048xf32>
    %dot_general3A_554 = tpu.matmul %concatenate3A_335, %concatenate3A_339, %dot_general3A_553 {dimension_numbers = #tpu.dot_dimension_numbers<[1], [1], [0], [0], [0, 0, 1, 0], [], []>, transpose_lhs_hint = false} : vector<1x3xf32>, vector<2048x3xf32>, vector<1x2048xf32> -> vector<1x2048xf32>
    %add3A_555 = arith.addf %dot_general3A_552, %dot_general3A_554 : vector<1x2048xf32>
    %reduce_max3A_556 = arith.constant dense<0xFF800000> : vector<1xf32>
    %reduce_max3A_557 = vector.multi_reduction <maximumf>, %add3A_555, %reduce_max3A_556 [1] : vector<1x2048xf32> to vector<1xf32>
    %broadcast_in_dim3A_558 = vector.shape_cast %reduce_max3A_557 : vector<1xf32> to vector<1x1xf32>
    %sub3A_559 = vector.broadcast %broadcast_in_dim3A_558 : vector<1x1xf32> to vector<1x2048xf32>
    %sub3A_560 = arith.subf %add3A_555, %sub3A_559 : vector<1x2048xf32>
    %exp3A_561 = math.exp %sub3A_560 : vector<1x2048xf32>
    %get3A_562 = arith.constant 0 : index
    %get3A_563 = arith.constant 1152 : index
    %get3A_564 = vector.load %arg12[%get3A_562, %get3A_563] : memref<2048x1536xf32, #tpu.memory_space<vmem>>, vector<2048x64xf32>
    %dot_general3A_565 = arith.constant dense<0.000000e+00> : vector<1x64xf32>
    %dot_general3A_566 = tpu.matmul %exp3A_561, %get3A_564, %dot_general3A_565 {dimension_numbers = #tpu.dot_dimension_numbers<[1], [0], [0], [1], [0, 0, 1, 1], [], []>, transpose_lhs_hint = false} : vector<1x2048xf32>, vector<2048x64xf32>, vector<1x64xf32> -> vector<1x64xf32>
    %reduce_sum3A_567 = arith.constant dense<0.000000e+00> : vector<1xf32>
    %reduce_sum3A_568 = vector.multi_reduction <add>, %exp3A_561, %reduce_sum3A_567 [1] : vector<1x2048xf32> to vector<1xf32>
    %broadcast_in_dim3A_569 = vector.shape_cast %reduce_sum3A_568 : vector<1xf32> to vector<1x1xf32>
    %div3A_570 = vector.broadcast %broadcast_in_dim3A_569 : vector<1x1xf32> to vector<1x64xf32>
    %div3A_571 = arith.divf %dot_general3A_566, %div3A_570 : vector<1x64xf32>
    %get3A_572 = arith.constant 384 : index
    %get3A_573 = arith.constant 0 : index
    %get3A_574 = vector.load %arg9[%get3A_572, %get3A_573] : memref<768x768xf32, #tpu.memory_space<vmem>>, vector<64x768xf32>
    %dot_general3A_575 = arith.constant dense<0.000000e+00> : vector<1x768xf32>
    %dot_general3A_576 = tpu.matmul %div3A_571, %get3A_574, %dot_general3A_575 {dimension_numbers = #tpu.dot_dimension_numbers<[1], [0], [0], [1], [0, 0, 1, 1], [], []>, transpose_lhs_hint = false} : vector<1x64xf32>, vector<64x768xf32>, vector<1x768xf32> -> vector<1x768xf32>
    %add3A_577 = arith.addf %add3A_543, %dot_general3A_576 : vector<1x768xf32>
    %slice3A_578 = vector.extract_strided_slice %add3A_322 {offsets = [0, 448], sizes = [1, 64], strides = [1, 1]} : vector<1x768xf32> to vector<1x64xf32>
    %mul3A_579 = arith.constant 1.250000e-01 : f32
    %mul3A_580 = vector.broadcast %mul3A_579 : f32 to vector<1x64xf32>
    %mul3A_581 = arith.mulf %slice3A_578, %mul3A_580 : vector<1x64xf32>
    %get3A_582 = arith.constant 0 : index
    %get3A_583 = arith.constant 448 : index
    %get3A_584 = vector.load %arg12[%get3A_582, %get3A_583] : memref<2048x1536xf32, #tpu.memory_space<vmem>>, vector<2048x64xf32>
    %dot_general3A_585 = arith.constant dense<0.000000e+00> : vector<1x2048xf32>
    %dot_general3A_586 = tpu.matmul %mul3A_581, %get3A_584, %dot_general3A_585 {dimension_numbers = #tpu.dot_dimension_numbers<[1], [1], [0], [0], [0, 0, 1, 0], [], []>, transpose_lhs_hint = false} : vector<1x64xf32>, vector<2048x64xf32>, vector<1x2048xf32> -> vector<1x2048xf32>
    %dot_general3A_587 = arith.constant dense<0.000000e+00> : vector<1x2048xf32>
    %dot_general3A_588 = tpu.matmul %concatenate3A_335, %concatenate3A_339, %dot_general3A_587 {dimension_numbers = #tpu.dot_dimension_numbers<[1], [1], [0], [0], [0, 0, 1, 0], [], []>, transpose_lhs_hint = false} : vector<1x3xf32>, vector<2048x3xf32>, vector<1x2048xf32> -> vector<1x2048xf32>
    %add3A_589 = arith.addf %dot_general3A_586, %dot_general3A_588 : vector<1x2048xf32>
    %reduce_max3A_590 = arith.constant dense<0xFF800000> : vector<1xf32>
    %reduce_max3A_591 = vector.multi_reduction <maximumf>, %add3A_589, %reduce_max3A_590 [1] : vector<1x2048xf32> to vector<1xf32>
    %broadcast_in_dim3A_592 = vector.shape_cast %reduce_max3A_591 : vector<1xf32> to vector<1x1xf32>
    %sub3A_593 = vector.broadcast %broadcast_in_dim3A_592 : vector<1x1xf32> to vector<1x2048xf32>
    %sub3A_594 = arith.subf %add3A_589, %sub3A_593 : vector<1x2048xf32>
    %exp3A_595 = math.exp %sub3A_594 : vector<1x2048xf32>
    %get3A_596 = arith.constant 0 : index
    %get3A_597 = arith.constant 1216 : index
    %get3A_598 = vector.load %arg12[%get3A_596, %get3A_597] : memref<2048x1536xf32, #tpu.memory_space<vmem>>, vector<2048x64xf32>
    %dot_general3A_599 = arith.constant dense<0.000000e+00> : vector<1x64xf32>
    %dot_general3A_600 = tpu.matmul %exp3A_595, %get3A_598, %dot_general3A_599 {dimension_numbers = #tpu.dot_dimension_numbers<[1], [0], [0], [1], [0, 0, 1, 1], [], []>, transpose_lhs_hint = false} : vector<1x2048xf32>, vector<2048x64xf32>, vector<1x64xf32> -> vector<1x64xf32>
    %reduce_sum3A_601 = arith.constant dense<0.000000e+00> : vector<1xf32>
    %reduce_sum3A_602 = vector.multi_reduction <add>, %exp3A_595, %reduce_sum3A_601 [1] : vector<1x2048xf32> to vector<1xf32>
    %broadcast_in_dim3A_603 = vector.shape_cast %reduce_sum3A_602 : vector<1xf32> to vector<1x1xf32>
    %div3A_604 = vector.broadcast %broadcast_in_dim3A_603 : vector<1x1xf32> to vector<1x64xf32>
    %div3A_605 = arith.divf %dot_general3A_600, %div3A_604 : vector<1x64xf32>
    %get3A_606 = arith.constant 448 : index
    %get3A_607 = arith.constant 0 : index
    %get3A_608 = vector.load %arg9[%get3A_606, %get3A_607] : memref<768x768xf32, #tpu.memory_space<vmem>>, vector<64x768xf32>
    %dot_general3A_609 = arith.constant dense<0.000000e+00> : vector<1x768xf32>
    %dot_general3A_610 = tpu.matmul %div3A_605, %get3A_608, %dot_general3A_609 {dimension_numbers = #tpu.dot_dimension_numbers<[1], [0], [0], [1], [0, 0, 1, 1], [], []>, transpose_lhs_hint = false} : vector<1x64xf32>, vector<64x768xf32>, vector<1x768xf32> -> vector<1x768xf32>
    %add3A_611 = arith.addf %add3A_577, %dot_general3A_610 : vector<1x768xf32>
    %slice3A_612 = vector.extract_strided_slice %add3A_322 {offsets = [0, 512], sizes = [1, 64], strides = [1, 1]} : vector<1x768xf32> to vector<1x64xf32>
    %mul3A_613 = arith.constant 1.250000e-01 : f32
    %mul3A_614 = vector.broadcast %mul3A_613 : f32 to vector<1x64xf32>
    %mul3A_615 = arith.mulf %slice3A_612, %mul3A_614 : vector<1x64xf32>
    %get3A_616 = arith.constant 0 : index
    %get3A_617 = arith.constant 512 : index
    %get3A_618 = vector.load %arg12[%get3A_616, %get3A_617] : memref<2048x1536xf32, #tpu.memory_space<vmem>>, vector<2048x64xf32>
    %dot_general3A_619 = arith.constant dense<0.000000e+00> : vector<1x2048xf32>
    %dot_general3A_620 = tpu.matmul %mul3A_615, %get3A_618, %dot_general3A_619 {dimension_numbers = #tpu.dot_dimension_numbers<[1], [1], [0], [0], [0, 0, 1, 0], [], []>, transpose_lhs_hint = false} : vector<1x64xf32>, vector<2048x64xf32>, vector<1x2048xf32> -> vector<1x2048xf32>
    %dot_general3A_621 = arith.constant dense<0.000000e+00> : vector<1x2048xf32>
    %dot_general3A_622 = tpu.matmul %concatenate3A_335, %concatenate3A_339, %dot_general3A_621 {dimension_numbers = #tpu.dot_dimension_numbers<[1], [1], [0], [0], [0, 0, 1, 0], [], []>, transpose_lhs_hint = false} : vector<1x3xf32>, vector<2048x3xf32>, vector<1x2048xf32> -> vector<1x2048xf32>
    %add3A_623 = arith.addf %dot_general3A_620, %dot_general3A_622 : vector<1x2048xf32>
    %reduce_max3A_624 = arith.constant dense<0xFF800000> : vector<1xf32>
    %reduce_max3A_625 = vector.multi_reduction <maximumf>, %add3A_623, %reduce_max3A_624 [1] : vector<1x2048xf32> to vector<1xf32>
    %broadcast_in_dim3A_626 = vector.shape_cast %reduce_max3A_625 : vector<1xf32> to vector<1x1xf32>
    %sub3A_627 = vector.broadcast %broadcast_in_dim3A_626 : vector<1x1xf32> to vector<1x2048xf32>
    %sub3A_628 = arith.subf %add3A_623, %sub3A_627 : vector<1x2048xf32>
    %exp3A_629 = math.exp %sub3A_628 : vector<1x2048xf32>
    %get3A_630 = arith.constant 0 : index
    %get3A_631 = arith.constant 1280 : index
    %get3A_632 = vector.load %arg12[%get3A_630, %get3A_631] : memref<2048x1536xf32, #tpu.memory_space<vmem>>, vector<2048x64xf32>
    %dot_general3A_633 = arith.constant dense<0.000000e+00> : vector<1x64xf32>
    %dot_general3A_634 = tpu.matmul %exp3A_629, %get3A_632, %dot_general3A_633 {dimension_numbers = #tpu.dot_dimension_numbers<[1], [0], [0], [1], [0, 0, 1, 1], [], []>, transpose_lhs_hint = false} : vector<1x2048xf32>, vector<2048x64xf32>, vector<1x64xf32> -> vector<1x64xf32>
    %reduce_sum3A_635 = arith.constant dense<0.000000e+00> : vector<1xf32>
    %reduce_sum3A_636 = vector.multi_reduction <add>, %exp3A_629, %reduce_sum3A_635 [1] : vector<1x2048xf32> to vector<1xf32>
    %broadcast_in_dim3A_637 = vector.shape_cast %reduce_sum3A_636 : vector<1xf32> to vector<1x1xf32>
    %div3A_638 = vector.broadcast %broadcast_in_dim3A_637 : vector<1x1xf32> to vector<1x64xf32>
    %div3A_639 = arith.divf %dot_general3A_634, %div3A_638 : vector<1x64xf32>
    %get3A_640 = arith.constant 512 : index
    %get3A_641 = arith.constant 0 : index
    %get3A_642 = vector.load %arg9[%get3A_640, %get3A_641] : memref<768x768xf32, #tpu.memory_space<vmem>>, vector<64x768xf32>
    %dot_general3A_643 = arith.constant dense<0.000000e+00> : vector<1x768xf32>
    %dot_general3A_644 = tpu.matmul %div3A_639, %get3A_642, %dot_general3A_643 {dimension_numbers = #tpu.dot_dimension_numbers<[1], [0], [0], [1], [0, 0, 1, 1], [], []>, transpose_lhs_hint = false} : vector<1x64xf32>, vector<64x768xf32>, vector<1x768xf32> -> vector<1x768xf32>
    %add3A_645 = arith.addf %add3A_611, %dot_general3A_644 : vector<1x768xf32>
    %slice3A_646 = vector.extract_strided_slice %add3A_322 {offsets = [0, 576], sizes = [1, 64], strides = [1, 1]} : vector<1x768xf32> to vector<1x64xf32>
    %mul3A_647 = arith.constant 1.250000e-01 : f32
    %mul3A_648 = vector.broadcast %mul3A_647 : f32 to vector<1x64xf32>
    %mul3A_649 = arith.mulf %slice3A_646, %mul3A_648 : vector<1x64xf32>
    %get3A_650 = arith.constant 0 : index
    %get3A_651 = arith.constant 576 : index
    %get3A_652 = vector.load %arg12[%get3A_650, %get3A_651] : memref<2048x1536xf32, #tpu.memory_space<vmem>>, vector<2048x64xf32>
    %dot_general3A_653 = arith.constant dense<0.000000e+00> : vector<1x2048xf32>
    %dot_general3A_654 = tpu.matmul %mul3A_649, %get3A_652, %dot_general3A_653 {dimension_numbers = #tpu.dot_dimension_numbers<[1], [1], [0], [0], [0, 0, 1, 0], [], []>, transpose_lhs_hint = false} : vector<1x64xf32>, vector<2048x64xf32>, vector<1x2048xf32> -> vector<1x2048xf32>
    %dot_general3A_655 = arith.constant dense<0.000000e+00> : vector<1x2048xf32>
    %dot_general3A_656 = tpu.matmul %concatenate3A_335, %concatenate3A_339, %dot_general3A_655 {dimension_numbers = #tpu.dot_dimension_numbers<[1], [1], [0], [0], [0, 0, 1, 0], [], []>, transpose_lhs_hint = false} : vector<1x3xf32>, vector<2048x3xf32>, vector<1x2048xf32> -> vector<1x2048xf32>
    %add3A_657 = arith.addf %dot_general3A_654, %dot_general3A_656 : vector<1x2048xf32>
    %reduce_max3A_658 = arith.constant dense<0xFF800000> : vector<1xf32>
    %reduce_max3A_659 = vector.multi_reduction <maximumf>, %add3A_657, %reduce_max3A_658 [1] : vector<1x2048xf32> to vector<1xf32>
    %broadcast_in_dim3A_660 = vector.shape_cast %reduce_max3A_659 : vector<1xf32> to vector<1x1xf32>
    %sub3A_661 = vector.broadcast %broadcast_in_dim3A_660 : vector<1x1xf32> to vector<1x2048xf32>
    %sub3A_662 = arith.subf %add3A_657, %sub3A_661 : vector<1x2048xf32>
    %exp3A_663 = math.exp %sub3A_662 : vector<1x2048xf32>
    %get3A_664 = arith.constant 0 : index
    %get3A_665 = arith.constant 1344 : index
    %get3A_666 = vector.load %arg12[%get3A_664, %get3A_665] : memref<2048x1536xf32, #tpu.memory_space<vmem>>, vector<2048x64xf32>
    %dot_general3A_667 = arith.constant dense<0.000000e+00> : vector<1x64xf32>
    %dot_general3A_668 = tpu.matmul %exp3A_663, %get3A_666, %dot_general3A_667 {dimension_numbers = #tpu.dot_dimension_numbers<[1], [0], [0], [1], [0, 0, 1, 1], [], []>, transpose_lhs_hint = false} : vector<1x2048xf32>, vector<2048x64xf32>, vector<1x64xf32> -> vector<1x64xf32>
    %reduce_sum3A_669 = arith.constant dense<0.000000e+00> : vector<1xf32>
    %reduce_sum3A_670 = vector.multi_reduction <add>, %exp3A_663, %reduce_sum3A_669 [1] : vector<1x2048xf32> to vector<1xf32>
    %broadcast_in_dim3A_671 = vector.shape_cast %reduce_sum3A_670 : vector<1xf32> to vector<1x1xf32>
    %div3A_672 = vector.broadcast %broadcast_in_dim3A_671 : vector<1x1xf32> to vector<1x64xf32>
    %div3A_673 = arith.divf %dot_general3A_668, %div3A_672 : vector<1x64xf32>
    %get3A_674 = arith.constant 576 : index
    %get3A_675 = arith.constant 0 : index
    %get3A_676 = vector.load %arg9[%get3A_674, %get3A_675] : memref<768x768xf32, #tpu.memory_space<vmem>>, vector<64x768xf32>
    %dot_general3A_677 = arith.constant dense<0.000000e+00> : vector<1x768xf32>
    %dot_general3A_678 = tpu.matmul %div3A_673, %get3A_676, %dot_general3A_677 {dimension_numbers = #tpu.dot_dimension_numbers<[1], [0], [0], [1], [0, 0, 1, 1], [], []>, transpose_lhs_hint = false} : vector<1x64xf32>, vector<64x768xf32>, vector<1x768xf32> -> vector<1x768xf32>
    %add3A_679 = arith.addf %add3A_645, %dot_general3A_678 : vector<1x768xf32>
    %slice3A_680 = vector.extract_strided_slice %add3A_322 {offsets = [0, 640], sizes = [1, 64], strides = [1, 1]} : vector<1x768xf32> to vector<1x64xf32>
    %mul3A_681 = arith.constant 1.250000e-01 : f32
    %mul3A_682 = vector.broadcast %mul3A_681 : f32 to vector<1x64xf32>
    %mul3A_683 = arith.mulf %slice3A_680, %mul3A_682 : vector<1x64xf32>
    %get3A_684 = arith.constant 0 : index
    %get3A_685 = arith.constant 640 : index
    %get3A_686 = vector.load %arg12[%get3A_684, %get3A_685] : memref<2048x1536xf32, #tpu.memory_space<vmem>>, vector<2048x64xf32>
    %dot_general3A_687 = arith.constant dense<0.000000e+00> : vector<1x2048xf32>
    %dot_general3A_688 = tpu.matmul %mul3A_683, %get3A_686, %dot_general3A_687 {dimension_numbers = #tpu.dot_dimension_numbers<[1], [1], [0], [0], [0, 0, 1, 0], [], []>, transpose_lhs_hint = false} : vector<1x64xf32>, vector<2048x64xf32>, vector<1x2048xf32> -> vector<1x2048xf32>
    %dot_general3A_689 = arith.constant dense<0.000000e+00> : vector<1x2048xf32>
    %dot_general3A_690 = tpu.matmul %concatenate3A_335, %concatenate3A_339, %dot_general3A_689 {dimension_numbers = #tpu.dot_dimension_numbers<[1], [1], [0], [0], [0, 0, 1, 0], [], []>, transpose_lhs_hint = false} : vector<1x3xf32>, vector<2048x3xf32>, vector<1x2048xf32> -> vector<1x2048xf32>
    %add3A_691 = arith.addf %dot_general3A_688, %dot_general3A_690 : vector<1x2048xf32>
    %reduce_max3A_692 = arith.constant dense<0xFF800000> : vector<1xf32>
    %reduce_max3A_693 = vector.multi_reduction <maximumf>, %add3A_691, %reduce_max3A_692 [1] : vector<1x2048xf32> to vector<1xf32>
    %broadcast_in_dim3A_694 = vector.shape_cast %reduce_max3A_693 : vector<1xf32> to vector<1x1xf32>
    %sub3A_695 = vector.broadcast %broadcast_in_dim3A_694 : vector<1x1xf32> to vector<1x2048xf32>
    %sub3A_696 = arith.subf %add3A_691, %sub3A_695 : vector<1x2048xf32>
    %exp3A_697 = math.exp %sub3A_696 : vector<1x2048xf32>
    %get3A_698 = arith.constant 0 : index
    %get3A_699 = arith.constant 1408 : index
    %get3A_700 = vector.load %arg12[%get3A_698, %get3A_699] : memref<2048x1536xf32, #tpu.memory_space<vmem>>, vector<2048x64xf32>
    %dot_general3A_701 = arith.constant dense<0.000000e+00> : vector<1x64xf32>
    %dot_general3A_702 = tpu.matmul %exp3A_697, %get3A_700, %dot_general3A_701 {dimension_numbers = #tpu.dot_dimension_numbers<[1], [0], [0], [1], [0, 0, 1, 1], [], []>, transpose_lhs_hint = false} : vector<1x2048xf32>, vector<2048x64xf32>, vector<1x64xf32> -> vector<1x64xf32>
    %reduce_sum3A_703 = arith.constant dense<0.000000e+00> : vector<1xf32>
    %reduce_sum3A_704 = vector.multi_reduction <add>, %exp3A_697, %reduce_sum3A_703 [1] : vector<1x2048xf32> to vector<1xf32>
    %broadcast_in_dim3A_705 = vector.shape_cast %reduce_sum3A_704 : vector<1xf32> to vector<1x1xf32>
    %div3A_706 = vector.broadcast %broadcast_in_dim3A_705 : vector<1x1xf32> to vector<1x64xf32>
    %div3A_707 = arith.divf %dot_general3A_702, %div3A_706 : vector<1x64xf32>
    %get3A_708 = arith.constant 640 : index
    %get3A_709 = arith.constant 0 : index
    %get3A_710 = vector.load %arg9[%get3A_708, %get3A_709] : memref<768x768xf32, #tpu.memory_space<vmem>>, vector<64x768xf32>
    %dot_general3A_711 = arith.constant dense<0.000000e+00> : vector<1x768xf32>
    %dot_general3A_712 = tpu.matmul %div3A_707, %get3A_710, %dot_general3A_711 {dimension_numbers = #tpu.dot_dimension_numbers<[1], [0], [0], [1], [0, 0, 1, 1], [], []>, transpose_lhs_hint = false} : vector<1x64xf32>, vector<64x768xf32>, vector<1x768xf32> -> vector<1x768xf32>
    %add3A_713 = arith.addf %add3A_679, %dot_general3A_712 : vector<1x768xf32>
    %slice3A_714 = vector.extract_strided_slice %add3A_322 {offsets = [0, 704], sizes = [1, 64], strides = [1, 1]} : vector<1x768xf32> to vector<1x64xf32>
    %mul3A_715 = arith.constant 1.250000e-01 : f32
    %mul3A_716 = vector.broadcast %mul3A_715 : f32 to vector<1x64xf32>
    %mul3A_717 = arith.mulf %slice3A_714, %mul3A_716 : vector<1x64xf32>
    %get3A_718 = arith.constant 0 : index
    %get3A_719 = arith.constant 704 : index
    %get3A_720 = vector.load %arg12[%get3A_718, %get3A_719] : memref<2048x1536xf32, #tpu.memory_space<vmem>>, vector<2048x64xf32>
    %dot_general3A_721 = arith.constant dense<0.000000e+00> : vector<1x2048xf32>
    %dot_general3A_722 = tpu.matmul %mul3A_717, %get3A_720, %dot_general3A_721 {dimension_numbers = #tpu.dot_dimension_numbers<[1], [1], [0], [0], [0, 0, 1, 0], [], []>, transpose_lhs_hint = false} : vector<1x64xf32>, vector<2048x64xf32>, vector<1x2048xf32> -> vector<1x2048xf32>
    %dot_general3A_723 = arith.constant dense<0.000000e+00> : vector<1x2048xf32>
    %dot_general3A_724 = tpu.matmul %concatenate3A_335, %concatenate3A_339, %dot_general3A_723 {dimension_numbers = #tpu.dot_dimension_numbers<[1], [1], [0], [0], [0, 0, 1, 0], [], []>, transpose_lhs_hint = false} : vector<1x3xf32>, vector<2048x3xf32>, vector<1x2048xf32> -> vector<1x2048xf32>
    %add3A_725 = arith.addf %dot_general3A_722, %dot_general3A_724 : vector<1x2048xf32>
    %reduce_max3A_726 = arith.constant dense<0xFF800000> : vector<1xf32>
    %reduce_max3A_727 = vector.multi_reduction <maximumf>, %add3A_725, %reduce_max3A_726 [1] : vector<1x2048xf32> to vector<1xf32>
    %broadcast_in_dim3A_728 = vector.shape_cast %reduce_max3A_727 : vector<1xf32> to vector<1x1xf32>
    %sub3A_729 = vector.broadcast %broadcast_in_dim3A_728 : vector<1x1xf32> to vector<1x2048xf32>
    %sub3A_730 = arith.subf %add3A_725, %sub3A_729 : vector<1x2048xf32>
    %exp3A_731 = math.exp %sub3A_730 : vector<1x2048xf32>
    %get3A_732 = arith.constant 0 : index
    %get3A_733 = arith.constant 1472 : index
    %get3A_734 = vector.load %arg12[%get3A_732, %get3A_733] : memref<2048x1536xf32, #tpu.memory_space<vmem>>, vector<2048x64xf32>
    %dot_general3A_735 = arith.constant dense<0.000000e+00> : vector<1x64xf32>
    %dot_general3A_736 = tpu.matmul %exp3A_731, %get3A_734, %dot_general3A_735 {dimension_numbers = #tpu.dot_dimension_numbers<[1], [0], [0], [1], [0, 0, 1, 1], [], []>, transpose_lhs_hint = false} : vector<1x2048xf32>, vector<2048x64xf32>, vector<1x64xf32> -> vector<1x64xf32>
    %reduce_sum3A_737 = arith.constant dense<0.000000e+00> : vector<1xf32>
    %reduce_sum3A_738 = vector.multi_reduction <add>, %exp3A_731, %reduce_sum3A_737 [1] : vector<1x2048xf32> to vector<1xf32>
    %broadcast_in_dim3A_739 = vector.shape_cast %reduce_sum3A_738 : vector<1xf32> to vector<1x1xf32>
    %div3A_740 = vector.broadcast %broadcast_in_dim3A_739 : vector<1x1xf32> to vector<1x64xf32>
    %div3A_741 = arith.divf %dot_general3A_736, %div3A_740 : vector<1x64xf32>
    %get3A_742 = arith.constant 704 : index
    %get3A_743 = arith.constant 0 : index
    %get3A_744 = vector.load %arg9[%get3A_742, %get3A_743] : memref<768x768xf32, #tpu.memory_space<vmem>>, vector<64x768xf32>
    %dot_general3A_745 = arith.constant dense<0.000000e+00> : vector<1x768xf32>
    %dot_general3A_746 = tpu.matmul %div3A_741, %get3A_744, %dot_general3A_745 {dimension_numbers = #tpu.dot_dimension_numbers<[1], [0], [0], [1], [0, 0, 1, 1], [], []>, transpose_lhs_hint = false} : vector<1x64xf32>, vector<64x768xf32>, vector<1x768xf32> -> vector<1x768xf32>
    %add3A_747 = arith.addf %add3A_713, %dot_general3A_746 : vector<1x768xf32>
    %scan3A = arith.constant 0 : i32
    %scan3A_748 = arith.constant 8 : i32
    %scan3A_749 = arith.addi %scan3A, %scan3A_748 : i32
    %scan3A_750 = arith.constant 1 : i32
    scf.for %scan3A_752 = %scan3A to %scan3A_749 step %scan3A_750  : i32 {
      %mul3A_753 = arith.constant 256 : i32
      %mul3A_754 = arith.muli %scan3A_752, %mul3A_753 : i32
      %multiple_of3A_755 = tpu.assume_multiple %mul3A_754, 256 : i32
      %sub3A_756 = arith.constant 32 : i32
      %sub3A_757 = arith.subi %multiple_of3A_755, %sub3A_756 : i32
      %jit3A_758 = arith.constant 0 : i32
      %jit3A_759 = arith.constant 1728 : i32
      %max3A = arith.maxsi %jit3A_758, %sub3A_757 : i32
      %min3A = arith.minsi %jit3A_759, %max3A : i32
      %multiple_of3A_760 = tpu.assume_multiple %min3A, 32 : i32
      %get3A_761 = arith.index_cast %multiple_of3A_755 : i32 to index
      %get3A_762 = arith.constant 0 : index
      %get3A_763 = vector.load %arg13[%get3A_761, %get3A_762] : memref<2048x1xf32, #tpu.memory_space<vmem>>, vector<256x1xf32>
      %get3A_764 = arith.index_cast %multiple_of3A_760 : i32 to index
      %get3A_765 = arith.constant 0 : index
      %get3A_766 = vector.load %arg13[%get3A_764, %get3A_765] : memref<2048x1xf32, #tpu.memory_space<vmem>>, vector<320x1xf32>
      %iota3A_767 = tpu.iota {dimensions = array<i32: 0>} : vector<256x1xi32>
      %add3A_768 = vector.broadcast %multiple_of3A_755 : i32 to vector<256x1xi32>
      %add3A_769 = arith.addi %add3A_768, %iota3A_767 : vector<256x1xi32>
      %iota3A_770 = tpu.iota {dimensions = array<i32: 1>} : vector<1x320xi32>
      %add3A_771 = vector.broadcast %multiple_of3A_760 : i32 to vector<1x320xi32>
      %add3A_772 = arith.addi %add3A_771, %iota3A_770 : vector<1x320xi32>
      %sub3A_773 = arith.constant 32 : i32
      %sub3A_774 = vector.broadcast %sub3A_773 : i32 to vector<256x1xi32>
      %sub3A_775 = arith.subi %add3A_769, %sub3A_774 : vector<256x1xi32>
      %jit3A_776 = arith.constant 0 : i32
      %jit3A_777 = arith.constant 1984 : i32
      %max3A_778 = vector.broadcast %jit3A_776 : i32 to vector<256x1xi32>
      %max3A_779 = arith.maxsi %max3A_778, %sub3A_775 : vector<256x1xi32>
      %min3A_780 = vector.broadcast %jit3A_777 : i32 to vector<256x1xi32>
      %min3A_781 = arith.minsi %min3A_780, %max3A_779 : vector<256x1xi32>
      %ge3A = vector.broadcast %add3A_772 : vector<1x320xi32> to vector<256x320xi32>
      %ge3A_782 = vector.broadcast %min3A_781 : vector<256x1xi32> to vector<256x320xi32>
      %ge3A_783 = arith.cmpi sge, %ge3A, %ge3A_782 : vector<256x320xi32>
      %add3A_784 = arith.constant 64 : i32
      %add3A_785 = vector.broadcast %add3A_784 : i32 to vector<256x1xi32>
      %add3A_786 = arith.addi %min3A_781, %add3A_785 : vector<256x1xi32>
      %lt3A = vector.broadcast %add3A_772 : vector<1x320xi32> to vector<256x320xi32>
      %lt3A_787 = vector.broadcast %add3A_786 : vector<256x1xi32> to vector<256x320xi32>
      %lt3A_788 = arith.cmpi slt, %lt3A, %lt3A_787 : vector<256x320xi32>
      %and3A_789 = arith.andi %ge3A_783, %lt3A_788 : vector<256x320xi1>
      %ge3A_790 = vector.broadcast %get3A_0 : i32 to vector<256x1xi32>
      %ge3A_791 = arith.cmpi sge, %ge3A_790, %min3A_781 : vector<256x1xi32>
      %add3A_792 = arith.constant 64 : i32
      %add3A_793 = vector.broadcast %add3A_792 : i32 to vector<256x1xi32>
      %add3A_794 = arith.addi %min3A_781, %add3A_793 : vector<256x1xi32>
      %lt3A_795 = vector.broadcast %get3A_0 : i32 to vector<256x1xi32>
      %lt3A_796 = arith.cmpi slt, %lt3A_795, %add3A_794 : vector<256x1xi32>
      %and3A_797 = arith.andi %ge3A_791, %lt3A_796 : vector<256x1xi1>
      %not3A = arith.constant dense<true> : vector<256x1xi1>
      %not3A_798 = arith.xori %and3A_797, %not3A : vector<256x1xi1>
      %eq3A_799 = vector.broadcast %get3A_0 : i32 to vector<256x1xi32>
      %eq3A_800 = arith.cmpi eq, %add3A_769, %eq3A_799 : vector<256x1xi32>
      %mul3A_801 = arith.constant -5.000000e-01 : f32
      %mul3A_802 = vector.broadcast %mul3A_801 : f32 to vector<256x1xf32>
      %mul3A_803 = arith.mulf %mul3A_802, %get3A_763 : vector<256x1xf32>
      %mul3A_804 = arith.mulf %mul3A_803, %get3A_763 : vector<256x1xf32>
      %mul3A_805 = arith.constant 1.000000e+00 : f32
      %mul3A_806 = vector.broadcast %mul3A_805 : f32 to vector<256x1xf32>
      %mul3A_807 = arith.mulf %mul3A_806, %get3A_763 : vector<256x1xf32>
      %broadcast_in_dim3A_808 = arith.constant -5.000000e-01 : f32
      %broadcast_in_dim3A_809 = vector.broadcast %broadcast_in_dim3A_808 : f32 to vector<256x1xf32>
      %concatenate3A_810 = tpu.concatenate %mul3A_804, %mul3A_807, %broadcast_in_dim3A_809 in 1 : vector<256x1xf32>, vector<256x1xf32>, vector<256x1xf32> -> vector<256x3xf32>
      %broadcast_in_dim3A_811 = arith.constant 1.000000e+00 : f32
      %broadcast_in_dim3A_812 = vector.broadcast %broadcast_in_dim3A_811 : f32 to vector<320x1xf32>
      %mul3A_813 = arith.mulf %get3A_766, %get3A_766 : vector<320x1xf32>
      %concatenate3A_814 = tpu.concatenate %broadcast_in_dim3A_812, %get3A_766, %mul3A_813 in 1 : vector<320x1xf32>, vector<320x1xf32>, vector<320x1xf32> -> vector<320x3xf32>
      %get3A_815 = arith.constant 0 : index
      %get3A_816 = arith.index_cast %multiple_of3A_755 : i32 to index
      %get3A_817 = arith.constant 0 : index
      %get3A_818 = vector.load %arg2[%get3A_815, %get3A_816, %get3A_817] : memref<1x2048x768xf32, #tpu.memory_space<vmem>>, vector<1x256x768xf32>
      %get3A_819 = vector.shape_cast %get3A_818 : vector<1x256x768xf32> to vector<256x768xf32>
      %get3A_820 = arith.constant 0 : index
      %get3A_821 = arith.constant 0 : index
      %get3A_822 = vector.load %arg3[%get3A_820, %get3A_821] : memref<768x768xf32, #tpu.memory_space<vmem>>, vector<768x768xf32>
      %dot_general3A_823 = arith.constant dense<0.000000e+00> : vector<256x768xf32>
      %dot_general3A_824 = tpu.matmul %get3A_819, %get3A_822, %dot_general3A_823 {dimension_numbers = #tpu.dot_dimension_numbers<[1], [0], [0], [1], [0, 0, 1, 1], [], []>, transpose_lhs_hint = false} : vector<256x768xf32>, vector<768x768xf32>, vector<256x768xf32> -> vector<256x768xf32>
      %get3A_825 = arith.constant 0 : index
      %get3A_826 = arith.constant 0 : index
      %get3A_827 = vector.load %arg4[%get3A_825, %get3A_826] : memref<1x768xf32, #tpu.memory_space<vmem>>, vector<1x768xf32>
      %get3A_828 = vector.shape_cast %get3A_827 : vector<1x768xf32> to vector<768xf32>
      %broadcast_in_dim3A_829 = vector.shape_cast %get3A_828 : vector<768xf32> to vector<1x768xf32>
      %add3A_830 = vector.broadcast %broadcast_in_dim3A_829 : vector<1x768xf32> to vector<256x768xf32>
      %add3A_831 = arith.addf %dot_general3A_824, %add3A_830 : vector<256x768xf32>
      %broadcast_in_dim3A_832 = arith.constant 0.000000e+00 : f32
      %broadcast_in_dim3A_833 = vector.broadcast %broadcast_in_dim3A_832 : f32 to vector<256x768xf32>
      %slice3A_834 = vector.extract_strided_slice %add3A_831 {offsets = [0, 0], sizes = [256, 64], strides = [1, 1]} : vector<256x768xf32> to vector<256x64xf32>
      %mul3A_835 = arith.constant 1.250000e-01 : f32
      %mul3A_836 = vector.broadcast %mul3A_835 : f32 to vector<256x64xf32>
      %mul3A_837 = arith.mulf %slice3A_834, %mul3A_836 : vector<256x64xf32>
      %get3A_838 = arith.index_cast %multiple_of3A_760 : i32 to index
      %get3A_839 = arith.constant 0 : index
      %get3A_840 = vector.load %arg12[%get3A_838, %get3A_839] : memref<2048x1536xf32, #tpu.memory_space<vmem>>, vector<320x64xf32>
      %get3A_841 = arith.index_cast %multiple_of3A_760 : i32 to index
      %get3A_842 = arith.constant 768 : index
      %get3A_843 = vector.load %arg12[%get3A_841, %get3A_842] : memref<2048x1536xf32, #tpu.memory_space<vmem>>, vector<320x64xf32>
      %dot_general3A_844 = arith.constant dense<0.000000e+00> : vector<256x320xf32>
      %dot_general3A_845 = tpu.matmul %mul3A_837, %get3A_840, %dot_general3A_844 {dimension_numbers = #tpu.dot_dimension_numbers<[1], [1], [0], [0], [0, 0, 1, 0], [], []>, transpose_lhs_hint = false} : vector<256x64xf32>, vector<320x64xf32>, vector<256x320xf32> -> vector<256x320xf32>
      %dot_general3A_846 = arith.constant dense<0.000000e+00> : vector<256x320xf32>
      %dot_general3A_847 = tpu.matmul %concatenate3A_810, %concatenate3A_814, %dot_general3A_846 {dimension_numbers = #tpu.dot_dimension_numbers<[1], [1], [0], [0], [0, 0, 1, 0], [], []>, transpose_lhs_hint = false} : vector<256x3xf32>, vector<320x3xf32>, vector<256x320xf32> -> vector<256x320xf32>
      %add3A_848 = arith.addf %dot_general3A_845, %dot_general3A_847 : vector<256x320xf32>
      %jit3A_849 = arith.constant -1.000000e+30 : f32
      %broadcast_in_dim3A_850 = vector.broadcast %jit3A_849 : f32 to vector<256x320xf32>
      %select_n3A_851 = arith.select %and3A_789, %add3A_848, %broadcast_in_dim3A_850 : vector<256x320xi1>, vector<256x320xf32>
      %slice3A_852 = vector.extract_strided_slice %slice3A {offsets = [0, 0], sizes = [1, 64], strides = [1, 1]} : vector<1x768xf32> to vector<1x64xf32>
      %dot_general3A_853 = arith.constant dense<0.000000e+00> : vector<256x1xf32>
      %dot_general3A_854 = tpu.matmul %mul3A_837, %slice3A_852, %dot_general3A_853 {dimension_numbers = #tpu.dot_dimension_numbers<[1], [1], [0], [0], [0, 0, 1, 0], [], []>, transpose_lhs_hint = false} : vector<256x64xf32>, vector<1x64xf32>, vector<256x1xf32> -> vector<256x1xf32>
      %dot_general3A_855 = arith.constant dense<0.000000e+00> : vector<256x1xf32>
      %dot_general3A_856 = tpu.matmul %concatenate3A_810, %concatenate3A, %dot_general3A_855 {dimension_numbers = #tpu.dot_dimension_numbers<[1], [1], [0], [0], [0, 0, 1, 0], [], []>, transpose_lhs_hint = false} : vector<256x3xf32>, vector<1x3xf32>, vector<256x1xf32> -> vector<256x1xf32>
      %add3A_857 = arith.addf %dot_general3A_854, %dot_general3A_856 : vector<256x1xf32>
      %jit3A_858 = arith.constant -1.000000e+30 : f32
      %broadcast_in_dim3A_859 = vector.broadcast %jit3A_858 : f32 to vector<256x1xf32>
      %select_n3A_860 = arith.select %not3A_798, %add3A_857, %broadcast_in_dim3A_859 : vector<256x1xi1>, vector<256x1xf32>
      %exp3A_861 = math.exp %select_n3A_851 : vector<256x320xf32>
      %exp3A_862 = math.exp %select_n3A_860 : vector<256x1xf32>
      %reduce_sum3A_863 = arith.constant dense<0.000000e+00> : vector<256xf32>
      %reduce_sum3A_864 = vector.multi_reduction <add>, %exp3A_861, %reduce_sum3A_863 [1] : vector<256x320xf32> to vector<256xf32>
      %broadcast_in_dim3A_865 = vector.shape_cast %reduce_sum3A_864 : vector<256xf32> to vector<256x1xf32>
      %add3A_866 = arith.addf %broadcast_in_dim3A_865, %exp3A_862 : vector<256x1xf32>
      %dot_general3A_867 = arith.constant dense<0.000000e+00> : vector<256x64xf32>
      %dot_general3A_868 = tpu.matmul %exp3A_861, %get3A_843, %dot_general3A_867 {dimension_numbers = #tpu.dot_dimension_numbers<[1], [0], [0], [1], [0, 0, 1, 1], [], []>, transpose_lhs_hint = false} : vector<256x320xf32>, vector<320x64xf32>, vector<256x64xf32> -> vector<256x64xf32>
      %slice3A_869 = vector.extract_strided_slice %slice3A_267 {offsets = [0, 0], sizes = [1, 64], strides = [1, 1]} : vector<1x768xf32> to vector<1x64xf32>
      %mul3A_870 = vector.broadcast %exp3A_862 : vector<256x1xf32> to vector<256x64xf32>
      %mul3A_871 = vector.broadcast %slice3A_869 : vector<1x64xf32> to vector<256x64xf32>
      %mul3A_872 = arith.mulf %mul3A_870, %mul3A_871 : vector<256x64xf32>
      %add3A_873 = arith.addf %dot_general3A_868, %mul3A_872 : vector<256x64xf32>
      %div3A_874 = vector.broadcast %add3A_866 : vector<256x1xf32> to vector<256x64xf32>
      %div3A_875 = arith.divf %add3A_873, %div3A_874 : vector<256x64xf32>
      %get3A_876 = arith.constant 0 : index
      %get3A_877 = arith.constant 0 : index
      %get3A_878 = vector.load %arg9[%get3A_876, %get3A_877] : memref<768x768xf32, #tpu.memory_space<vmem>>, vector<64x768xf32>
      %dot_general3A_879 = arith.constant dense<0.000000e+00> : vector<256x768xf32>
      %dot_general3A_880 = tpu.matmul %div3A_875, %get3A_878, %dot_general3A_879 {dimension_numbers = #tpu.dot_dimension_numbers<[1], [0], [0], [1], [0, 0, 1, 1], [], []>, transpose_lhs_hint = false} : vector<256x64xf32>, vector<64x768xf32>, vector<256x768xf32> -> vector<256x768xf32>
      %add3A_881 = arith.addf %broadcast_in_dim3A_833, %dot_general3A_880 : vector<256x768xf32>
      %slice3A_882 = vector.extract_strided_slice %add3A_831 {offsets = [0, 64], sizes = [256, 64], strides = [1, 1]} : vector<256x768xf32> to vector<256x64xf32>
      %mul3A_883 = arith.constant 1.250000e-01 : f32
      %mul3A_884 = vector.broadcast %mul3A_883 : f32 to vector<256x64xf32>
      %mul3A_885 = arith.mulf %slice3A_882, %mul3A_884 : vector<256x64xf32>
      %get3A_886 = arith.index_cast %multiple_of3A_760 : i32 to index
      %get3A_887 = arith.constant 64 : index
      %get3A_888 = vector.load %arg12[%get3A_886, %get3A_887] : memref<2048x1536xf32, #tpu.memory_space<vmem>>, vector<320x64xf32>
      %get3A_889 = arith.index_cast %multiple_of3A_760 : i32 to index
      %get3A_890 = arith.constant 832 : index
      %get3A_891 = vector.load %arg12[%get3A_889, %get3A_890] : memref<2048x1536xf32, #tpu.memory_space<vmem>>, vector<320x64xf32>
      %dot_general3A_892 = arith.constant dense<0.000000e+00> : vector<256x320xf32>
      %dot_general3A_893 = tpu.matmul %mul3A_885, %get3A_888, %dot_general3A_892 {dimension_numbers = #tpu.dot_dimension_numbers<[1], [1], [0], [0], [0, 0, 1, 0], [], []>, transpose_lhs_hint = false} : vector<256x64xf32>, vector<320x64xf32>, vector<256x320xf32> -> vector<256x320xf32>
      %dot_general3A_894 = arith.constant dense<0.000000e+00> : vector<256x320xf32>
      %dot_general3A_895 = tpu.matmul %concatenate3A_810, %concatenate3A_814, %dot_general3A_894 {dimension_numbers = #tpu.dot_dimension_numbers<[1], [1], [0], [0], [0, 0, 1, 0], [], []>, transpose_lhs_hint = false} : vector<256x3xf32>, vector<320x3xf32>, vector<256x320xf32> -> vector<256x320xf32>
      %add3A_896 = arith.addf %dot_general3A_893, %dot_general3A_895 : vector<256x320xf32>
      %jit3A_897 = arith.constant -1.000000e+30 : f32
      %broadcast_in_dim3A_898 = vector.broadcast %jit3A_897 : f32 to vector<256x320xf32>
      %select_n3A_899 = arith.select %and3A_789, %add3A_896, %broadcast_in_dim3A_898 : vector<256x320xi1>, vector<256x320xf32>
      %slice3A_900 = vector.extract_strided_slice %slice3A {offsets = [0, 64], sizes = [1, 64], strides = [1, 1]} : vector<1x768xf32> to vector<1x64xf32>
      %dot_general3A_901 = arith.constant dense<0.000000e+00> : vector<256x1xf32>
      %dot_general3A_902 = tpu.matmul %mul3A_885, %slice3A_900, %dot_general3A_901 {dimension_numbers = #tpu.dot_dimension_numbers<[1], [1], [0], [0], [0, 0, 1, 0], [], []>, transpose_lhs_hint = false} : vector<256x64xf32>, vector<1x64xf32>, vector<256x1xf32> -> vector<256x1xf32>
      %dot_general3A_903 = arith.constant dense<0.000000e+00> : vector<256x1xf32>
      %dot_general3A_904 = tpu.matmul %concatenate3A_810, %concatenate3A, %dot_general3A_903 {dimension_numbers = #tpu.dot_dimension_numbers<[1], [1], [0], [0], [0, 0, 1, 0], [], []>, transpose_lhs_hint = false} : vector<256x3xf32>, vector<1x3xf32>, vector<256x1xf32> -> vector<256x1xf32>
      %add3A_905 = arith.addf %dot_general3A_902, %dot_general3A_904 : vector<256x1xf32>
      %jit3A_906 = arith.constant -1.000000e+30 : f32
      %broadcast_in_dim3A_907 = vector.broadcast %jit3A_906 : f32 to vector<256x1xf32>
      %select_n3A_908 = arith.select %not3A_798, %add3A_905, %broadcast_in_dim3A_907 : vector<256x1xi1>, vector<256x1xf32>
      %exp3A_909 = math.exp %select_n3A_899 : vector<256x320xf32>
      %exp3A_910 = math.exp %select_n3A_908 : vector<256x1xf32>
      %reduce_sum3A_911 = arith.constant dense<0.000000e+00> : vector<256xf32>
      %reduce_sum3A_912 = vector.multi_reduction <add>, %exp3A_909, %reduce_sum3A_911 [1] : vector<256x320xf32> to vector<256xf32>
      %broadcast_in_dim3A_913 = vector.shape_cast %reduce_sum3A_912 : vector<256xf32> to vector<256x1xf32>
      %add3A_914 = arith.addf %broadcast_in_dim3A_913, %exp3A_910 : vector<256x1xf32>
      %dot_general3A_915 = arith.constant dense<0.000000e+00> : vector<256x64xf32>
      %dot_general3A_916 = tpu.matmul %exp3A_909, %get3A_891, %dot_general3A_915 {dimension_numbers = #tpu.dot_dimension_numbers<[1], [0], [0], [1], [0, 0, 1, 1], [], []>, transpose_lhs_hint = false} : vector<256x320xf32>, vector<320x64xf32>, vector<256x64xf32> -> vector<256x64xf32>
      %slice3A_917 = vector.extract_strided_slice %slice3A_267 {offsets = [0, 64], sizes = [1, 64], strides = [1, 1]} : vector<1x768xf32> to vector<1x64xf32>
      %mul3A_918 = vector.broadcast %exp3A_910 : vector<256x1xf32> to vector<256x64xf32>
      %mul3A_919 = vector.broadcast %slice3A_917 : vector<1x64xf32> to vector<256x64xf32>
      %mul3A_920 = arith.mulf %mul3A_918, %mul3A_919 : vector<256x64xf32>
      %add3A_921 = arith.addf %dot_general3A_916, %mul3A_920 : vector<256x64xf32>
      %div3A_922 = vector.broadcast %add3A_914 : vector<256x1xf32> to vector<256x64xf32>
      %div3A_923 = arith.divf %add3A_921, %div3A_922 : vector<256x64xf32>
      %get3A_924 = arith.constant 64 : index
      %get3A_925 = arith.constant 0 : index
      %get3A_926 = vector.load %arg9[%get3A_924, %get3A_925] : memref<768x768xf32, #tpu.memory_space<vmem>>, vector<64x768xf32>
      %dot_general3A_927 = arith.constant dense<0.000000e+00> : vector<256x768xf32>
      %dot_general3A_928 = tpu.matmul %div3A_923, %get3A_926, %dot_general3A_927 {dimension_numbers = #tpu.dot_dimension_numbers<[1], [0], [0], [1], [0, 0, 1, 1], [], []>, transpose_lhs_hint = false} : vector<256x64xf32>, vector<64x768xf32>, vector<256x768xf32> -> vector<256x768xf32>
      %add3A_929 = arith.addf %add3A_881, %dot_general3A_928 : vector<256x768xf32>
      %slice3A_930 = vector.extract_strided_slice %add3A_831 {offsets = [0, 128], sizes = [256, 64], strides = [1, 1]} : vector<256x768xf32> to vector<256x64xf32>
      %mul3A_931 = arith.constant 1.250000e-01 : f32
      %mul3A_932 = vector.broadcast %mul3A_931 : f32 to vector<256x64xf32>
      %mul3A_933 = arith.mulf %slice3A_930, %mul3A_932 : vector<256x64xf32>
      %get3A_934 = arith.index_cast %multiple_of3A_760 : i32 to index
      %get3A_935 = arith.constant 128 : index
      %get3A_936 = vector.load %arg12[%get3A_934, %get3A_935] : memref<2048x1536xf32, #tpu.memory_space<vmem>>, vector<320x64xf32>
      %get3A_937 = arith.index_cast %multiple_of3A_760 : i32 to index
      %get3A_938 = arith.constant 896 : index
      %get3A_939 = vector.load %arg12[%get3A_937, %get3A_938] : memref<2048x1536xf32, #tpu.memory_space<vmem>>, vector<320x64xf32>
      %dot_general3A_940 = arith.constant dense<0.000000e+00> : vector<256x320xf32>
      %dot_general3A_941 = tpu.matmul %mul3A_933, %get3A_936, %dot_general3A_940 {dimension_numbers = #tpu.dot_dimension_numbers<[1], [1], [0], [0], [0, 0, 1, 0], [], []>, transpose_lhs_hint = false} : vector<256x64xf32>, vector<320x64xf32>, vector<256x320xf32> -> vector<256x320xf32>
      %dot_general3A_942 = arith.constant dense<0.000000e+00> : vector<256x320xf32>
      %dot_general3A_943 = tpu.matmul %concatenate3A_810, %concatenate3A_814, %dot_general3A_942 {dimension_numbers = #tpu.dot_dimension_numbers<[1], [1], [0], [0], [0, 0, 1, 0], [], []>, transpose_lhs_hint = false} : vector<256x3xf32>, vector<320x3xf32>, vector<256x320xf32> -> vector<256x320xf32>
      %add3A_944 = arith.addf %dot_general3A_941, %dot_general3A_943 : vector<256x320xf32>
      %jit3A_945 = arith.constant -1.000000e+30 : f32
      %broadcast_in_dim3A_946 = vector.broadcast %jit3A_945 : f32 to vector<256x320xf32>
      %select_n3A_947 = arith.select %and3A_789, %add3A_944, %broadcast_in_dim3A_946 : vector<256x320xi1>, vector<256x320xf32>
      %slice3A_948 = vector.extract_strided_slice %slice3A {offsets = [0, 128], sizes = [1, 64], strides = [1, 1]} : vector<1x768xf32> to vector<1x64xf32>
      %dot_general3A_949 = arith.constant dense<0.000000e+00> : vector<256x1xf32>
      %dot_general3A_950 = tpu.matmul %mul3A_933, %slice3A_948, %dot_general3A_949 {dimension_numbers = #tpu.dot_dimension_numbers<[1], [1], [0], [0], [0, 0, 1, 0], [], []>, transpose_lhs_hint = false} : vector<256x64xf32>, vector<1x64xf32>, vector<256x1xf32> -> vector<256x1xf32>
      %dot_general3A_951 = arith.constant dense<0.000000e+00> : vector<256x1xf32>
      %dot_general3A_952 = tpu.matmul %concatenate3A_810, %concatenate3A, %dot_general3A_951 {dimension_numbers = #tpu.dot_dimension_numbers<[1], [1], [0], [0], [0, 0, 1, 0], [], []>, transpose_lhs_hint = false} : vector<256x3xf32>, vector<1x3xf32>, vector<256x1xf32> -> vector<256x1xf32>
      %add3A_953 = arith.addf %dot_general3A_950, %dot_general3A_952 : vector<256x1xf32>
      %jit3A_954 = arith.constant -1.000000e+30 : f32
      %broadcast_in_dim3A_955 = vector.broadcast %jit3A_954 : f32 to vector<256x1xf32>
      %select_n3A_956 = arith.select %not3A_798, %add3A_953, %broadcast_in_dim3A_955 : vector<256x1xi1>, vector<256x1xf32>
      %exp3A_957 = math.exp %select_n3A_947 : vector<256x320xf32>
      %exp3A_958 = math.exp %select_n3A_956 : vector<256x1xf32>
      %reduce_sum3A_959 = arith.constant dense<0.000000e+00> : vector<256xf32>
      %reduce_sum3A_960 = vector.multi_reduction <add>, %exp3A_957, %reduce_sum3A_959 [1] : vector<256x320xf32> to vector<256xf32>
      %broadcast_in_dim3A_961 = vector.shape_cast %reduce_sum3A_960 : vector<256xf32> to vector<256x1xf32>
      %add3A_962 = arith.addf %broadcast_in_dim3A_961, %exp3A_958 : vector<256x1xf32>
      %dot_general3A_963 = arith.constant dense<0.000000e+00> : vector<256x64xf32>
      %dot_general3A_964 = tpu.matmul %exp3A_957, %get3A_939, %dot_general3A_963 {dimension_numbers = #tpu.dot_dimension_numbers<[1], [0], [0], [1], [0, 0, 1, 1], [], []>, transpose_lhs_hint = false} : vector<256x320xf32>, vector<320x64xf32>, vector<256x64xf32> -> vector<256x64xf32>
      %slice3A_965 = vector.extract_strided_slice %slice3A_267 {offsets = [0, 128], sizes = [1, 64], strides = [1, 1]} : vector<1x768xf32> to vector<1x64xf32>
      %mul3A_966 = vector.broadcast %exp3A_958 : vector<256x1xf32> to vector<256x64xf32>
      %mul3A_967 = vector.broadcast %slice3A_965 : vector<1x64xf32> to vector<256x64xf32>
      %mul3A_968 = arith.mulf %mul3A_966, %mul3A_967 : vector<256x64xf32>
      %add3A_969 = arith.addf %dot_general3A_964, %mul3A_968 : vector<256x64xf32>
      %div3A_970 = vector.broadcast %add3A_962 : vector<256x1xf32> to vector<256x64xf32>
      %div3A_971 = arith.divf %add3A_969, %div3A_970 : vector<256x64xf32>
      %get3A_972 = arith.constant 128 : index
      %get3A_973 = arith.constant 0 : index
      %get3A_974 = vector.load %arg9[%get3A_972, %get3A_973] : memref<768x768xf32, #tpu.memory_space<vmem>>, vector<64x768xf32>
      %dot_general3A_975 = arith.constant dense<0.000000e+00> : vector<256x768xf32>
      %dot_general3A_976 = tpu.matmul %div3A_971, %get3A_974, %dot_general3A_975 {dimension_numbers = #tpu.dot_dimension_numbers<[1], [0], [0], [1], [0, 0, 1, 1], [], []>, transpose_lhs_hint = false} : vector<256x64xf32>, vector<64x768xf32>, vector<256x768xf32> -> vector<256x768xf32>
      %add3A_977 = arith.addf %add3A_929, %dot_general3A_976 : vector<256x768xf32>
      %slice3A_978 = vector.extract_strided_slice %add3A_831 {offsets = [0, 192], sizes = [256, 64], strides = [1, 1]} : vector<256x768xf32> to vector<256x64xf32>
      %mul3A_979 = arith.constant 1.250000e-01 : f32
      %mul3A_980 = vector.broadcast %mul3A_979 : f32 to vector<256x64xf32>
      %mul3A_981 = arith.mulf %slice3A_978, %mul3A_980 : vector<256x64xf32>
      %get3A_982 = arith.index_cast %multiple_of3A_760 : i32 to index
      %get3A_983 = arith.constant 192 : index
      %get3A_984 = vector.load %arg12[%get3A_982, %get3A_983] : memref<2048x1536xf32, #tpu.memory_space<vmem>>, vector<320x64xf32>
      %get3A_985 = arith.index_cast %multiple_of3A_760 : i32 to index
      %get3A_986 = arith.constant 960 : index
      %get3A_987 = vector.load %arg12[%get3A_985, %get3A_986] : memref<2048x1536xf32, #tpu.memory_space<vmem>>, vector<320x64xf32>
      %dot_general3A_988 = arith.constant dense<0.000000e+00> : vector<256x320xf32>
      %dot_general3A_989 = tpu.matmul %mul3A_981, %get3A_984, %dot_general3A_988 {dimension_numbers = #tpu.dot_dimension_numbers<[1], [1], [0], [0], [0, 0, 1, 0], [], []>, transpose_lhs_hint = false} : vector<256x64xf32>, vector<320x64xf32>, vector<256x320xf32> -> vector<256x320xf32>
      %dot_general3A_990 = arith.constant dense<0.000000e+00> : vector<256x320xf32>
      %dot_general3A_991 = tpu.matmul %concatenate3A_810, %concatenate3A_814, %dot_general3A_990 {dimension_numbers = #tpu.dot_dimension_numbers<[1], [1], [0], [0], [0, 0, 1, 0], [], []>, transpose_lhs_hint = false} : vector<256x3xf32>, vector<320x3xf32>, vector<256x320xf32> -> vector<256x320xf32>
      %add3A_992 = arith.addf %dot_general3A_989, %dot_general3A_991 : vector<256x320xf32>
      %jit3A_993 = arith.constant -1.000000e+30 : f32
      %broadcast_in_dim3A_994 = vector.broadcast %jit3A_993 : f32 to vector<256x320xf32>
      %select_n3A_995 = arith.select %and3A_789, %add3A_992, %broadcast_in_dim3A_994 : vector<256x320xi1>, vector<256x320xf32>
      %slice3A_996 = vector.extract_strided_slice %slice3A {offsets = [0, 192], sizes = [1, 64], strides = [1, 1]} : vector<1x768xf32> to vector<1x64xf32>
      %dot_general3A_997 = arith.constant dense<0.000000e+00> : vector<256x1xf32>
      %dot_general3A_998 = tpu.matmul %mul3A_981, %slice3A_996, %dot_general3A_997 {dimension_numbers = #tpu.dot_dimension_numbers<[1], [1], [0], [0], [0, 0, 1, 0], [], []>, transpose_lhs_hint = false} : vector<256x64xf32>, vector<1x64xf32>, vector<256x1xf32> -> vector<256x1xf32>
      %dot_general3A_999 = arith.constant dense<0.000000e+00> : vector<256x1xf32>
      %dot_general3A_1000 = tpu.matmul %concatenate3A_810, %concatenate3A, %dot_general3A_999 {dimension_numbers = #tpu.dot_dimension_numbers<[1], [1], [0], [0], [0, 0, 1, 0], [], []>, transpose_lhs_hint = false} : vector<256x3xf32>, vector<1x3xf32>, vector<256x1xf32> -> vector<256x1xf32>
      %add3A_1001 = arith.addf %dot_general3A_998, %dot_general3A_1000 : vector<256x1xf32>
      %jit3A_1002 = arith.constant -1.000000e+30 : f32
      %broadcast_in_dim3A_1003 = vector.broadcast %jit3A_1002 : f32 to vector<256x1xf32>
      %select_n3A_1004 = arith.select %not3A_798, %add3A_1001, %broadcast_in_dim3A_1003 : vector<256x1xi1>, vector<256x1xf32>
      %exp3A_1005 = math.exp %select_n3A_995 : vector<256x320xf32>
      %exp3A_1006 = math.exp %select_n3A_1004 : vector<256x1xf32>
      %reduce_sum3A_1007 = arith.constant dense<0.000000e+00> : vector<256xf32>
      %reduce_sum3A_1008 = vector.multi_reduction <add>, %exp3A_1005, %reduce_sum3A_1007 [1] : vector<256x320xf32> to vector<256xf32>
      %broadcast_in_dim3A_1009 = vector.shape_cast %reduce_sum3A_1008 : vector<256xf32> to vector<256x1xf32>
      %add3A_1010 = arith.addf %broadcast_in_dim3A_1009, %exp3A_1006 : vector<256x1xf32>
      %dot_general3A_1011 = arith.constant dense<0.000000e+00> : vector<256x64xf32>
      %dot_general3A_1012 = tpu.matmul %exp3A_1005, %get3A_987, %dot_general3A_1011 {dimension_numbers = #tpu.dot_dimension_numbers<[1], [0], [0], [1], [0, 0, 1, 1], [], []>, transpose_lhs_hint = false} : vector<256x320xf32>, vector<320x64xf32>, vector<256x64xf32> -> vector<256x64xf32>
      %slice3A_1013 = vector.extract_strided_slice %slice3A_267 {offsets = [0, 192], sizes = [1, 64], strides = [1, 1]} : vector<1x768xf32> to vector<1x64xf32>
      %mul3A_1014 = vector.broadcast %exp3A_1006 : vector<256x1xf32> to vector<256x64xf32>
      %mul3A_1015 = vector.broadcast %slice3A_1013 : vector<1x64xf32> to vector<256x64xf32>
      %mul3A_1016 = arith.mulf %mul3A_1014, %mul3A_1015 : vector<256x64xf32>
      %add3A_1017 = arith.addf %dot_general3A_1012, %mul3A_1016 : vector<256x64xf32>
      %div3A_1018 = vector.broadcast %add3A_1010 : vector<256x1xf32> to vector<256x64xf32>
      %div3A_1019 = arith.divf %add3A_1017, %div3A_1018 : vector<256x64xf32>
      %get3A_1020 = arith.constant 192 : index
      %get3A_1021 = arith.constant 0 : index
      %get3A_1022 = vector.load %arg9[%get3A_1020, %get3A_1021] : memref<768x768xf32, #tpu.memory_space<vmem>>, vector<64x768xf32>
      %dot_general3A_1023 = arith.constant dense<0.000000e+00> : vector<256x768xf32>
      %dot_general3A_1024 = tpu.matmul %div3A_1019, %get3A_1022, %dot_general3A_1023 {dimension_numbers = #tpu.dot_dimension_numbers<[1], [0], [0], [1], [0, 0, 1, 1], [], []>, transpose_lhs_hint = false} : vector<256x64xf32>, vector<64x768xf32>, vector<256x768xf32> -> vector<256x768xf32>
      %add3A_1025 = arith.addf %add3A_977, %dot_general3A_1024 : vector<256x768xf32>
      %slice3A_1026 = vector.extract_strided_slice %add3A_831 {offsets = [0, 256], sizes = [256, 64], strides = [1, 1]} : vector<256x768xf32> to vector<256x64xf32>
      %mul3A_1027 = arith.constant 1.250000e-01 : f32
      %mul3A_1028 = vector.broadcast %mul3A_1027 : f32 to vector<256x64xf32>
      %mul3A_1029 = arith.mulf %slice3A_1026, %mul3A_1028 : vector<256x64xf32>
      %get3A_1030 = arith.index_cast %multiple_of3A_760 : i32 to index
      %get3A_1031 = arith.constant 256 : index
      %get3A_1032 = vector.load %arg12[%get3A_1030, %get3A_1031] : memref<2048x1536xf32, #tpu.memory_space<vmem>>, vector<320x64xf32>
      %get3A_1033 = arith.index_cast %multiple_of3A_760 : i32 to index
      %get3A_1034 = arith.constant 1024 : index
      %get3A_1035 = vector.load %arg12[%get3A_1033, %get3A_1034] : memref<2048x1536xf32, #tpu.memory_space<vmem>>, vector<320x64xf32>
      %dot_general3A_1036 = arith.constant dense<0.000000e+00> : vector<256x320xf32>
      %dot_general3A_1037 = tpu.matmul %mul3A_1029, %get3A_1032, %dot_general3A_1036 {dimension_numbers = #tpu.dot_dimension_numbers<[1], [1], [0], [0], [0, 0, 1, 0], [], []>, transpose_lhs_hint = false} : vector<256x64xf32>, vector<320x64xf32>, vector<256x320xf32> -> vector<256x320xf32>
      %dot_general3A_1038 = arith.constant dense<0.000000e+00> : vector<256x320xf32>
      %dot_general3A_1039 = tpu.matmul %concatenate3A_810, %concatenate3A_814, %dot_general3A_1038 {dimension_numbers = #tpu.dot_dimension_numbers<[1], [1], [0], [0], [0, 0, 1, 0], [], []>, transpose_lhs_hint = false} : vector<256x3xf32>, vector<320x3xf32>, vector<256x320xf32> -> vector<256x320xf32>
      %add3A_1040 = arith.addf %dot_general3A_1037, %dot_general3A_1039 : vector<256x320xf32>
      %jit3A_1041 = arith.constant -1.000000e+30 : f32
      %broadcast_in_dim3A_1042 = vector.broadcast %jit3A_1041 : f32 to vector<256x320xf32>
      %select_n3A_1043 = arith.select %and3A_789, %add3A_1040, %broadcast_in_dim3A_1042 : vector<256x320xi1>, vector<256x320xf32>
      %slice3A_1044 = vector.extract_strided_slice %slice3A {offsets = [0, 256], sizes = [1, 64], strides = [1, 1]} : vector<1x768xf32> to vector<1x64xf32>
      %dot_general3A_1045 = arith.constant dense<0.000000e+00> : vector<256x1xf32>
      %dot_general3A_1046 = tpu.matmul %mul3A_1029, %slice3A_1044, %dot_general3A_1045 {dimension_numbers = #tpu.dot_dimension_numbers<[1], [1], [0], [0], [0, 0, 1, 0], [], []>, transpose_lhs_hint = false} : vector<256x64xf32>, vector<1x64xf32>, vector<256x1xf32> -> vector<256x1xf32>
      %dot_general3A_1047 = arith.constant dense<0.000000e+00> : vector<256x1xf32>
      %dot_general3A_1048 = tpu.matmul %concatenate3A_810, %concatenate3A, %dot_general3A_1047 {dimension_numbers = #tpu.dot_dimension_numbers<[1], [1], [0], [0], [0, 0, 1, 0], [], []>, transpose_lhs_hint = false} : vector<256x3xf32>, vector<1x3xf32>, vector<256x1xf32> -> vector<256x1xf32>
      %add3A_1049 = arith.addf %dot_general3A_1046, %dot_general3A_1048 : vector<256x1xf32>
      %jit3A_1050 = arith.constant -1.000000e+30 : f32
      %broadcast_in_dim3A_1051 = vector.broadcast %jit3A_1050 : f32 to vector<256x1xf32>
      %select_n3A_1052 = arith.select %not3A_798, %add3A_1049, %broadcast_in_dim3A_1051 : vector<256x1xi1>, vector<256x1xf32>
      %exp3A_1053 = math.exp %select_n3A_1043 : vector<256x320xf32>
      %exp3A_1054 = math.exp %select_n3A_1052 : vector<256x1xf32>
      %reduce_sum3A_1055 = arith.constant dense<0.000000e+00> : vector<256xf32>
      %reduce_sum3A_1056 = vector.multi_reduction <add>, %exp3A_1053, %reduce_sum3A_1055 [1] : vector<256x320xf32> to vector<256xf32>
      %broadcast_in_dim3A_1057 = vector.shape_cast %reduce_sum3A_1056 : vector<256xf32> to vector<256x1xf32>
      %add3A_1058 = arith.addf %broadcast_in_dim3A_1057, %exp3A_1054 : vector<256x1xf32>
      %dot_general3A_1059 = arith.constant dense<0.000000e+00> : vector<256x64xf32>
      %dot_general3A_1060 = tpu.matmul %exp3A_1053, %get3A_1035, %dot_general3A_1059 {dimension_numbers = #tpu.dot_dimension_numbers<[1], [0], [0], [1], [0, 0, 1, 1], [], []>, transpose_lhs_hint = false} : vector<256x320xf32>, vector<320x64xf32>, vector<256x64xf32> -> vector<256x64xf32>
      %slice3A_1061 = vector.extract_strided_slice %slice3A_267 {offsets = [0, 256], sizes = [1, 64], strides = [1, 1]} : vector<1x768xf32> to vector<1x64xf32>
      %mul3A_1062 = vector.broadcast %exp3A_1054 : vector<256x1xf32> to vector<256x64xf32>
      %mul3A_1063 = vector.broadcast %slice3A_1061 : vector<1x64xf32> to vector<256x64xf32>
      %mul3A_1064 = arith.mulf %mul3A_1062, %mul3A_1063 : vector<256x64xf32>
      %add3A_1065 = arith.addf %dot_general3A_1060, %mul3A_1064 : vector<256x64xf32>
      %div3A_1066 = vector.broadcast %add3A_1058 : vector<256x1xf32> to vector<256x64xf32>
      %div3A_1067 = arith.divf %add3A_1065, %div3A_1066 : vector<256x64xf32>
      %get3A_1068 = arith.constant 256 : index
      %get3A_1069 = arith.constant 0 : index
      %get3A_1070 = vector.load %arg9[%get3A_1068, %get3A_1069] : memref<768x768xf32, #tpu.memory_space<vmem>>, vector<64x768xf32>
      %dot_general3A_1071 = arith.constant dense<0.000000e+00> : vector<256x768xf32>
      %dot_general3A_1072 = tpu.matmul %div3A_1067, %get3A_1070, %dot_general3A_1071 {dimension_numbers = #tpu.dot_dimension_numbers<[1], [0], [0], [1], [0, 0, 1, 1], [], []>, transpose_lhs_hint = false} : vector<256x64xf32>, vector<64x768xf32>, vector<256x768xf32> -> vector<256x768xf32>
      %add3A_1073 = arith.addf %add3A_1025, %dot_general3A_1072 : vector<256x768xf32>
      %slice3A_1074 = vector.extract_strided_slice %add3A_831 {offsets = [0, 320], sizes = [256, 64], strides = [1, 1]} : vector<256x768xf32> to vector<256x64xf32>
      %mul3A_1075 = arith.constant 1.250000e-01 : f32
      %mul3A_1076 = vector.broadcast %mul3A_1075 : f32 to vector<256x64xf32>
      %mul3A_1077 = arith.mulf %slice3A_1074, %mul3A_1076 : vector<256x64xf32>
      %get3A_1078 = arith.index_cast %multiple_of3A_760 : i32 to index
      %get3A_1079 = arith.constant 320 : index
      %get3A_1080 = vector.load %arg12[%get3A_1078, %get3A_1079] : memref<2048x1536xf32, #tpu.memory_space<vmem>>, vector<320x64xf32>
      %get3A_1081 = arith.index_cast %multiple_of3A_760 : i32 to index
      %get3A_1082 = arith.constant 1088 : index
      %get3A_1083 = vector.load %arg12[%get3A_1081, %get3A_1082] : memref<2048x1536xf32, #tpu.memory_space<vmem>>, vector<320x64xf32>
      %dot_general3A_1084 = arith.constant dense<0.000000e+00> : vector<256x320xf32>
      %dot_general3A_1085 = tpu.matmul %mul3A_1077, %get3A_1080, %dot_general3A_1084 {dimension_numbers = #tpu.dot_dimension_numbers<[1], [1], [0], [0], [0, 0, 1, 0], [], []>, transpose_lhs_hint = false} : vector<256x64xf32>, vector<320x64xf32>, vector<256x320xf32> -> vector<256x320xf32>
      %dot_general3A_1086 = arith.constant dense<0.000000e+00> : vector<256x320xf32>
      %dot_general3A_1087 = tpu.matmul %concatenate3A_810, %concatenate3A_814, %dot_general3A_1086 {dimension_numbers = #tpu.dot_dimension_numbers<[1], [1], [0], [0], [0, 0, 1, 0], [], []>, transpose_lhs_hint = false} : vector<256x3xf32>, vector<320x3xf32>, vector<256x320xf32> -> vector<256x320xf32>
      %add3A_1088 = arith.addf %dot_general3A_1085, %dot_general3A_1087 : vector<256x320xf32>
      %jit3A_1089 = arith.constant -1.000000e+30 : f32
      %broadcast_in_dim3A_1090 = vector.broadcast %jit3A_1089 : f32 to vector<256x320xf32>
      %select_n3A_1091 = arith.select %and3A_789, %add3A_1088, %broadcast_in_dim3A_1090 : vector<256x320xi1>, vector<256x320xf32>
      %slice3A_1092 = vector.extract_strided_slice %slice3A {offsets = [0, 320], sizes = [1, 64], strides = [1, 1]} : vector<1x768xf32> to vector<1x64xf32>
      %dot_general3A_1093 = arith.constant dense<0.000000e+00> : vector<256x1xf32>
      %dot_general3A_1094 = tpu.matmul %mul3A_1077, %slice3A_1092, %dot_general3A_1093 {dimension_numbers = #tpu.dot_dimension_numbers<[1], [1], [0], [0], [0, 0, 1, 0], [], []>, transpose_lhs_hint = false} : vector<256x64xf32>, vector<1x64xf32>, vector<256x1xf32> -> vector<256x1xf32>
      %dot_general3A_1095 = arith.constant dense<0.000000e+00> : vector<256x1xf32>
      %dot_general3A_1096 = tpu.matmul %concatenate3A_810, %concatenate3A, %dot_general3A_1095 {dimension_numbers = #tpu.dot_dimension_numbers<[1], [1], [0], [0], [0, 0, 1, 0], [], []>, transpose_lhs_hint = false} : vector<256x3xf32>, vector<1x3xf32>, vector<256x1xf32> -> vector<256x1xf32>
      %add3A_1097 = arith.addf %dot_general3A_1094, %dot_general3A_1096 : vector<256x1xf32>
      %jit3A_1098 = arith.constant -1.000000e+30 : f32
      %broadcast_in_dim3A_1099 = vector.broadcast %jit3A_1098 : f32 to vector<256x1xf32>
      %select_n3A_1100 = arith.select %not3A_798, %add3A_1097, %broadcast_in_dim3A_1099 : vector<256x1xi1>, vector<256x1xf32>
      %exp3A_1101 = math.exp %select_n3A_1091 : vector<256x320xf32>
      %exp3A_1102 = math.exp %select_n3A_1100 : vector<256x1xf32>
      %reduce_sum3A_1103 = arith.constant dense<0.000000e+00> : vector<256xf32>
      %reduce_sum3A_1104 = vector.multi_reduction <add>, %exp3A_1101, %reduce_sum3A_1103 [1] : vector<256x320xf32> to vector<256xf32>
      %broadcast_in_dim3A_1105 = vector.shape_cast %reduce_sum3A_1104 : vector<256xf32> to vector<256x1xf32>
      %add3A_1106 = arith.addf %broadcast_in_dim3A_1105, %exp3A_1102 : vector<256x1xf32>
      %dot_general3A_1107 = arith.constant dense<0.000000e+00> : vector<256x64xf32>
      %dot_general3A_1108 = tpu.matmul %exp3A_1101, %get3A_1083, %dot_general3A_1107 {dimension_numbers = #tpu.dot_dimension_numbers<[1], [0], [0], [1], [0, 0, 1, 1], [], []>, transpose_lhs_hint = false} : vector<256x320xf32>, vector<320x64xf32>, vector<256x64xf32> -> vector<256x64xf32>
      %slice3A_1109 = vector.extract_strided_slice %slice3A_267 {offsets = [0, 320], sizes = [1, 64], strides = [1, 1]} : vector<1x768xf32> to vector<1x64xf32>
      %mul3A_1110 = vector.broadcast %exp3A_1102 : vector<256x1xf32> to vector<256x64xf32>
      %mul3A_1111 = vector.broadcast %slice3A_1109 : vector<1x64xf32> to vector<256x64xf32>
      %mul3A_1112 = arith.mulf %mul3A_1110, %mul3A_1111 : vector<256x64xf32>
      %add3A_1113 = arith.addf %dot_general3A_1108, %mul3A_1112 : vector<256x64xf32>
      %div3A_1114 = vector.broadcast %add3A_1106 : vector<256x1xf32> to vector<256x64xf32>
      %div3A_1115 = arith.divf %add3A_1113, %div3A_1114 : vector<256x64xf32>
      %get3A_1116 = arith.constant 320 : index
      %get3A_1117 = arith.constant 0 : index
      %get3A_1118 = vector.load %arg9[%get3A_1116, %get3A_1117] : memref<768x768xf32, #tpu.memory_space<vmem>>, vector<64x768xf32>
      %dot_general3A_1119 = arith.constant dense<0.000000e+00> : vector<256x768xf32>
      %dot_general3A_1120 = tpu.matmul %div3A_1115, %get3A_1118, %dot_general3A_1119 {dimension_numbers = #tpu.dot_dimension_numbers<[1], [0], [0], [1], [0, 0, 1, 1], [], []>, transpose_lhs_hint = false} : vector<256x64xf32>, vector<64x768xf32>, vector<256x768xf32> -> vector<256x768xf32>
      %add3A_1121 = arith.addf %add3A_1073, %dot_general3A_1120 : vector<256x768xf32>
      %slice3A_1122 = vector.extract_strided_slice %add3A_831 {offsets = [0, 384], sizes = [256, 64], strides = [1, 1]} : vector<256x768xf32> to vector<256x64xf32>
      %mul3A_1123 = arith.constant 1.250000e-01 : f32
      %mul3A_1124 = vector.broadcast %mul3A_1123 : f32 to vector<256x64xf32>
      %mul3A_1125 = arith.mulf %slice3A_1122, %mul3A_1124 : vector<256x64xf32>
      %get3A_1126 = arith.index_cast %multiple_of3A_760 : i32 to index
      %get3A_1127 = arith.constant 384 : index
      %get3A_1128 = vector.load %arg12[%get3A_1126, %get3A_1127] : memref<2048x1536xf32, #tpu.memory_space<vmem>>, vector<320x64xf32>
      %get3A_1129 = arith.index_cast %multiple_of3A_760 : i32 to index
      %get3A_1130 = arith.constant 1152 : index
      %get3A_1131 = vector.load %arg12[%get3A_1129, %get3A_1130] : memref<2048x1536xf32, #tpu.memory_space<vmem>>, vector<320x64xf32>
      %dot_general3A_1132 = arith.constant dense<0.000000e+00> : vector<256x320xf32>
      %dot_general3A_1133 = tpu.matmul %mul3A_1125, %get3A_1128, %dot_general3A_1132 {dimension_numbers = #tpu.dot_dimension_numbers<[1], [1], [0], [0], [0, 0, 1, 0], [], []>, transpose_lhs_hint = false} : vector<256x64xf32>, vector<320x64xf32>, vector<256x320xf32> -> vector<256x320xf32>
      %dot_general3A_1134 = arith.constant dense<0.000000e+00> : vector<256x320xf32>
      %dot_general3A_1135 = tpu.matmul %concatenate3A_810, %concatenate3A_814, %dot_general3A_1134 {dimension_numbers = #tpu.dot_dimension_numbers<[1], [1], [0], [0], [0, 0, 1, 0], [], []>, transpose_lhs_hint = false} : vector<256x3xf32>, vector<320x3xf32>, vector<256x320xf32> -> vector<256x320xf32>
      %add3A_1136 = arith.addf %dot_general3A_1133, %dot_general3A_1135 : vector<256x320xf32>
      %jit3A_1137 = arith.constant -1.000000e+30 : f32
      %broadcast_in_dim3A_1138 = vector.broadcast %jit3A_1137 : f32 to vector<256x320xf32>
      %select_n3A_1139 = arith.select %and3A_789, %add3A_1136, %broadcast_in_dim3A_1138 : vector<256x320xi1>, vector<256x320xf32>
      %slice3A_1140 = vector.extract_strided_slice %slice3A {offsets = [0, 384], sizes = [1, 64], strides = [1, 1]} : vector<1x768xf32> to vector<1x64xf32>
      %dot_general3A_1141 = arith.constant dense<0.000000e+00> : vector<256x1xf32>
      %dot_general3A_1142 = tpu.matmul %mul3A_1125, %slice3A_1140, %dot_general3A_1141 {dimension_numbers = #tpu.dot_dimension_numbers<[1], [1], [0], [0], [0, 0, 1, 0], [], []>, transpose_lhs_hint = false} : vector<256x64xf32>, vector<1x64xf32>, vector<256x1xf32> -> vector<256x1xf32>
      %dot_general3A_1143 = arith.constant dense<0.000000e+00> : vector<256x1xf32>
      %dot_general3A_1144 = tpu.matmul %concatenate3A_810, %concatenate3A, %dot_general3A_1143 {dimension_numbers = #tpu.dot_dimension_numbers<[1], [1], [0], [0], [0, 0, 1, 0], [], []>, transpose_lhs_hint = false} : vector<256x3xf32>, vector<1x3xf32>, vector<256x1xf32> -> vector<256x1xf32>
      %add3A_1145 = arith.addf %dot_general3A_1142, %dot_general3A_1144 : vector<256x1xf32>
      %jit3A_1146 = arith.constant -1.000000e+30 : f32
      %broadcast_in_dim3A_1147 = vector.broadcast %jit3A_1146 : f32 to vector<256x1xf32>
      %select_n3A_1148 = arith.select %not3A_798, %add3A_1145, %broadcast_in_dim3A_1147 : vector<256x1xi1>, vector<256x1xf32>
      %exp3A_1149 = math.exp %select_n3A_1139 : vector<256x320xf32>
      %exp3A_1150 = math.exp %select_n3A_1148 : vector<256x1xf32>
      %reduce_sum3A_1151 = arith.constant dense<0.000000e+00> : vector<256xf32>
      %reduce_sum3A_1152 = vector.multi_reduction <add>, %exp3A_1149, %reduce_sum3A_1151 [1] : vector<256x320xf32> to vector<256xf32>
      %broadcast_in_dim3A_1153 = vector.shape_cast %reduce_sum3A_1152 : vector<256xf32> to vector<256x1xf32>
      %add3A_1154 = arith.addf %broadcast_in_dim3A_1153, %exp3A_1150 : vector<256x1xf32>
      %dot_general3A_1155 = arith.constant dense<0.000000e+00> : vector<256x64xf32>
      %dot_general3A_1156 = tpu.matmul %exp3A_1149, %get3A_1131, %dot_general3A_1155 {dimension_numbers = #tpu.dot_dimension_numbers<[1], [0], [0], [1], [0, 0, 1, 1], [], []>, transpose_lhs_hint = false} : vector<256x320xf32>, vector<320x64xf32>, vector<256x64xf32> -> vector<256x64xf32>
      %slice3A_1157 = vector.extract_strided_slice %slice3A_267 {offsets = [0, 384], sizes = [1, 64], strides = [1, 1]} : vector<1x768xf32> to vector<1x64xf32>
      %mul3A_1158 = vector.broadcast %exp3A_1150 : vector<256x1xf32> to vector<256x64xf32>
      %mul3A_1159 = vector.broadcast %slice3A_1157 : vector<1x64xf32> to vector<256x64xf32>
      %mul3A_1160 = arith.mulf %mul3A_1158, %mul3A_1159 : vector<256x64xf32>
      %add3A_1161 = arith.addf %dot_general3A_1156, %mul3A_1160 : vector<256x64xf32>
      %div3A_1162 = vector.broadcast %add3A_1154 : vector<256x1xf32> to vector<256x64xf32>
      %div3A_1163 = arith.divf %add3A_1161, %div3A_1162 : vector<256x64xf32>
      %get3A_1164 = arith.constant 384 : index
      %get3A_1165 = arith.constant 0 : index
      %get3A_1166 = vector.load %arg9[%get3A_1164, %get3A_1165] : memref<768x768xf32, #tpu.memory_space<vmem>>, vector<64x768xf32>
      %dot_general3A_1167 = arith.constant dense<0.000000e+00> : vector<256x768xf32>
      %dot_general3A_1168 = tpu.matmul %div3A_1163, %get3A_1166, %dot_general3A_1167 {dimension_numbers = #tpu.dot_dimension_numbers<[1], [0], [0], [1], [0, 0, 1, 1], [], []>, transpose_lhs_hint = false} : vector<256x64xf32>, vector<64x768xf32>, vector<256x768xf32> -> vector<256x768xf32>
      %add3A_1169 = arith.addf %add3A_1121, %dot_general3A_1168 : vector<256x768xf32>
      %slice3A_1170 = vector.extract_strided_slice %add3A_831 {offsets = [0, 448], sizes = [256, 64], strides = [1, 1]} : vector<256x768xf32> to vector<256x64xf32>
      %mul3A_1171 = arith.constant 1.250000e-01 : f32
      %mul3A_1172 = vector.broadcast %mul3A_1171 : f32 to vector<256x64xf32>
      %mul3A_1173 = arith.mulf %slice3A_1170, %mul3A_1172 : vector<256x64xf32>
      %get3A_1174 = arith.index_cast %multiple_of3A_760 : i32 to index
      %get3A_1175 = arith.constant 448 : index
      %get3A_1176 = vector.load %arg12[%get3A_1174, %get3A_1175] : memref<2048x1536xf32, #tpu.memory_space<vmem>>, vector<320x64xf32>
      %get3A_1177 = arith.index_cast %multiple_of3A_760 : i32 to index
      %get3A_1178 = arith.constant 1216 : index
      %get3A_1179 = vector.load %arg12[%get3A_1177, %get3A_1178] : memref<2048x1536xf32, #tpu.memory_space<vmem>>, vector<320x64xf32>
      %dot_general3A_1180 = arith.constant dense<0.000000e+00> : vector<256x320xf32>
      %dot_general3A_1181 = tpu.matmul %mul3A_1173, %get3A_1176, %dot_general3A_1180 {dimension_numbers = #tpu.dot_dimension_numbers<[1], [1], [0], [0], [0, 0, 1, 0], [], []>, transpose_lhs_hint = false} : vector<256x64xf32>, vector<320x64xf32>, vector<256x320xf32> -> vector<256x320xf32>
      %dot_general3A_1182 = arith.constant dense<0.000000e+00> : vector<256x320xf32>
      %dot_general3A_1183 = tpu.matmul %concatenate3A_810, %concatenate3A_814, %dot_general3A_1182 {dimension_numbers = #tpu.dot_dimension_numbers<[1], [1], [0], [0], [0, 0, 1, 0], [], []>, transpose_lhs_hint = false} : vector<256x3xf32>, vector<320x3xf32>, vector<256x320xf32> -> vector<256x320xf32>
      %add3A_1184 = arith.addf %dot_general3A_1181, %dot_general3A_1183 : vector<256x320xf32>
      %jit3A_1185 = arith.constant -1.000000e+30 : f32
      %broadcast_in_dim3A_1186 = vector.broadcast %jit3A_1185 : f32 to vector<256x320xf32>
      %select_n3A_1187 = arith.select %and3A_789, %add3A_1184, %broadcast_in_dim3A_1186 : vector<256x320xi1>, vector<256x320xf32>
      %slice3A_1188 = vector.extract_strided_slice %slice3A {offsets = [0, 448], sizes = [1, 64], strides = [1, 1]} : vector<1x768xf32> to vector<1x64xf32>
      %dot_general3A_1189 = arith.constant dense<0.000000e+00> : vector<256x1xf32>
      %dot_general3A_1190 = tpu.matmul %mul3A_1173, %slice3A_1188, %dot_general3A_1189 {dimension_numbers = #tpu.dot_dimension_numbers<[1], [1], [0], [0], [0, 0, 1, 0], [], []>, transpose_lhs_hint = false} : vector<256x64xf32>, vector<1x64xf32>, vector<256x1xf32> -> vector<256x1xf32>
      %dot_general3A_1191 = arith.constant dense<0.000000e+00> : vector<256x1xf32>
      %dot_general3A_1192 = tpu.matmul %concatenate3A_810, %concatenate3A, %dot_general3A_1191 {dimension_numbers = #tpu.dot_dimension_numbers<[1], [1], [0], [0], [0, 0, 1, 0], [], []>, transpose_lhs_hint = false} : vector<256x3xf32>, vector<1x3xf32>, vector<256x1xf32> -> vector<256x1xf32>
      %add3A_1193 = arith.addf %dot_general3A_1190, %dot_general3A_1192 : vector<256x1xf32>
      %jit3A_1194 = arith.constant -1.000000e+30 : f32
      %broadcast_in_dim3A_1195 = vector.broadcast %jit3A_1194 : f32 to vector<256x1xf32>
      %select_n3A_1196 = arith.select %not3A_798, %add3A_1193, %broadcast_in_dim3A_1195 : vector<256x1xi1>, vector<256x1xf32>
      %exp3A_1197 = math.exp %select_n3A_1187 : vector<256x320xf32>
      %exp3A_1198 = math.exp %select_n3A_1196 : vector<256x1xf32>
      %reduce_sum3A_1199 = arith.constant dense<0.000000e+00> : vector<256xf32>
      %reduce_sum3A_1200 = vector.multi_reduction <add>, %exp3A_1197, %reduce_sum3A_1199 [1] : vector<256x320xf32> to vector<256xf32>
      %broadcast_in_dim3A_1201 = vector.shape_cast %reduce_sum3A_1200 : vector<256xf32> to vector<256x1xf32>
      %add3A_1202 = arith.addf %broadcast_in_dim3A_1201, %exp3A_1198 : vector<256x1xf32>
      %dot_general3A_1203 = arith.constant dense<0.000000e+00> : vector<256x64xf32>
      %dot_general3A_1204 = tpu.matmul %exp3A_1197, %get3A_1179, %dot_general3A_1203 {dimension_numbers = #tpu.dot_dimension_numbers<[1], [0], [0], [1], [0, 0, 1, 1], [], []>, transpose_lhs_hint = false} : vector<256x320xf32>, vector<320x64xf32>, vector<256x64xf32> -> vector<256x64xf32>
      %slice3A_1205 = vector.extract_strided_slice %slice3A_267 {offsets = [0, 448], sizes = [1, 64], strides = [1, 1]} : vector<1x768xf32> to vector<1x64xf32>
      %mul3A_1206 = vector.broadcast %exp3A_1198 : vector<256x1xf32> to vector<256x64xf32>
      %mul3A_1207 = vector.broadcast %slice3A_1205 : vector<1x64xf32> to vector<256x64xf32>
      %mul3A_1208 = arith.mulf %mul3A_1206, %mul3A_1207 : vector<256x64xf32>
      %add3A_1209 = arith.addf %dot_general3A_1204, %mul3A_1208 : vector<256x64xf32>
      %div3A_1210 = vector.broadcast %add3A_1202 : vector<256x1xf32> to vector<256x64xf32>
      %div3A_1211 = arith.divf %add3A_1209, %div3A_1210 : vector<256x64xf32>
      %get3A_1212 = arith.constant 448 : index
      %get3A_1213 = arith.constant 0 : index
      %get3A_1214 = vector.load %arg9[%get3A_1212, %get3A_1213] : memref<768x768xf32, #tpu.memory_space<vmem>>, vector<64x768xf32>
      %dot_general3A_1215 = arith.constant dense<0.000000e+00> : vector<256x768xf32>
      %dot_general3A_1216 = tpu.matmul %div3A_1211, %get3A_1214, %dot_general3A_1215 {dimension_numbers = #tpu.dot_dimension_numbers<[1], [0], [0], [1], [0, 0, 1, 1], [], []>, transpose_lhs_hint = false} : vector<256x64xf32>, vector<64x768xf32>, vector<256x768xf32> -> vector<256x768xf32>
      %add3A_1217 = arith.addf %add3A_1169, %dot_general3A_1216 : vector<256x768xf32>
      %slice3A_1218 = vector.extract_strided_slice %add3A_831 {offsets = [0, 512], sizes = [256, 64], strides = [1, 1]} : vector<256x768xf32> to vector<256x64xf32>
      %mul3A_1219 = arith.constant 1.250000e-01 : f32
      %mul3A_1220 = vector.broadcast %mul3A_1219 : f32 to vector<256x64xf32>
      %mul3A_1221 = arith.mulf %slice3A_1218, %mul3A_1220 : vector<256x64xf32>
      %get3A_1222 = arith.index_cast %multiple_of3A_760 : i32 to index
      %get3A_1223 = arith.constant 512 : index
      %get3A_1224 = vector.load %arg12[%get3A_1222, %get3A_1223] : memref<2048x1536xf32, #tpu.memory_space<vmem>>, vector<320x64xf32>
      %get3A_1225 = arith.index_cast %multiple_of3A_760 : i32 to index
      %get3A_1226 = arith.constant 1280 : index
      %get3A_1227 = vector.load %arg12[%get3A_1225, %get3A_1226] : memref<2048x1536xf32, #tpu.memory_space<vmem>>, vector<320x64xf32>
      %dot_general3A_1228 = arith.constant dense<0.000000e+00> : vector<256x320xf32>
      %dot_general3A_1229 = tpu.matmul %mul3A_1221, %get3A_1224, %dot_general3A_1228 {dimension_numbers = #tpu.dot_dimension_numbers<[1], [1], [0], [0], [0, 0, 1, 0], [], []>, transpose_lhs_hint = false} : vector<256x64xf32>, vector<320x64xf32>, vector<256x320xf32> -> vector<256x320xf32>
      %dot_general3A_1230 = arith.constant dense<0.000000e+00> : vector<256x320xf32>
      %dot_general3A_1231 = tpu.matmul %concatenate3A_810, %concatenate3A_814, %dot_general3A_1230 {dimension_numbers = #tpu.dot_dimension_numbers<[1], [1], [0], [0], [0, 0, 1, 0], [], []>, transpose_lhs_hint = false} : vector<256x3xf32>, vector<320x3xf32>, vector<256x320xf32> -> vector<256x320xf32>
      %add3A_1232 = arith.addf %dot_general3A_1229, %dot_general3A_1231 : vector<256x320xf32>
      %jit3A_1233 = arith.constant -1.000000e+30 : f32
      %broadcast_in_dim3A_1234 = vector.broadcast %jit3A_1233 : f32 to vector<256x320xf32>
      %select_n3A_1235 = arith.select %and3A_789, %add3A_1232, %broadcast_in_dim3A_1234 : vector<256x320xi1>, vector<256x320xf32>
      %slice3A_1236 = vector.extract_strided_slice %slice3A {offsets = [0, 512], sizes = [1, 64], strides = [1, 1]} : vector<1x768xf32> to vector<1x64xf32>
      %dot_general3A_1237 = arith.constant dense<0.000000e+00> : vector<256x1xf32>
      %dot_general3A_1238 = tpu.matmul %mul3A_1221, %slice3A_1236, %dot_general3A_1237 {dimension_numbers = #tpu.dot_dimension_numbers<[1], [1], [0], [0], [0, 0, 1, 0], [], []>, transpose_lhs_hint = false} : vector<256x64xf32>, vector<1x64xf32>, vector<256x1xf32> -> vector<256x1xf32>
      %dot_general3A_1239 = arith.constant dense<0.000000e+00> : vector<256x1xf32>
      %dot_general3A_1240 = tpu.matmul %concatenate3A_810, %concatenate3A, %dot_general3A_1239 {dimension_numbers = #tpu.dot_dimension_numbers<[1], [1], [0], [0], [0, 0, 1, 0], [], []>, transpose_lhs_hint = false} : vector<256x3xf32>, vector<1x3xf32>, vector<256x1xf32> -> vector<256x1xf32>
      %add3A_1241 = arith.addf %dot_general3A_1238, %dot_general3A_1240 : vector<256x1xf32>
      %jit3A_1242 = arith.constant -1.000000e+30 : f32
      %broadcast_in_dim3A_1243 = vector.broadcast %jit3A_1242 : f32 to vector<256x1xf32>
      %select_n3A_1244 = arith.select %not3A_798, %add3A_1241, %broadcast_in_dim3A_1243 : vector<256x1xi1>, vector<256x1xf32>
      %exp3A_1245 = math.exp %select_n3A_1235 : vector<256x320xf32>
      %exp3A_1246 = math.exp %select_n3A_1244 : vector<256x1xf32>
      %reduce_sum3A_1247 = arith.constant dense<0.000000e+00> : vector<256xf32>
      %reduce_sum3A_1248 = vector.multi_reduction <add>, %exp3A_1245, %reduce_sum3A_1247 [1] : vector<256x320xf32> to vector<256xf32>
      %broadcast_in_dim3A_1249 = vector.shape_cast %reduce_sum3A_1248 : vector<256xf32> to vector<256x1xf32>
      %add3A_1250 = arith.addf %broadcast_in_dim3A_1249, %exp3A_1246 : vector<256x1xf32>
      %dot_general3A_1251 = arith.constant dense<0.000000e+00> : vector<256x64xf32>
      %dot_general3A_1252 = tpu.matmul %exp3A_1245, %get3A_1227, %dot_general3A_1251 {dimension_numbers = #tpu.dot_dimension_numbers<[1], [0], [0], [1], [0, 0, 1, 1], [], []>, transpose_lhs_hint = false} : vector<256x320xf32>, vector<320x64xf32>, vector<256x64xf32> -> vector<256x64xf32>
      %slice3A_1253 = vector.extract_strided_slice %slice3A_267 {offsets = [0, 512], sizes = [1, 64], strides = [1, 1]} : vector<1x768xf32> to vector<1x64xf32>
      %mul3A_1254 = vector.broadcast %exp3A_1246 : vector<256x1xf32> to vector<256x64xf32>
      %mul3A_1255 = vector.broadcast %slice3A_1253 : vector<1x64xf32> to vector<256x64xf32>
      %mul3A_1256 = arith.mulf %mul3A_1254, %mul3A_1255 : vector<256x64xf32>
      %add3A_1257 = arith.addf %dot_general3A_1252, %mul3A_1256 : vector<256x64xf32>
      %div3A_1258 = vector.broadcast %add3A_1250 : vector<256x1xf32> to vector<256x64xf32>
      %div3A_1259 = arith.divf %add3A_1257, %div3A_1258 : vector<256x64xf32>
      %get3A_1260 = arith.constant 512 : index
      %get3A_1261 = arith.constant 0 : index
      %get3A_1262 = vector.load %arg9[%get3A_1260, %get3A_1261] : memref<768x768xf32, #tpu.memory_space<vmem>>, vector<64x768xf32>
      %dot_general3A_1263 = arith.constant dense<0.000000e+00> : vector<256x768xf32>
      %dot_general3A_1264 = tpu.matmul %div3A_1259, %get3A_1262, %dot_general3A_1263 {dimension_numbers = #tpu.dot_dimension_numbers<[1], [0], [0], [1], [0, 0, 1, 1], [], []>, transpose_lhs_hint = false} : vector<256x64xf32>, vector<64x768xf32>, vector<256x768xf32> -> vector<256x768xf32>
      %add3A_1265 = arith.addf %add3A_1217, %dot_general3A_1264 : vector<256x768xf32>
      %slice3A_1266 = vector.extract_strided_slice %add3A_831 {offsets = [0, 576], sizes = [256, 64], strides = [1, 1]} : vector<256x768xf32> to vector<256x64xf32>
      %mul3A_1267 = arith.constant 1.250000e-01 : f32
      %mul3A_1268 = vector.broadcast %mul3A_1267 : f32 to vector<256x64xf32>
      %mul3A_1269 = arith.mulf %slice3A_1266, %mul3A_1268 : vector<256x64xf32>
      %get3A_1270 = arith.index_cast %multiple_of3A_760 : i32 to index
      %get3A_1271 = arith.constant 576 : index
      %get3A_1272 = vector.load %arg12[%get3A_1270, %get3A_1271] : memref<2048x1536xf32, #tpu.memory_space<vmem>>, vector<320x64xf32>
      %get3A_1273 = arith.index_cast %multiple_of3A_760 : i32 to index
      %get3A_1274 = arith.constant 1344 : index
      %get3A_1275 = vector.load %arg12[%get3A_1273, %get3A_1274] : memref<2048x1536xf32, #tpu.memory_space<vmem>>, vector<320x64xf32>
      %dot_general3A_1276 = arith.constant dense<0.000000e+00> : vector<256x320xf32>
      %dot_general3A_1277 = tpu.matmul %mul3A_1269, %get3A_1272, %dot_general3A_1276 {dimension_numbers = #tpu.dot_dimension_numbers<[1], [1], [0], [0], [0, 0, 1, 0], [], []>, transpose_lhs_hint = false} : vector<256x64xf32>, vector<320x64xf32>, vector<256x320xf32> -> vector<256x320xf32>
      %dot_general3A_1278 = arith.constant dense<0.000000e+00> : vector<256x320xf32>
      %dot_general3A_1279 = tpu.matmul %concatenate3A_810, %concatenate3A_814, %dot_general3A_1278 {dimension_numbers = #tpu.dot_dimension_numbers<[1], [1], [0], [0], [0, 0, 1, 0], [], []>, transpose_lhs_hint = false} : vector<256x3xf32>, vector<320x3xf32>, vector<256x320xf32> -> vector<256x320xf32>
      %add3A_1280 = arith.addf %dot_general3A_1277, %dot_general3A_1279 : vector<256x320xf32>
      %jit3A_1281 = arith.constant -1.000000e+30 : f32
      %broadcast_in_dim3A_1282 = vector.broadcast %jit3A_1281 : f32 to vector<256x320xf32>
      %select_n3A_1283 = arith.select %and3A_789, %add3A_1280, %broadcast_in_dim3A_1282 : vector<256x320xi1>, vector<256x320xf32>
      %slice3A_1284 = vector.extract_strided_slice %slice3A {offsets = [0, 576], sizes = [1, 64], strides = [1, 1]} : vector<1x768xf32> to vector<1x64xf32>
      %dot_general3A_1285 = arith.constant dense<0.000000e+00> : vector<256x1xf32>
      %dot_general3A_1286 = tpu.matmul %mul3A_1269, %slice3A_1284, %dot_general3A_1285 {dimension_numbers = #tpu.dot_dimension_numbers<[1], [1], [0], [0], [0, 0, 1, 0], [], []>, transpose_lhs_hint = false} : vector<256x64xf32>, vector<1x64xf32>, vector<256x1xf32> -> vector<256x1xf32>
      %dot_general3A_1287 = arith.constant dense<0.000000e+00> : vector<256x1xf32>
      %dot_general3A_1288 = tpu.matmul %concatenate3A_810, %concatenate3A, %dot_general3A_1287 {dimension_numbers = #tpu.dot_dimension_numbers<[1], [1], [0], [0], [0, 0, 1, 0], [], []>, transpose_lhs_hint = false} : vector<256x3xf32>, vector<1x3xf32>, vector<256x1xf32> -> vector<256x1xf32>
      %add3A_1289 = arith.addf %dot_general3A_1286, %dot_general3A_1288 : vector<256x1xf32>
      %jit3A_1290 = arith.constant -1.000000e+30 : f32
      %broadcast_in_dim3A_1291 = vector.broadcast %jit3A_1290 : f32 to vector<256x1xf32>
      %select_n3A_1292 = arith.select %not3A_798, %add3A_1289, %broadcast_in_dim3A_1291 : vector<256x1xi1>, vector<256x1xf32>
      %exp3A_1293 = math.exp %select_n3A_1283 : vector<256x320xf32>
      %exp3A_1294 = math.exp %select_n3A_1292 : vector<256x1xf32>
      %reduce_sum3A_1295 = arith.constant dense<0.000000e+00> : vector<256xf32>
      %reduce_sum3A_1296 = vector.multi_reduction <add>, %exp3A_1293, %reduce_sum3A_1295 [1] : vector<256x320xf32> to vector<256xf32>
      %broadcast_in_dim3A_1297 = vector.shape_cast %reduce_sum3A_1296 : vector<256xf32> to vector<256x1xf32>
      %add3A_1298 = arith.addf %broadcast_in_dim3A_1297, %exp3A_1294 : vector<256x1xf32>
      %dot_general3A_1299 = arith.constant dense<0.000000e+00> : vector<256x64xf32>
      %dot_general3A_1300 = tpu.matmul %exp3A_1293, %get3A_1275, %dot_general3A_1299 {dimension_numbers = #tpu.dot_dimension_numbers<[1], [0], [0], [1], [0, 0, 1, 1], [], []>, transpose_lhs_hint = false} : vector<256x320xf32>, vector<320x64xf32>, vector<256x64xf32> -> vector<256x64xf32>
      %slice3A_1301 = vector.extract_strided_slice %slice3A_267 {offsets = [0, 576], sizes = [1, 64], strides = [1, 1]} : vector<1x768xf32> to vector<1x64xf32>
      %mul3A_1302 = vector.broadcast %exp3A_1294 : vector<256x1xf32> to vector<256x64xf32>
      %mul3A_1303 = vector.broadcast %slice3A_1301 : vector<1x64xf32> to vector<256x64xf32>
      %mul3A_1304 = arith.mulf %mul3A_1302, %mul3A_1303 : vector<256x64xf32>
      %add3A_1305 = arith.addf %dot_general3A_1300, %mul3A_1304 : vector<256x64xf32>
      %div3A_1306 = vector.broadcast %add3A_1298 : vector<256x1xf32> to vector<256x64xf32>
      %div3A_1307 = arith.divf %add3A_1305, %div3A_1306 : vector<256x64xf32>
      %get3A_1308 = arith.constant 576 : index
      %get3A_1309 = arith.constant 0 : index
      %get3A_1310 = vector.load %arg9[%get3A_1308, %get3A_1309] : memref<768x768xf32, #tpu.memory_space<vmem>>, vector<64x768xf32>
      %dot_general3A_1311 = arith.constant dense<0.000000e+00> : vector<256x768xf32>
      %dot_general3A_1312 = tpu.matmul %div3A_1307, %get3A_1310, %dot_general3A_1311 {dimension_numbers = #tpu.dot_dimension_numbers<[1], [0], [0], [1], [0, 0, 1, 1], [], []>, transpose_lhs_hint = false} : vector<256x64xf32>, vector<64x768xf32>, vector<256x768xf32> -> vector<256x768xf32>
      %add3A_1313 = arith.addf %add3A_1265, %dot_general3A_1312 : vector<256x768xf32>
      %slice3A_1314 = vector.extract_strided_slice %add3A_831 {offsets = [0, 640], sizes = [256, 64], strides = [1, 1]} : vector<256x768xf32> to vector<256x64xf32>
      %mul3A_1315 = arith.constant 1.250000e-01 : f32
      %mul3A_1316 = vector.broadcast %mul3A_1315 : f32 to vector<256x64xf32>
      %mul3A_1317 = arith.mulf %slice3A_1314, %mul3A_1316 : vector<256x64xf32>
      %get3A_1318 = arith.index_cast %multiple_of3A_760 : i32 to index
      %get3A_1319 = arith.constant 640 : index
      %get3A_1320 = vector.load %arg12[%get3A_1318, %get3A_1319] : memref<2048x1536xf32, #tpu.memory_space<vmem>>, vector<320x64xf32>
      %get3A_1321 = arith.index_cast %multiple_of3A_760 : i32 to index
      %get3A_1322 = arith.constant 1408 : index
      %get3A_1323 = vector.load %arg12[%get3A_1321, %get3A_1322] : memref<2048x1536xf32, #tpu.memory_space<vmem>>, vector<320x64xf32>
      %dot_general3A_1324 = arith.constant dense<0.000000e+00> : vector<256x320xf32>
      %dot_general3A_1325 = tpu.matmul %mul3A_1317, %get3A_1320, %dot_general3A_1324 {dimension_numbers = #tpu.dot_dimension_numbers<[1], [1], [0], [0], [0, 0, 1, 0], [], []>, transpose_lhs_hint = false} : vector<256x64xf32>, vector<320x64xf32>, vector<256x320xf32> -> vector<256x320xf32>
      %dot_general3A_1326 = arith.constant dense<0.000000e+00> : vector<256x320xf32>
      %dot_general3A_1327 = tpu.matmul %concatenate3A_810, %concatenate3A_814, %dot_general3A_1326 {dimension_numbers = #tpu.dot_dimension_numbers<[1], [1], [0], [0], [0, 0, 1, 0], [], []>, transpose_lhs_hint = false} : vector<256x3xf32>, vector<320x3xf32>, vector<256x320xf32> -> vector<256x320xf32>
      %add3A_1328 = arith.addf %dot_general3A_1325, %dot_general3A_1327 : vector<256x320xf32>
      %jit3A_1329 = arith.constant -1.000000e+30 : f32
      %broadcast_in_dim3A_1330 = vector.broadcast %jit3A_1329 : f32 to vector<256x320xf32>
      %select_n3A_1331 = arith.select %and3A_789, %add3A_1328, %broadcast_in_dim3A_1330 : vector<256x320xi1>, vector<256x320xf32>
      %slice3A_1332 = vector.extract_strided_slice %slice3A {offsets = [0, 640], sizes = [1, 64], strides = [1, 1]} : vector<1x768xf32> to vector<1x64xf32>
      %dot_general3A_1333 = arith.constant dense<0.000000e+00> : vector<256x1xf32>
      %dot_general3A_1334 = tpu.matmul %mul3A_1317, %slice3A_1332, %dot_general3A_1333 {dimension_numbers = #tpu.dot_dimension_numbers<[1], [1], [0], [0], [0, 0, 1, 0], [], []>, transpose_lhs_hint = false} : vector<256x64xf32>, vector<1x64xf32>, vector<256x1xf32> -> vector<256x1xf32>
      %dot_general3A_1335 = arith.constant dense<0.000000e+00> : vector<256x1xf32>
      %dot_general3A_1336 = tpu.matmul %concatenate3A_810, %concatenate3A, %dot_general3A_1335 {dimension_numbers = #tpu.dot_dimension_numbers<[1], [1], [0], [0], [0, 0, 1, 0], [], []>, transpose_lhs_hint = false} : vector<256x3xf32>, vector<1x3xf32>, vector<256x1xf32> -> vector<256x1xf32>
      %add3A_1337 = arith.addf %dot_general3A_1334, %dot_general3A_1336 : vector<256x1xf32>
      %jit3A_1338 = arith.constant -1.000000e+30 : f32
      %broadcast_in_dim3A_1339 = vector.broadcast %jit3A_1338 : f32 to vector<256x1xf32>
      %select_n3A_1340 = arith.select %not3A_798, %add3A_1337, %broadcast_in_dim3A_1339 : vector<256x1xi1>, vector<256x1xf32>
      %exp3A_1341 = math.exp %select_n3A_1331 : vector<256x320xf32>
      %exp3A_1342 = math.exp %select_n3A_1340 : vector<256x1xf32>
      %reduce_sum3A_1343 = arith.constant dense<0.000000e+00> : vector<256xf32>
      %reduce_sum3A_1344 = vector.multi_reduction <add>, %exp3A_1341, %reduce_sum3A_1343 [1] : vector<256x320xf32> to vector<256xf32>
      %broadcast_in_dim3A_1345 = vector.shape_cast %reduce_sum3A_1344 : vector<256xf32> to vector<256x1xf32>
      %add3A_1346 = arith.addf %broadcast_in_dim3A_1345, %exp3A_1342 : vector<256x1xf32>
      %dot_general3A_1347 = arith.constant dense<0.000000e+00> : vector<256x64xf32>
      %dot_general3A_1348 = tpu.matmul %exp3A_1341, %get3A_1323, %dot_general3A_1347 {dimension_numbers = #tpu.dot_dimension_numbers<[1], [0], [0], [1], [0, 0, 1, 1], [], []>, transpose_lhs_hint = false} : vector<256x320xf32>, vector<320x64xf32>, vector<256x64xf32> -> vector<256x64xf32>
      %slice3A_1349 = vector.extract_strided_slice %slice3A_267 {offsets = [0, 640], sizes = [1, 64], strides = [1, 1]} : vector<1x768xf32> to vector<1x64xf32>
      %mul3A_1350 = vector.broadcast %exp3A_1342 : vector<256x1xf32> to vector<256x64xf32>
      %mul3A_1351 = vector.broadcast %slice3A_1349 : vector<1x64xf32> to vector<256x64xf32>
      %mul3A_1352 = arith.mulf %mul3A_1350, %mul3A_1351 : vector<256x64xf32>
      %add3A_1353 = arith.addf %dot_general3A_1348, %mul3A_1352 : vector<256x64xf32>
      %div3A_1354 = vector.broadcast %add3A_1346 : vector<256x1xf32> to vector<256x64xf32>
      %div3A_1355 = arith.divf %add3A_1353, %div3A_1354 : vector<256x64xf32>
      %get3A_1356 = arith.constant 640 : index
      %get3A_1357 = arith.constant 0 : index
      %get3A_1358 = vector.load %arg9[%get3A_1356, %get3A_1357] : memref<768x768xf32, #tpu.memory_space<vmem>>, vector<64x768xf32>
      %dot_general3A_1359 = arith.constant dense<0.000000e+00> : vector<256x768xf32>
      %dot_general3A_1360 = tpu.matmul %div3A_1355, %get3A_1358, %dot_general3A_1359 {dimension_numbers = #tpu.dot_dimension_numbers<[1], [0], [0], [1], [0, 0, 1, 1], [], []>, transpose_lhs_hint = false} : vector<256x64xf32>, vector<64x768xf32>, vector<256x768xf32> -> vector<256x768xf32>
      %add3A_1361 = arith.addf %add3A_1313, %dot_general3A_1360 : vector<256x768xf32>
      %slice3A_1362 = vector.extract_strided_slice %add3A_831 {offsets = [0, 704], sizes = [256, 64], strides = [1, 1]} : vector<256x768xf32> to vector<256x64xf32>
      %mul3A_1363 = arith.constant 1.250000e-01 : f32
      %mul3A_1364 = vector.broadcast %mul3A_1363 : f32 to vector<256x64xf32>
      %mul3A_1365 = arith.mulf %slice3A_1362, %mul3A_1364 : vector<256x64xf32>
      %get3A_1366 = arith.index_cast %multiple_of3A_760 : i32 to index
      %get3A_1367 = arith.constant 704 : index
      %get3A_1368 = vector.load %arg12[%get3A_1366, %get3A_1367] : memref<2048x1536xf32, #tpu.memory_space<vmem>>, vector<320x64xf32>
      %get3A_1369 = arith.index_cast %multiple_of3A_760 : i32 to index
      %get3A_1370 = arith.constant 1472 : index
      %get3A_1371 = vector.load %arg12[%get3A_1369, %get3A_1370] : memref<2048x1536xf32, #tpu.memory_space<vmem>>, vector<320x64xf32>
      %dot_general3A_1372 = arith.constant dense<0.000000e+00> : vector<256x320xf32>
      %dot_general3A_1373 = tpu.matmul %mul3A_1365, %get3A_1368, %dot_general3A_1372 {dimension_numbers = #tpu.dot_dimension_numbers<[1], [1], [0], [0], [0, 0, 1, 0], [], []>, transpose_lhs_hint = false} : vector<256x64xf32>, vector<320x64xf32>, vector<256x320xf32> -> vector<256x320xf32>
      %dot_general3A_1374 = arith.constant dense<0.000000e+00> : vector<256x320xf32>
      %dot_general3A_1375 = tpu.matmul %concatenate3A_810, %concatenate3A_814, %dot_general3A_1374 {dimension_numbers = #tpu.dot_dimension_numbers<[1], [1], [0], [0], [0, 0, 1, 0], [], []>, transpose_lhs_hint = false} : vector<256x3xf32>, vector<320x3xf32>, vector<256x320xf32> -> vector<256x320xf32>
      %add3A_1376 = arith.addf %dot_general3A_1373, %dot_general3A_1375 : vector<256x320xf32>
      %jit3A_1377 = arith.constant -1.000000e+30 : f32
      %broadcast_in_dim3A_1378 = vector.broadcast %jit3A_1377 : f32 to vector<256x320xf32>
      %select_n3A_1379 = arith.select %and3A_789, %add3A_1376, %broadcast_in_dim3A_1378 : vector<256x320xi1>, vector<256x320xf32>
      %slice3A_1380 = vector.extract_strided_slice %slice3A {offsets = [0, 704], sizes = [1, 64], strides = [1, 1]} : vector<1x768xf32> to vector<1x64xf32>
      %dot_general3A_1381 = arith.constant dense<0.000000e+00> : vector<256x1xf32>
      %dot_general3A_1382 = tpu.matmul %mul3A_1365, %slice3A_1380, %dot_general3A_1381 {dimension_numbers = #tpu.dot_dimension_numbers<[1], [1], [0], [0], [0, 0, 1, 0], [], []>, transpose_lhs_hint = false} : vector<256x64xf32>, vector<1x64xf32>, vector<256x1xf32> -> vector<256x1xf32>
      %dot_general3A_1383 = arith.constant dense<0.000000e+00> : vector<256x1xf32>
      %dot_general3A_1384 = tpu.matmul %concatenate3A_810, %concatenate3A, %dot_general3A_1383 {dimension_numbers = #tpu.dot_dimension_numbers<[1], [1], [0], [0], [0, 0, 1, 0], [], []>, transpose_lhs_hint = false} : vector<256x3xf32>, vector<1x3xf32>, vector<256x1xf32> -> vector<256x1xf32>
      %add3A_1385 = arith.addf %dot_general3A_1382, %dot_general3A_1384 : vector<256x1xf32>
      %jit3A_1386 = arith.constant -1.000000e+30 : f32
      %broadcast_in_dim3A_1387 = vector.broadcast %jit3A_1386 : f32 to vector<256x1xf32>
      %select_n3A_1388 = arith.select %not3A_798, %add3A_1385, %broadcast_in_dim3A_1387 : vector<256x1xi1>, vector<256x1xf32>
      %exp3A_1389 = math.exp %select_n3A_1379 : vector<256x320xf32>
      %exp3A_1390 = math.exp %select_n3A_1388 : vector<256x1xf32>
      %reduce_sum3A_1391 = arith.constant dense<0.000000e+00> : vector<256xf32>
      %reduce_sum3A_1392 = vector.multi_reduction <add>, %exp3A_1389, %reduce_sum3A_1391 [1] : vector<256x320xf32> to vector<256xf32>
      %broadcast_in_dim3A_1393 = vector.shape_cast %reduce_sum3A_1392 : vector<256xf32> to vector<256x1xf32>
      %add3A_1394 = arith.addf %broadcast_in_dim3A_1393, %exp3A_1390 : vector<256x1xf32>
      %dot_general3A_1395 = arith.constant dense<0.000000e+00> : vector<256x64xf32>
      %dot_general3A_1396 = tpu.matmul %exp3A_1389, %get3A_1371, %dot_general3A_1395 {dimension_numbers = #tpu.dot_dimension_numbers<[1], [0], [0], [1], [0, 0, 1, 1], [], []>, transpose_lhs_hint = false} : vector<256x320xf32>, vector<320x64xf32>, vector<256x64xf32> -> vector<256x64xf32>
      %slice3A_1397 = vector.extract_strided_slice %slice3A_267 {offsets = [0, 704], sizes = [1, 64], strides = [1, 1]} : vector<1x768xf32> to vector<1x64xf32>
      %mul3A_1398 = vector.broadcast %exp3A_1390 : vector<256x1xf32> to vector<256x64xf32>
      %mul3A_1399 = vector.broadcast %slice3A_1397 : vector<1x64xf32> to vector<256x64xf32>
      %mul3A_1400 = arith.mulf %mul3A_1398, %mul3A_1399 : vector<256x64xf32>
      %add3A_1401 = arith.addf %dot_general3A_1396, %mul3A_1400 : vector<256x64xf32>
      %div3A_1402 = vector.broadcast %add3A_1394 : vector<256x1xf32> to vector<256x64xf32>
      %div3A_1403 = arith.divf %add3A_1401, %div3A_1402 : vector<256x64xf32>
      %get3A_1404 = arith.constant 704 : index
      %get3A_1405 = arith.constant 0 : index
      %get3A_1406 = vector.load %arg9[%get3A_1404, %get3A_1405] : memref<768x768xf32, #tpu.memory_space<vmem>>, vector<64x768xf32>
      %dot_general3A_1407 = arith.constant dense<0.000000e+00> : vector<256x768xf32>
      %dot_general3A_1408 = tpu.matmul %div3A_1403, %get3A_1406, %dot_general3A_1407 {dimension_numbers = #tpu.dot_dimension_numbers<[1], [0], [0], [1], [0, 0, 1, 1], [], []>, transpose_lhs_hint = false} : vector<256x64xf32>, vector<64x768xf32>, vector<256x768xf32> -> vector<256x768xf32>
      %add3A_1409 = arith.addf %add3A_1361, %dot_general3A_1408 : vector<256x768xf32>
      %broadcast_in_dim3A_1410 = vector.shape_cast %eq3A_800 : vector<256x1xi1> to vector<256x1xi1>
      %broadcast_in_dim3A_1411 = vector.broadcast %broadcast_in_dim3A_1410 : vector<256x1xi1> to vector<256x768xi1>
      %broadcast_in_dim3A_1412 = vector.shape_cast %add3A_747 : vector<1x768xf32> to vector<1x768xf32>
      %broadcast_in_dim3A_1413 = vector.broadcast %broadcast_in_dim3A_1412 : vector<1x768xf32> to vector<256x768xf32>
      %select_n3A_1414 = arith.select %broadcast_in_dim3A_1411, %broadcast_in_dim3A_1413, %add3A_1409 : vector<256x768xi1>, vector<256x768xf32>
      %get3A_1415 = arith.constant 0 : index
      %get3A_1416 = arith.constant 0 : index
      %get3A_1417 = vector.load %arg10[%get3A_1415, %get3A_1416] : memref<1x768xf32, #tpu.memory_space<vmem>>, vector<1x768xf32>
      %get3A_1418 = vector.shape_cast %get3A_1417 : vector<1x768xf32> to vector<768xf32>
      %broadcast_in_dim3A_1419 = vector.shape_cast %get3A_1418 : vector<768xf32> to vector<1x768xf32>
      %add3A_1420 = vector.broadcast %broadcast_in_dim3A_1419 : vector<1x768xf32> to vector<256x768xf32>
      %add3A_1421 = arith.addf %select_n3A_1414, %add3A_1420 : vector<256x768xf32>
      %swap3A_1422 = arith.constant 0 : index
      %swap3A_1423 = arith.index_cast %multiple_of3A_755 : i32 to index
      %swap3A_1424 = arith.constant 0 : index
      %swap3A_1425 = vector.load %arg11[%swap3A_1422, %swap3A_1423, %swap3A_1424] : memref<1x2048x768xf32, #tpu.memory_space<vmem>>, vector<1x256x768xf32>
      %swap3A_1426 = vector.shape_cast %swap3A_1425 : vector<1x256x768xf32> to vector<256x768xf32>
      %swap3A_1427 = vector.shape_cast %add3A_1421 : vector<256x768xf32> to vector<1x256x768xf32>
      tpu.vector_store %arg11[%swap3A_1422, %swap3A_1423, %swap3A_1424], %swap3A_1427 {strides = array<i32>} : memref<1x2048x768xf32, #tpu.memory_space<vmem>>, vector<1x256x768xf32>,
    }
    %scan3A_751 = arith.constant 8 : i32
    return
  }
  func.func @transform_0(%arg0: i32, %arg1: memref<2xi32, #tpu.memory_space<smem>>) -> (i32, i32, i32) {
    %c0_i32 = arith.constant 0 : i32
    %c0_i32_0 = arith.constant 0 : i32
    %c0_i32_1 = arith.constant 0 : i32
    return %arg0, %c0_i32, %c0_i32_0 : i32, i32, i32
  }
  func.func @transform_1(%arg0: i32, %arg1: memref<2xi32, #tpu.memory_space<smem>>) -> (i32, i32) {
    %c0_i32 = arith.constant 0 : i32
    %c0_i32_0 = arith.constant 0 : i32
    %c0_i32_1 = arith.constant 0 : i32
    return %c0_i32, %c0_i32_0 : i32, i32
  }
  func.func @transform_2(%arg0: i32, %arg1: memref<2xi32, #tpu.memory_space<smem>>) -> (i32, i32) {
    %c0_i32 = arith.constant 0 : i32
    %c0_i32_0 = arith.constant 0 : i32
    %c0_i32_1 = arith.constant 0 : i32
    return %c0_i32, %c0_i32_0 : i32, i32
  }
  func.func @transform_3(%arg0: i32, %arg1: memref<2xi32, #tpu.memory_space<smem>>) -> (i32, i32) {
    %c0_i32 = arith.constant 0 : i32
    %c0_i32_0 = arith.constant 0 : i32
    %c0_i32_1 = arith.constant 0 : i32
    return %c0_i32, %c0_i32_0 : i32, i32
  }
  func.func @transform_4(%arg0: i32, %arg1: memref<2xi32, #tpu.memory_space<smem>>) -> (i32, i32) {
    %c0_i32 = arith.constant 0 : i32
    %c0_i32_0 = arith.constant 0 : i32
    %c0_i32_1 = arith.constant 0 : i32
    return %c0_i32, %c0_i32_0 : i32, i32
  }
  func.func @transform_5(%arg0: i32, %arg1: memref<2xi32, #tpu.memory_space<smem>>) -> (i32, i32, i32) {
    %c0_i32 = arith.constant 0 : i32
    %c0_i32_0 = arith.constant 0 : i32
    %c0_i32_1 = arith.constant 0 : i32
    return %arg0, %c0_i32, %c0_i32_0 : i32, i32, i32
  }
  func.func @transform_6(%arg0: i32, %arg1: memref<2xi32, #tpu.memory_space<smem>>) -> (i32, i32, i32) {
    %c0_i32 = arith.constant 0 : i32
    %c0_i32_0 = arith.constant 0 : i32
    %c0_i32_1 = arith.constant 0 : i32
    return %arg0, %c0_i32, %c0_i32_0 : i32, i32, i32
  }
  func.func @transform_7(%arg0: i32, %arg1: memref<2xi32, #tpu.memory_space<smem>>) -> (i32, i32) {
    %c0_i32 = arith.constant 0 : i32
    %c0_i32_0 = arith.constant 0 : i32
    %c0_i32_1 = arith.constant 0 : i32
    return %c0_i32, %c0_i32_0 : i32, i32
  }
  func.func @transform_8(%arg0: i32, %arg1: memref<2xi32, #tpu.memory_space<smem>>) -> (i32, i32) {
    %c0_i32 = arith.constant 0 : i32
    %c0_i32_0 = arith.constant 0 : i32
    %c0_i32_1 = arith.constant 0 : i32
    return %c0_i32, %c0_i32_0 : i32, i32
  }
  func.func @transform_9(%arg0: i32, %arg1: memref<2xi32, #tpu.memory_space<smem>>) -> (i32, i32, i32) {
    %c0_i32 = arith.constant 0 : i32
    %c0_i32_0 = arith.constant 0 : i32
    %c0_i32_1 = arith.constant 0 : i32
    return %arg0, %c0_i32, %c0_i32_0 : i32, i32, i32
  }
}

</mosaic_0001>

<sc_bundles>
// kernel: kernel.6.cloned.1.call-start
scs
__scs_entry_jumppad:
0x0: {  	(pc) =	sbr.rel $0x88, $3  }
0x1: {  	(tag) =	ssettag $0x0;
	lr =	simm.s32 $0x1  }
0x2: {  	[smem:$0x3F97] =	sst lr;
	_ =	strace $0xD0000000  }
0x3: {  	_ = 	snop  }
0x4: {  	_ = 	snop  }
0x5: {  	_ = 	snop  }
0x6: {  	_ = 	snop  }
0x7: {  	_ = 	snop  }
__scs_overlays_trampoline_lowered:
0x8: {  	[smem:$0x3FA6] =	sst s0  }
0x9: {  	[smem:$0x3FA7] =	sst s1  }
0xa: {  	[smem:$0x3FA8] =	sst s2  }
0xb: {  	[smem:$0x3FA9] =	sst s3  }
0xc: {  	[smem:$0x3FAA] =	sst s4  }
0xd: {  	[smem:$0x3FAB] =	sst s5  }
0xe: {  	[smem:$0x3FAC] =	sst s6  }
0xf: {  	[smem:$0x3FAD] =	sst s7  }
0x10: {  	[smem:$0x3FAE] =	sst s8  }
0x11: {  	[smem:$0x3FAF] =	sst s9;
	s0 =	simm.s32 @!p0 $0x0  }
0x12: {  	s1 =	sld [smem:$0x3F95];
	s0 =	simm.s32 @p0 $0x1  }
0x13: {  	[smem:$0x3FB0] =	sst s0;
	s0 =	simm.s32 @!p1 $0x0  }
0x14: {  	s2 =	sld [smem:$0x3F94];
	s0 =	simm.s32 @p1 $0x1  }
0x15: {  	[smem:$0x3FB1] =	sst s0;
	s0 =	simm.s32 @!p2 $0x0  }
0x16: {  	s3 =	sld [smem:$0x3FDB];
	s0 =	simm.s32 @p2 $0x1  }
0x17: {  	s4 =	simm.s32 $0x1BF5;
	[smem:$0x3FB3] =	sst s0  }
0x18: {  	s0 =	sld [smem:$0x3F96];
	_ =	swait.ge [sflag:s4], $0x0  }
0x19: {  	s7 =	sld [smem:$0x3F97]  }
0x1a: {  	s8 =	sadd.s32 $0xFFFFE003, lr  }
0x1b: {  	s9 =	sadd.s32 $0xFFFFFEF7, lr;
	s5 =	simm.s32 $0xFFFFFFFF;
	p2 =	slt.u32 s8, $0xFFFFF086  }
0x1c: {  	p1 =	slt.u32 s9, $0xF7A;
	s5 =	simm.s32 @!p2 $0x0  }
0x1d: {  	s5 =	simm.s32 @p1 $0x1;
	p0 =	seq.s32 s7, s2  }
0x1e: {  	s7 =	smul.u32 @!p0 $0xF7A, s2;
	p2 =	seq.s32 @!p0 s5, $0x0  }
0x1f: {  	s9 =	smul.u32 $0xF7A, s1;
	s8 =	simm.s32 @!p0 $0x1BF5;
	p2 =	por !p2, p0  }
0x20: {  	[sflag:s8] =	ssyncset.s32 @!p0 $0xFFFFF086;
	s6 =	sadd.s32 @!p0 s3, s7;
	s7 =	simm.s32 @!p0 $0x108  }
0x21: {  	s3 =	sadd.s32 s3, s9;
	s6 =	sadd.s32 @!p0 $0x88, s6;
	s7 =	simm.s32 @p2 $0x1082  }
0x22: {  	[simem:s7], [sflag:s8] =	dma.local @!p0 [hbm:s6], $0xF7A  }
0x23: {  	s9 =	sor.u32 $0xD0000000, s2;
	s6 =	simm.s32 $0x108;
	_ =	swait.ge @!p0 [sflag:s8], $0x0  }
0x24: {  	s3 =	sadd.s32 $0x88, s3;
	s6 =	simm.s32 @!p1 $0x1082;
	[sflag:s4] =	ssyncset.s32 $0xFFFFF086  }
0x25: {  	[simem:s6], [sflag:s4] =	dma.local [hbm:s3], $0xF7A  }
0x26: {  	[smem:$0x3F97] =	sst s1;
	(tag) =	ssettag s2;
	_ =	strace s9  }
0x27: {  	s1 =	sld [smem:$0x3FA7]  }
0x28: {  	s2 =	sld [smem:$0x3FA8]  }
0x29: {  	s4 =	sld [smem:$0x3FAA]  }
0x2a: {  	p0 =	seq.s32 s5, $0x0;
	s5 =	sld [smem:$0x3FAB]  }
0x2b: {  	s6 =	sld [smem:$0x3FAC]  }
0x2c: {  	s7 =	sld [smem:$0x3FAD]  }
0x2d: {  	s3 =	simm.s32 $0x108;
	s8 =	sld [smem:$0x3FAE]  }
0x2e: {  	s3 =	simm.s32 @!p0 $0x1082;
	s9 =	sld [smem:$0x3FAF]  }
0x2f: {  	lr =	sadd.s32 s0, s3;
	s0 =	sld [smem:$0x3FA6]  }
0x30: {  	s3 =	sld [smem:$0x3FA9]  }
0x31: {  	[smem:$0x3FB2] =	sst s10  }
0x32: {  	s10 =	sld [smem:$0x3FB0];
	_ =	sdelay $0x3  }
0x33: {  	p0 =	seq.s32 s10, $0x1;
	s10 =	sld [smem:$0x3FB2];
	_ =	sdelay $0x3  }
0x34: {  	[smem:$0x3FB2] =	sst s10  }
0x35: {  	s10 =	sld [smem:$0x3FB1];
	_ =	sdelay $0x3  }
0x36: {  	p1 =	seq.s32 s10, $0x1;
	s10 =	sld [smem:$0x3FB2];
	_ =	sdelay $0x3  }
0x37: {  	[smem:$0x3FB2] =	sst s10  }
0x38: {  	s10 =	sld [smem:$0x3FB3]  }
0x39: {  	_ = 	snop;
	(pc) =	sbr.ind lr, $3  }
0x3a: {  	_ = 	snop  }
0x3b: {  	_ = 	snop  }
0x3c: {  	p2 =	seq.s32 s10, $0x1;
	s10 =	sld [smem:$0x3FB2]  }
0x3d: {  	_ =	shalt  }
0x3e: {  	_ =	shalt  }
0x3f: {  	_ =	shalt  }
0x40: {  	_ =	shalt  }
0x41: {  	_ =	shalt  }
0x42: {  	_ =	shalt  }
0x43: {  	_ =	shalt  }
0x44: {  	_ =	shalt  }
0x45: {  	_ =	shalt  }
0x46: {  	_ =	shalt  }
0x47: {  	_ =	shalt  }
0x48: {  	_ =	shalt  }
0x49: {  	_ =	shalt  }
0x4a: {  	_ =	shalt  }
0x4b: {  	_ =	shalt  }
0x4c: {  	_ =	shalt  }
0x4d: {  	_ =	shalt  }
0x4e: {  	_ =	shalt  }
0x4f: {  	_ =	shalt  }
0x50: {  	_ =	shalt  }
0x51: {  	_ =	shalt  }
0x52: {  	_ =	shalt  }
0x53: {  	_ =	shalt  }
0x54: {  	_ =	shalt  }
0x55: {  	_ =	shalt  }
0x56: {  	_ =	shalt  }
0x57: {  	_ =	shalt  }
0x58: {  	_ =	shalt  }
0x59: {  	_ =	shalt  }
0x5a: {  	_ =	shalt  }
0x5b: {  	_ =	shalt  }
0x5c: {  	_ =	shalt  }
0x5d: {  	_ =	shalt  }
0x5e: {  	_ =	shalt  }
0x5f: {  	_ =	shalt  }
0x60: {  	_ =	shalt  }
0x61: {  	_ =	shalt  }
0x62: {  	_ =	shalt  }
0x63: {  	_ =	shalt  }
0x64: {  	_ =	shalt  }
0x65: {  	_ =	shalt  }
0x66: {  	_ =	shalt  }
0x67: {  	_ =	shalt  }
0x68: {  	_ =	shalt  }
0x69: {  	_ =	shalt  }
0x6a: {  	_ =	shalt  }
0x6b: {  	_ =	shalt  }
0x6c: {  	_ =	shalt  }
0x6d: {  	_ =	shalt  }
0x6e: {  	_ =	shalt  }
0x6f: {  	_ =	shalt  }
0x70: {  	_ =	shalt  }
0x71: {  	_ =	shalt  }
0x72: {  	_ =	shalt  }
0x73: {  	_ =	shalt  }
0x74: {  	_ =	shalt  }
0x75: {  	_ =	shalt  }
0x76: {  	_ =	shalt  }
0x77: {  	_ =	shalt  }
0x78: {  	_ =	shalt  }
0x79: {  	_ =	shalt  }
0x7a: {  	_ =	shalt  }
0x7b: {  	_ =	shalt  }
0x7c: {  	_ =	shalt  }
0x7d: {  	_ =	shalt  }
0x7e: {  	_ =	shalt  }
0x7f: {  	_ =	shalt  }
0x80: {  	_ =	shalt  }
0x81: {  	_ =	shalt  }
0x82: {  	_ =	shalt  }
0x83: {  	_ =	shalt  }
0x84: {  	_ =	shalt  }
0x85: {  	_ =	shalt  }
0x86: {  	_ =	shalt  }
0x87: {  	_ =	shalt  }
.Lfunc_end0:
.L_simem_size_0:
called_computation_lowered:
.L_overlay_start_0:
0x88: {  	s2 =	sld [smem:$0x3FD9]  }
0x89: {  	s3 =	sld [smem:$0x3FFE];
	_ =	sdelay $0x1  }
0x8a: {  	s1 =	srdreg.scid  }
0x8b: {  	s0 =	sand.u32 $0x1, s1  }
0x8c: {  	s17 =	sshll.u32 s0, $0xA;
	s2 =	sadd.s32 s3, s2  }
0x8d: {  	s2 =	sadd.s32 s2, s17  }
0x8e: {  	[smem:$0x3FBE] =	sst s2  }
0x8f: {  	_ = 	snop  }
0x90: {  	s2 =	sld [smem:$0x3FD0];
	(tm) =	ssettm $0x1  }
0x91: {  	s18 =	sld [smem:$0x3FFB];
	_ =	sdelay $0x3  }
0x92: {  	_ =	strace s18  }
0x93: {  	s3 =	sld [smem:$0x3FFC];
	_ =	sdelay $0x3  }
0x94: {  	_ =	strace s3  }
0x95: {  	s3 =	sld [smem:$0x3FFD];
	_ =	sdelay $0x3  }
0x96: {  	_ =	strace s3  }
0x97: {  	_ =	strace $0x8FFFFFFF  }
0x98: {  	s19 =	sld [smem:$0x3FDB];
	_ =	sdelay $0x1  }
0x99: {  	s4 =	simm.s32 $_scs_section_size  }
0x9a: {  	s5 =	simm.s32 $_size__tile_overlayer_lowered;
	s6 =	simm.s32 $_tile_overlayer_lowered  }
0x9b: {  	s22 =	simm.s32 $0x1BFF;
	s21 =	sshll.u32 s6, $0x1;
	s3 =	sadd.s32 s4, s19  }
0x9c: {  	s7 =	simm.s32 $0x0;
	s20 =	sshll.u32 s5, $0x1;
	s5 =	sadd.s32 s21, s3  }
0x9d: {  	[timem:s7], [sflag:s22] =	dma.local [hbm:s5], s20  }
0x9e: {  	_ =	swait.ge [sflag:s22], s20  }
0x9f: {  	s4 =	ssub.s32 $0x0, s20;
	[sflag:s22] =	ssyncset.done $0x0  }
0xa0: {  	[sflag:s22] =	ssyncadd.s32 s4;
	_ =	sdelay $0x1  }
0xa1: {  	s23 =	simm.s32 $0x1B8B  }
0xa2: {  	_ =	swait.ge [sflag:s23], $0x1  }
0xa3: {  	[sflag:s23] =	ssyncset.done $0x0  }
0xa4: {  	s25 =	simm.s32 $0x1B8E;
	s24 =	sld [smem:$0x3FFE];
	[sflag:s23] =	ssyncadd.s32 $0xFFFFFFFF  }
0xa5: {  	s26 =	simm.s32 $execute0_lowered;
	[smem:$0x3FD2] =	sst s25  }
0xa6: {  	s5 =	sshll.u32 s26, $0x1;
	_ =	strace $0x80000046;
	[dreg:$0x1] =	wrdreg $0xFFFFFFFF  }
0xa7: {  	s28 =	simm.s32 $_size_execute0_lowered;
	s3 =	sadd.s32 s3, s5;
	[dreg:$0x0] =	wrdreg $0x0  }
0xa8: {  	s5 =	sshll.u32 s28, $0x1;
	[dreg:$0x2] =	wrdreg s3  }
0xa9: {  	[dreg:$0x3] =	wrdreg s5  }
0xaa: {  	[dreg:$0x4] =	wrdreg $0xC0  }
0xab: {  	_ =	task [dreg:s7], $0x5FFFF  }
0xac: {  	[dreg:$0x1] =	wrdreg $0xFFFFFFFF  }
0xad: {  	[dreg:$0x0] =	wrdreg $0x60  }
0xae: {  	[dreg:$0x2] =	wrdreg s2  }
0xaf: {  	[dreg:$0x3] =	wrdreg s24  }
0xb0: {  	[dreg:$0x4] =	wrdreg $0x9  }
0xb1: {  	_ =	task.clear_ibuf [dreg:s7], $0x5FFFF;
	_ =	strace $0x90000046  }
0xb2: {  	s29 =	simm.s32 $0x9;
	_ =	strace $0x8000004E  }
0xb3: {  	_ =	swait.ge [sflag:s29], $0x1  }
0xb4: {  	[sflag:s29] =	ssyncadd.s32 $0xFFFFFFFF  }
0xb5: {  	_ =	strace $0x9000004E  }
0xb6: {  	_ =	sfence  }
0xb7: {  	s30 =	sld [smem:$0x0];
	_ =	sdelay $0x2  }
0xb8: {  	s31 =	sshll.u32 s1, $0xD;
	s1 =	sshrl.u32 s1, $0x2  }
0xb9: {  	s3 =	sand.u32 $0x4000, s31;
	s1 =	sadd.s32 s1, s30  }
0xba: {  	s0 =	sor.u32 s3, s0;
	s1 =	sshll.u32 s1, $0x11  }
0xbb: {  	s0 =	sor.u32 s1, s0  }
0xbc: {  	s0 =	sadd.s32 $0x8F2B, s0  }
0xbd: {  	[sflag:s0] =	ssyncadd.remote.s32 $0x1  }
0xbe: {  	_ =	sfence.sel $0xFFFF  }
0xbf: {  	[dreg:$0x0] =	wrdreg $0xFFFFFFFF;
	(pc) =	sbr.abs _section_cstart, $3  }
0xc0: {  	[dreg:$0x1] =	wrdreg $0xFFFFFFFF  }
0xc1: {  	_ =	task.clear_ibuf [dreg:s7], $0x2FFFF;
	_ =	strace $0x9FFFFFFF  }
0xc2: {  	(tm) =	ssettm $0x7FFFFFFF  }
0xc3: {  	_ =	shalt  }
tec
execute0_lowered:
.L_overlay_start_1:
0x0: {  	(tag) =	ssettag $0x1  }
0x1: {  	s1 =	rddreg [dreg:$0x0]  }
0x2: {  	s9 =	rddreg [dreg:$0x1]  }
0x3: {  	s2 =	srdreg.scid;
	s0 =	rddreg [dreg:$0x2]  }
0x4: {  	s3 =	simm.s32 $0x0;
	s11 =	simm.s32 $0x18000;
	s12 =	simm.s32 $0x5  }
0x5: {  	s13 =	simm.s32 $0x0;
	s4 =	sand.u32 $0x1, s2;
	[smem:$0x7FF] =	sst s3  }
0x6: {  	s2 =	stileid.u32;
	s5 =	sshll.u32 s4, $0x4;
	_ =	strace $0x80000047  }
0x7: {  	s6 =	ssub.s32 $0x2, s4;
	s4 =	sadd.s32 $0x1A00, s9;
	s7 =	sor.u32 s2, s5  }
0x8: {  	v2 =	vlaneseq.u32;
	s5 =	sadd.s32 $0x1E00, s9;
	s10 =	sshrl.u32 s6, $0x1;
	s8 =	smul.u32 $0x3000, s7  }
0x9: {  	vm0 =	vmmov $0xffff;
	vm1 =	vmmov $0xff;
	v1 =	vshrl.u32 v2, $0x3;
	s9 =	sadd.s32 $0x1F00, s9;
	s10 =	ssub.s32 s6, s10;
	s7 =	sshll.u32 s7, $0x5  }
0xa: {  	v0 =	vand.u32 $0x7, v2;
	v2 =	vor.u32 $0x8, v2;
	v1 =	vmul.u32 $0x8, v1;
	s10 =	smax.u32 s10, $0x1;
	s6 =	sadd.s32 s1, s8;
	s8 =	sadd.s32 s4, s7  }
.LBB2_1:
0xb: {  	_ =	strace $0x80000048;
	p2 =	por $0x1, $0x1;
	p0 =	por $0x0, $0x0  }
0xc: {  	[tilespmem:s3], [sflag:$0x1] =	stream.linear.gather [hbm4b:s6+s3], $0xC000, $0x200038;
	[tilespmem:$0x18100] =	vst v63  }
0xd: {  	s14 =	simm.s32 $0x0;
	s15 =	simm.s32 $0x0;
	s16 =	simm.s32 $0x1  }
0xe: {  	[tilespmem:s11], [sflag:$0x3] =	stream.linear.gather [hbm4b:s8+s3], $0x80, $0x200038;
	[tilespmem:$0x18100] =	vst v63  }
0xf: {  	s17 =	simm.s32 $0x0;
	s18 =	simm.s32 $0x1;
	_ =	strace $0x90000048  }
.LBB2_2:
0x10: {  	s19 =	smov.u32 s14;
	s14 =	sadd.s32 $0x1, s14  }
0x11: {  	p3 =	seq.s32 s14, $0x2  }
0x12: {  	s14 =	simm.s32 @p3 $0x0  }
0x13: {  	p1 =	por p2, p2;
	p2 =	seq.s32 @p2 s19, s14  }
0x14: {  	p3 =	por p2, !p1  }
0x15: {  	s20 =	sshll.u32 @!p3 s14, $0x4  }
0x16: {  	s21 =	sand.u32 @!p3 $0x1, s18;
	s20 =	sadd.s32 @!p3 s20, s7  }
0x17: {  	s22 =	smul.u32 @!p3 $0x30000, s21;
	s20 =	sand.u32 @!p3 $0x1FFFFFF0, s20  }
0x18: {  	s23 =	smul.u32 @!p3 $0x180, s20  }
0x19: {  	_ =	strace @!p3 $0x80000049;
	s24 =	simm.s32 @!p3 $0x0  }
0x1a: {  	s21 =	sadd.s32 @!p3 $0x1, s21;
	s22 =	sshrl.u32 @!p3 s22, $0x2;
	s23 =	sadd.s32 @!p3 s1, s23  }
0x1b: {  	[tilespmem:s22], [sflag:s21] =	stream.linear.gather @!p3 [hbm4b:s23+s24], $0xC000, $0x200038;
	[tilespmem:$0x18100] =	vst v63  }
0x1c: {  	s21 =	sand.u32 @!p3 $0x1, s16  }
0x1d: {  	s20 =	sadd.s32 @!p3 s4, s20;
	_ =	strace @!p3 $0x90000049;
	s22 =	sshll.u32 @!p3 s21, $0x7  }
0x1e: {  	s21 =	sadd.s32 @!p3 $0x3, s21;
	_ =	strace @!p3 $0x8000004A;
	s22 =	sor.u32 @!p3 $0x18000, s22  }
0x1f: {  	[tilespmem:s22], [sflag:s21] =	stream.linear.gather @!p3 [hbm4b:s20+s24], $0x80, $0x200038;
	[tilespmem:$0x18100] =	vst v63  }
0x20: {  	s31 =	sand.u32 $0x1, s17;
	_ =	strace @!p3 $0x9000004A  }
0x21: {  	s22 =	sadd.s32 $0x1, s31;
	_ =	strace $0x8000004B  }
0x22: {  	_ =	swait.ge [sflag:s22], $0xC000  }
0x23: {  	[sflag:s22] =	ssyncset.done $0x0  }
0x24: {  	[sflag:s22] =	ssyncadd.s32 $0xFFFF4000  }
0x25: {  	s23 =	sand.u32 $0x1, s15;
	_ =	strace $0x9000004B  }
0x26: {  	s21 =	sadd.s32 $0x3, s23;
	_ =	strace $0x8000004C  }
0x27: {  	_ =	swait.ge [sflag:s21], $0x80  }
0x28: {  	[sflag:s21] =	ssyncset.done $0x0  }
0x29: {  	[sflag:s21] =	ssyncadd.s32 $0xFFFFFF80  }
0x2a: {  	s24 =	sshll.u32 s15, $0x7;
	_ =	strace $0x9000004C  }
0x2b: {  	s21 =	sand.u32 $0x80, s24;
	_ =	strace $0x8000004D  }
0x2c: {  	v3 =	vld [tilespmem:s21+$0x18000];
	_ =	sdelay $0x4  }
0x2d: {  	v4 =	vshrl.u32 v3, $0x3  }
0x2e: {  	v4 =	vmul.u32 $0x18, v4  }
0x2f: {  	v3 =	vand.u32 $0x7, v3  }
0x30: {  	v3 =	vor.u32 v3, v4  }
0x31: {  	v4 =	vperm.xlane v3, v0;
	_ =	sdelay $0x1  }
0x32: {  	v4 =	vadd.s32 v1, v4;
	_ =	sdelay $0x1  }
0x33: {  	v3 =	vperm.xlane v3, v2  }
0x34: {  	p4 =	seq.s32 s31, $0x1;
	s20 =	simm.s32 $0xC000  }
0x35: {  	s20 =	simm.s32 @!p4 $0x0;
	v3 =	vadd.s32 v1, v3  }
0x36: {  	[hbm4b:s5+s3] =	stream.indirect_vreg.scatter [tilespmem:s20], [sflag:$0x5], $0x80, v4, vm0, $0x2000b8;
	[tilespmem:$0x18100] =	vst v63  }
0x37: {  	s25 =	sor.u32 $0x800, s20  }
0x38: {  	[hbm4b:s9+s3] =	stream.indirect_vreg.scatter [tilespmem:s25], [sflag:$0x5], $0x80, v4, vm1, $0x2000b8;
	[tilespmem:$0x18100] =	vst v63  }
0x39: {  	s26 =	sor.u32 $0xC00, s20  }
0x3a: {  	[hbm4b:s5+s3] =	stream.indirect_vreg.scatter [tilespmem:s26], [sflag:$0x5], $0x80, v3, vm0, $0x2000b8;
	[tilespmem:$0x18100] =	vst v63  }
0x3b: {  	s28 =	sor.u32 $0x1400, s20  }
0x3c: {  	[hbm4b:s9+s3] =	stream.indirect_vreg.scatter [tilespmem:s28], [sflag:$0x5], $0x80, v3, vm1, $0x2000b8;
	[tilespmem:$0x18100] =	vst v63  }
0x3d: {  	v3 =	vld [tilespmem:s21+$0x18010];
	_ =	sdelay $0x4  }
0x3e: {  	v57 =	vshrl.u32 v3, $0x3  }
0x3f: {  	v4 =	vmul.u32 $0x18, v57  }
0x40: {  	v3 =	vand.u32 $0x7, v3  }
0x41: {  	v3 =	vor.u32 v3, v4  }
0x42: {  	v4 =	vperm.xlane v3, v0;
	_ =	sdelay $0x1  }
0x43: {  	v4 =	vadd.s32 v1, v4;
	_ =	sdelay $0x1  }
0x44: {  	v3 =	vperm.xlane v3, v2;
	_ =	sdelay $0x1  }
0x45: {  	s29 =	sor.u32 $0x1800, s20;
	v3 =	vadd.s32 v1, v3  }
0x46: {  	[hbm4b:s5+s3] =	stream.indirect_vreg.scatter [tilespmem:s29], [sflag:$0x5], $0x80, v4, vm0, $0x2000b8;
	[tilespmem:$0x18100] =	vst v63  }
0x47: {  	s30 =	sor.u32 $0x2000, s20  }
0x48: {  	[hbm4b:s9+s3] =	stream.indirect_vreg.scatter [tilespmem:s30], [sflag:$0x5], $0x80, v4, vm1, $0x2000b8;
	[tilespmem:$0x18100] =	vst v63  }
0x49: {  	s31 =	sor.u32 $0x2400, s20  }
0x4a: {  	[hbm4b:s5+s3] =	stream.indirect_vreg.scatter [tilespmem:s31], [sflag:$0x5], $0x80, v3, vm0, $0x2000b8;
	[tilespmem:$0x18100] =	vst v63  }
0x4b: {  	s23 =	sor.u32 $0x2C00, s20  }
0x4c: {  	[hbm4b:s9+s3] =	stream.indirect_vreg.scatter [tilespmem:s23], [sflag:$0x5], $0x80, v3, vm1, $0x2000b8;
	[tilespmem:$0x18100] =	vst v63  }
0x4d: {  	v3 =	vld [tilespmem:s21+$0x18020];
	_ =	sdelay $0x4  }
0x4e: {  	v58 =	vshrl.u32 v3, $0x3  }
0x4f: {  	v4 =	vmul.u32 $0x18, v58  }
0x50: {  	v3 =	vand.u32 $0x7, v3  }
0x51: {  	v3 =	vor.u32 v3, v4  }
0x52: {  	v4 =	vperm.xlane v3, v0;
	_ =	sdelay $0x1  }
0x53: {  	v4 =	vadd.s32 v1, v4;
	_ =	sdelay $0x1  }
0x54: {  	v3 =	vperm.xlane v3, v2;
	_ =	sdelay $0x1  }
0x55: {  	s24 =	sor.u32 $0x3000, s20;
	v3 =	vadd.s32 v1, v3  }
0x56: {  	[hbm4b:s5+s3] =	stream.indirect_vreg.scatter [tilespmem:s24], [sflag:$0x5], $0x80, v4, vm0, $0x2000b8;
	[tilespmem:$0x18100] =	vst v63  }
0x57: {  	s25 =	sor.u32 $0x3800, s20  }
0x58: {  	[hbm4b:s9+s3] =	stream.indirect_vreg.scatter [tilespmem:s25], [sflag:$0x5], $0x80, v4, vm1, $0x2000b8;
	[tilespmem:$0x18100] =	vst v63  }
0x59: {  	s26 =	sor.u32 $0x3C00, s20  }
0x5a: {  	[hbm4b:s5+s3] =	stream.indirect_vreg.scatter [tilespmem:s26], [sflag:$0x5], $0x80, v3, vm0, $0x2000b8;
	[tilespmem:$0x18100] =	vst v63  }
0x5b: {  	s28 =	sadd.s32 $0x4400, s20  }
0x5c: {  	[hbm4b:s9+s3] =	stream.indirect_vreg.scatter [tilespmem:s28], [sflag:$0x5], $0x80, v3, vm1, $0x2000b8;
	[tilespmem:$0x18100] =	vst v63  }
0x5d: {  	v3 =	vld [tilespmem:s21+$0x18030];
	_ =	sdelay $0x4  }
0x5e: {  	v59 =	vshrl.u32 v3, $0x3  }
0x5f: {  	v4 =	vmul.u32 $0x18, v59  }
0x60: {  	v3 =	vand.u32 $0x7, v3  }
0x61: {  	v3 =	vor.u32 v3, v4  }
0x62: {  	v4 =	vperm.xlane v3, v0;
	_ =	sdelay $0x1  }
0x63: {  	v4 =	vadd.s32 v1, v4;
	_ =	sdelay $0x1  }
0x64: {  	v3 =	vperm.xlane v3, v2;
	_ =	sdelay $0x1  }
0x65: {  	s29 =	sadd.s32 $0x4800, s20;
	v3 =	vadd.s32 v1, v3  }
0x66: {  	[hbm4b:s5+s3] =	stream.indirect_vreg.scatter [tilespmem:s29], [sflag:$0x5], $0x80, v4, vm0, $0x2000b8;
	[tilespmem:$0x18100] =	vst v63  }
0x67: {  	s30 =	sadd.s32 $0x5000, s20  }
0x68: {  	[hbm4b:s9+s3] =	stream.indirect_vreg.scatter [tilespmem:s30], [sflag:$0x5], $0x80, v4, vm1, $0x2000b8;
	[tilespmem:$0x18100] =	vst v63  }
0x69: {  	s31 =	sadd.s32 $0x5400, s20  }
0x6a: {  	[hbm4b:s5+s3] =	stream.indirect_vreg.scatter [tilespmem:s31], [sflag:$0x5], $0x80, v3, vm0, $0x2000b8;
	[tilespmem:$0x18100] =	vst v63  }
0x6b: {  	s23 =	sadd.s32 $0x5C00, s20  }
0x6c: {  	[hbm4b:s9+s3] =	stream.indirect_vreg.scatter [tilespmem:s23], [sflag:$0x5], $0x80, v3, vm1, $0x2000b8;
	[tilespmem:$0x18100] =	vst v63  }
0x6d: {  	v3 =	vld [tilespmem:s21+$0x18040];
	_ =	sdelay $0x4  }
0x6e: {  	v60 =	vshrl.u32 v3, $0x3  }
0x6f: {  	v4 =	vmul.u32 $0x18, v60  }
0x70: {  	v3 =	vand.u32 $0x7, v3  }
0x71: {  	v3 =	vor.u32 v3, v4  }
0x72: {  	v4 =	vperm.xlane v3, v0;
	_ =	sdelay $0x1  }
0x73: {  	v4 =	vadd.s32 v1, v4;
	_ =	sdelay $0x1  }
0x74: {  	v3 =	vperm.xlane v3, v2;
	_ =	sdelay $0x1  }
0x75: {  	s24 =	sadd.s32 $0x6000, s20;
	v3 =	vadd.s32 v1, v3  }
0x76: {  	[hbm4b:s5+s3] =	stream.indirect_vreg.scatter [tilespmem:s24], [sflag:$0x5], $0x80, v4, vm0, $0x2000b8;
	[tilespmem:$0x18100] =	vst v63  }
0x77: {  	s25 =	sadd.s32 $0x6800, s20  }
0x78: {  	[hbm4b:s9+s3] =	stream.indirect_vreg.scatter [tilespmem:s25], [sflag:$0x5], $0x80, v4, vm1, $0x2000b8;
	[tilespmem:$0x18100] =	vst v63  }
0x79: {  	s26 =	sadd.s32 $0x6C00, s20  }
0x7a: {  	[hbm4b:s5+s3] =	stream.indirect_vreg.scatter [tilespmem:s26], [sflag:$0x5], $0x80, v3, vm0, $0x2000b8;
	[tilespmem:$0x18100] =	vst v63  }
0x7b: {  	s28 =	sadd.s32 $0x7400, s20  }
0x7c: {  	[hbm4b:s9+s3] =	stream.indirect_vreg.scatter [tilespmem:s28], [sflag:$0x5], $0x80, v3, vm1, $0x2000b8;
	[tilespmem:$0x18100] =	vst v63  }
0x7d: {  	v3 =	vld [tilespmem:s21+$0x18050];
	_ =	sdelay $0x4  }
0x7e: {  	v61 =	vshrl.u32 v3, $0x3  }
0x7f: {  	v4 =	vmul.u32 $0x18, v61  }
0x80: {  	v3 =	vand.u32 $0x7, v3  }
0x81: {  	v3 =	vor.u32 v3, v4  }
0x82: {  	v4 =	vperm.xlane v3, v0;
	_ =	sdelay $0x1  }
0x83: {  	v4 =	vadd.s32 v1, v4;
	_ =	sdelay $0x1  }
0x84: {  	v3 =	vperm.xlane v3, v2;
	_ =	sdelay $0x1  }
0x85: {  	s29 =	sadd.s32 $0x7800, s20;
	v3 =	vadd.s32 v1, v3  }
0x86: {  	[hbm4b:s5+s3] =	stream.indirect_vreg.scatter [tilespmem:s29], [sflag:$0x5], $0x80, v4, vm0, $0x2000b8;
	[tilespmem:$0x18100] =	vst v63  }
0x87: {  	s30 =	sadd.s32 $0x8000, s20  }
0x88: {  	[hbm4b:s9+s3] =	stream.indirect_vreg.scatter [tilespmem:s30], [sflag:$0x5], $0x80, v4, vm1, $0x2000b8;
	[tilespmem:$0x18100] =	vst v63  }
0x89: {  	s31 =	sadd.s32 $0x8400, s20  }
0x8a: {  	[hbm4b:s5+s3] =	stream.indirect_vreg.scatter [tilespmem:s31], [sflag:$0x5], $0x80, v3, vm0, $0x2000b8;
	[tilespmem:$0x18100] =	vst v63  }
0x8b: {  	s23 =	sadd.s32 $0x8C00, s20  }
0x8c: {  	[hbm4b:s9+s3] =	stream.indirect_vreg.scatter [tilespmem:s23], [sflag:$0x5], $0x80, v3, vm1, $0x2000b8;
	[tilespmem:$0x18100] =	vst v63  }
0x8d: {  	v3 =	vld [tilespmem:s21+$0x18060];
	_ =	sdelay $0x4  }
0x8e: {  	v62 =	vshrl.u32 v3, $0x3  }
0x8f: {  	v4 =	vmul.u32 $0x18, v62  }
0x90: {  	v3 =	vand.u32 $0x7, v3  }
0x91: {  	v3 =	vor.u32 v3, v4  }
0x92: {  	v4 =	vperm.xlane v3, v0;
	_ =	sdelay $0x1  }
0x93: {  	v4 =	vadd.s32 v1, v4;
	_ =	sdelay $0x1  }
0x94: {  	v3 =	vperm.xlane v3, v2;
	_ =	sdelay $0x1  }
0x95: {  	s24 =	sadd.s32 $0x9000, s20;
	v3 =	vadd.s32 v1, v3  }
0x96: {  	[hbm4b:s5+s3] =	stream.indirect_vreg.scatter [tilespmem:s24], [sflag:$0x5], $0x80, v4, vm0, $0x2000b8;
	[tilespmem:$0x18100] =	vst v63  }
0x97: {  	s25 =	sadd.s32 $0x9800, s20  }
0x98: {  	[hbm4b:s9+s3] =	stream.indirect_vreg.scatter [tilespmem:s25], [sflag:$0x5], $0x80, v4, vm1, $0x2000b8;
	[tilespmem:$0x18100] =	vst v63  }
0x99: {  	s26 =	sadd.s32 $0x9C00, s20  }
0x9a: {  	[hbm4b:s5+s3] =	stream.indirect_vreg.scatter [tilespmem:s26], [sflag:$0x5], $0x80, v3, vm0, $0x2000b8;
	[tilespmem:$0x18100] =	vst v63  }
0x9b: {  	s28 =	sadd.s32 $0xA400, s20  }
0x9c: {  	[hbm4b:s9+s3] =	stream.indirect_vreg.scatter [tilespmem:s28], [sflag:$0x5], $0x80, v3, vm1, $0x2000b8;
	[tilespmem:$0x18100] =	vst v63  }
0x9d: {  	v3 =	vld [tilespmem:s21+$0x18070];
	_ =	sdelay $0x4  }
0x9e: {  	v63 =	vshrl.u32 v3, $0x3  }
0x9f: {  	v4 =	vmul.u32 $0x18, v63  }
0xa0: {  	v3 =	vand.u32 $0x7, v3  }
0xa1: {  	v3 =	vor.u32 v3, v4  }
0xa2: {  	v4 =	vperm.xlane v3, v0;
	_ =	sdelay $0x1  }
0xa3: {  	v4 =	vadd.s32 v1, v4;
	_ =	sdelay $0x1  }
0xa4: {  	v3 =	vperm.xlane v3, v2;
	_ =	sdelay $0x1  }
0xa5: {  	p6 =	sne.s32 s19, s14;
	s29 =	sadd.s32 $0xA800, s20;
	v3 =	vadd.s32 v1, v3  }
0xa6: {  	[hbm4b:s5+s3] =	stream.indirect_vreg.scatter [tilespmem:s29], [sflag:$0x5], $0x80, v4, vm0, $0x2000b8;
	[tilespmem:$0x18100] =	vst v63  }
0xa7: {  	s19 =	simm.s32 $0x1;
	p0 =	por p0, p6;
	s30 =	sadd.s32 $0xB000, s20  }
0xa8: {  	[hbm4b:s9+s3] =	stream.indirect_vreg.scatter [tilespmem:s30], [sflag:$0x5], $0x80, v4, vm1, $0x2000b8;
	[tilespmem:$0x18100] =	vst v63  }
0xa9: {  	p2 =	por !p2, !p1;
	s19 =	simm.s32 @!p0 $0x0;
	s31 =	sadd.s32 $0xB400, s20  }
0xaa: {  	[hbm4b:s5+s3] =	stream.indirect_vreg.scatter [tilespmem:s31], [sflag:$0x5], $0x80, v3, vm0, $0x2000b8;
	[tilespmem:$0x18100] =	vst v63  }
0xab: {  	p0 =	por $0x1, $0x1;
	s22 =	simm.s32 $0x0;
	s20 =	sadd.s32 $0xBC00, s20  }
0xac: {  	[hbm4b:s9+s3] =	stream.indirect_vreg.scatter [tilespmem:s20], [sflag:$0x5], $0x80, v3, vm1, $0x2000b8;
	[tilespmem:$0x18100] =	vst v63  }
.Ltmp0:
0xad: {  	s17 =	sadd.s32 s19, s17;
	s22 =	simm.s32 @p2 $0x1;
	(pc) =	sbr.rel @p1 .LBB2_2-.Ltmp0, $4  }
0xae: {  	s15 =	sadd.s32 s19, s15;
	s22 =	simm.s32 @!p1 $0x0;
	_ =	swait.ge [sflag:s12], $0xC000  }
0xaf: {  	s24 =	smov.u32 s18;
	s21 =	sadd.s32 @!p3 $0x1, s18;
	[sflag:s12] =	ssyncset.done $0x0  }
0xb0: {  	s16 =	sadd.s32 s16, s22;
	s24 =	smov.u32 @p2 s21;
	[sflag:s12] =	ssyncadd.s32 $0xFFFF4000  }
0xb1: {  	p2 =	por $0x0, $0x0;
	s18 =	smov.u32 @p1 s24;
	_ =	strace $0x9000004D  }
0xb2: {  	s13 =	sadd.s32 $0x1, s13  }
0xb3: {  	p0 =	sne.s32 s13, s10  }
.Ltmp1:
0xb4: {  	_ = 	snop;
	(pc) =	sbr.rel @p0 .LBB2_1-.Ltmp1, $1  }
0xb5: {  	_ =	sdelay $0x3  }
0xb6: {  	_ =	sfence.sel $0x180000  }
0xb7: {  	[bflag:$0x0] =	sbarrier.arrive $0xFFFF  }
0xb8: {  	p0 =	sne.s32 s2, $0x0;
	_ =	strace $0x90000047  }
0xb9: {  	s0 =	sadd.s32 @!p0 $0x100000, s0;
	[bflag:$0x2] =	sbarrier.arrive $0xFFFF  }
0xba: {  	[sflag:s0] =	ssyncadd.tile.s32 @!p0 $0x1;
	_ =	shalt  }
.Lfunc_end2:
_tile_overlayer_lowered:
.L_overlay_start_2:
0xbb: {  	(tag) =	ssettag $0x2  }
0xbc: {  	s0 =	rddreg [dreg:$0x0];
	s2 =	stileid.u32  }
0xbd: {  	s1 =	rddreg [dreg:$0x1];
	p0 =	sne.s32 s2, $0x0  }
0xbe: {  	s3 =	rddreg [dreg:$0x2];
	[bflag:$0x3] =	sbarrier.arrive $0xFFFF;
	s2 =	simm.s32 @!p0 $0x1C01  }
0xbf: {  	[timem:s3], [sflag:s2] =	dma.local @!p0 [hbm:s0], s1  }
0xc0: {  	s0 =	simm.s32 @!p0 $0x1  }
0xc1: {  	_ =	swait.ge @!p0 [sflag:s0], s1  }
0xc2: {  	s1 =	ssub.s32 @!p0 $0x0, s1;
	[sflag:s0] =	ssyncset.done @!p0 $0x0  }
0xc3: {  	[sflag:s0] =	ssyncadd.s32 @!p0 s1  }
0xc4: {  	[bflag:$0x3] =	sbarrier.arrive $0xFFFF  }
0xc5: {  	_ =	shalt  }

// kernel: kernel.9.cloned.1.call-start
scs
__scs_entry_jumppad:
0x0: {  	(pc) =	sbr.rel $0x88, $3  }
0x1: {  	(tag) =	ssettag $0x0;
	lr =	simm.s32 $0x1  }
0x2: {  	[smem:$0x3F97] =	sst lr;
	_ =	strace $0xD0000000  }
0x3: {  	_ = 	snop  }
0x4: {  	_ = 	snop  }
0x5: {  	_ = 	snop  }
0x6: {  	_ = 	snop  }
0x7: {  	_ = 	snop  }
__scs_overlays_trampoline_lowered:
0x8: {  	[smem:$0x3FA6] =	sst s0  }
0x9: {  	[smem:$0x3FA7] =	sst s1  }
0xa: {  	[smem:$0x3FA8] =	sst s2  }
0xb: {  	[smem:$0x3FA9] =	sst s3  }
0xc: {  	[smem:$0x3FAA] =	sst s4  }
0xd: {  	[smem:$0x3FAB] =	sst s5  }
0xe: {  	[smem:$0x3FAC] =	sst s6  }
0xf: {  	[smem:$0x3FAD] =	sst s7  }
0x10: {  	[smem:$0x3FAE] =	sst s8  }
0x11: {  	[smem:$0x3FAF] =	sst s9;
	s0 =	simm.s32 @!p0 $0x0  }
0x12: {  	s1 =	sld [smem:$0x3F95];
	s0 =	simm.s32 @p0 $0x1  }
0x13: {  	[smem:$0x3FB0] =	sst s0;
	s0 =	simm.s32 @!p1 $0x0  }
0x14: {  	s2 =	sld [smem:$0x3F94];
	s0 =	simm.s32 @p1 $0x1  }
0x15: {  	[smem:$0x3FB1] =	sst s0;
	s0 =	simm.s32 @!p2 $0x0  }
0x16: {  	s3 =	sld [smem:$0x3FDB];
	s0 =	simm.s32 @p2 $0x1  }
0x17: {  	s4 =	simm.s32 $0x1BF5;
	[smem:$0x3FB3] =	sst s0  }
0x18: {  	s0 =	sld [smem:$0x3F96];
	_ =	swait.ge [sflag:s4], $0x0  }
0x19: {  	s7 =	sld [smem:$0x3F97]  }
0x1a: {  	s8 =	sadd.s32 $0xFFFFE003, lr  }
0x1b: {  	s9 =	sadd.s32 $0xFFFFFEF7, lr;
	s5 =	simm.s32 $0xFFFFFFFF;
	p2 =	slt.u32 s8, $0xFFFFF086  }
0x1c: {  	p1 =	slt.u32 s9, $0xF7A;
	s5 =	simm.s32 @!p2 $0x0  }
0x1d: {  	s5 =	simm.s32 @p1 $0x1;
	p0 =	seq.s32 s7, s2  }
0x1e: {  	s7 =	smul.u32 @!p0 $0xF7A, s2;
	p2 =	seq.s32 @!p0 s5, $0x0  }
0x1f: {  	s9 =	smul.u32 $0xF7A, s1;
	s8 =	simm.s32 @!p0 $0x1BF5;
	p2 =	por !p2, p0  }
0x20: {  	[sflag:s8] =	ssyncset.s32 @!p0 $0xFFFFF086;
	s6 =	sadd.s32 @!p0 s3, s7;
	s7 =	simm.s32 @!p0 $0x108  }
0x21: {  	s3 =	sadd.s32 s3, s9;
	s6 =	sadd.s32 @!p0 $0x88, s6;
	s7 =	simm.s32 @p2 $0x1082  }
0x22: {  	[simem:s7], [sflag:s8] =	dma.local @!p0 [hbm:s6], $0xF7A  }
0x23: {  	s9 =	sor.u32 $0xD0000000, s2;
	s6 =	simm.s32 $0x108;
	_ =	swait.ge @!p0 [sflag:s8], $0x0  }
0x24: {  	s3 =	sadd.s32 $0x88, s3;
	s6 =	simm.s32 @!p1 $0x1082;
	[sflag:s4] =	ssyncset.s32 $0xFFFFF086  }
0x25: {  	[simem:s6], [sflag:s4] =	dma.local [hbm:s3], $0xF7A  }
0x26: {  	[smem:$0x3F97] =	sst s1;
	(tag) =	ssettag s2;
	_ =	strace s9  }
0x27: {  	s1 =	sld [smem:$0x3FA7]  }
0x28: {  	s2 =	sld [smem:$0x3FA8]  }
0x29: {  	s4 =	sld [smem:$0x3FAA]  }
0x2a: {  	p0 =	seq.s32 s5, $0x0;
	s5 =	sld [smem:$0x3FAB]  }
0x2b: {  	s6 =	sld [smem:$0x3FAC]  }
0x2c: {  	s7 =	sld [smem:$0x3FAD]  }
0x2d: {  	s3 =	simm.s32 $0x108;
	s8 =	sld [smem:$0x3FAE]  }
0x2e: {  	s3 =	simm.s32 @!p0 $0x1082;
	s9 =	sld [smem:$0x3FAF]  }
0x2f: {  	lr =	sadd.s32 s0, s3;
	s0 =	sld [smem:$0x3FA6]  }
0x30: {  	s3 =	sld [smem:$0x3FA9]  }
0x31: {  	[smem:$0x3FB2] =	sst s10  }
0x32: {  	s10 =	sld [smem:$0x3FB0];
	_ =	sdelay $0x3  }
0x33: {  	p0 =	seq.s32 s10, $0x1;
	s10 =	sld [smem:$0x3FB2];
	_ =	sdelay $0x3  }
0x34: {  	[smem:$0x3FB2] =	sst s10  }
0x35: {  	s10 =	sld [smem:$0x3FB1];
	_ =	sdelay $0x3  }
0x36: {  	p1 =	seq.s32 s10, $0x1;
	s10 =	sld [smem:$0x3FB2];
	_ =	sdelay $0x3  }
0x37: {  	[smem:$0x3FB2] =	sst s10  }
0x38: {  	s10 =	sld [smem:$0x3FB3]  }
0x39: {  	_ = 	snop;
	(pc) =	sbr.ind lr, $3  }
0x3a: {  	_ = 	snop  }
0x3b: {  	_ = 	snop  }
0x3c: {  	p2 =	seq.s32 s10, $0x1;
	s10 =	sld [smem:$0x3FB2]  }
0x3d: {  	_ =	shalt  }
0x3e: {  	_ =	shalt  }
0x3f: {  	_ =	shalt  }
0x40: {  	_ =	shalt  }
0x41: {  	_ =	shalt  }
0x42: {  	_ =	shalt  }
0x43: {  	_ =	shalt  }
0x44: {  	_ =	shalt  }
0x45: {  	_ =	shalt  }
0x46: {  	_ =	shalt  }
0x47: {  	_ =	shalt  }
0x48: {  	_ =	shalt  }
0x49: {  	_ =	shalt  }
0x4a: {  	_ =	shalt  }
0x4b: {  	_ =	shalt  }
0x4c: {  	_ =	shalt  }
0x4d: {  	_ =	shalt  }
0x4e: {  	_ =	shalt  }
0x4f: {  	_ =	shalt  }
0x50: {  	_ =	shalt  }
0x51: {  	_ =	shalt  }
0x52: {  	_ =	shalt  }
0x53: {  	_ =	shalt  }
0x54: {  	_ =	shalt  }
0x55: {  	_ =	shalt  }
0x56: {  	_ =	shalt  }
0x57: {  	_ =	shalt  }
0x58: {  	_ =	shalt  }
0x59: {  	_ =	shalt  }
0x5a: {  	_ =	shalt  }
0x5b: {  	_ =	shalt  }
0x5c: {  	_ =	shalt  }
0x5d: {  	_ =	shalt  }
0x5e: {  	_ =	shalt  }
0x5f: {  	_ =	shalt  }
0x60: {  	_ =	shalt  }
0x61: {  	_ =	shalt  }
0x62: {  	_ =	shalt  }
0x63: {  	_ =	shalt  }
0x64: {  	_ =	shalt  }
0x65: {  	_ =	shalt  }
0x66: {  	_ =	shalt  }
0x67: {  	_ =	shalt  }
0x68: {  	_ =	shalt  }
0x69: {  	_ =	shalt  }
0x6a: {  	_ =	shalt  }
0x6b: {  	_ =	shalt  }
0x6c: {  	_ =	shalt  }
0x6d: {  	_ =	shalt  }
0x6e: {  	_ =	shalt  }
0x6f: {  	_ =	shalt  }
0x70: {  	_ =	shalt  }
0x71: {  	_ =	shalt  }
0x72: {  	_ =	shalt  }
0x73: {  	_ =	shalt  }
0x74: {  	_ =	shalt  }
0x75: {  	_ =	shalt  }
0x76: {  	_ =	shalt  }
0x77: {  	_ =	shalt  }
0x78: {  	_ =	shalt  }
0x79: {  	_ =	shalt  }
0x7a: {  	_ =	shalt  }
0x7b: {  	_ =	shalt  }
0x7c: {  	_ =	shalt  }
0x7d: {  	_ =	shalt  }
0x7e: {  	_ =	shalt  }
0x7f: {  	_ =	shalt  }
0x80: {  	_ =	shalt  }
0x81: {  	_ =	shalt  }
0x82: {  	_ =	shalt  }
0x83: {  	_ =	shalt  }
0x84: {  	_ =	shalt  }
0x85: {  	_ =	shalt  }
0x86: {  	_ =	shalt  }
0x87: {  	_ =	shalt  }
.Lfunc_end0:
.L_simem_size_0:
called_computation.1_lowered:
.L_overlay_start_0:
0x88: {  	s2 =	sld [smem:$0x3FD9]  }
0x89: {  	s3 =	sld [smem:$0x3FFE];
	_ =	sdelay $0x1  }
0x8a: {  	s1 =	srdreg.scid  }
0x8b: {  	s0 =	sand.u32 $0x1, s1  }
0x8c: {  	s17 =	sshll.u32 s0, $0xA;
	s2 =	sadd.s32 s3, s2  }
0x8d: {  	s2 =	sadd.s32 s2, s17  }
0x8e: {  	[smem:$0x3FBE] =	sst s2  }
0x8f: {  	_ = 	snop  }
0x90: {  	s2 =	sld [smem:$0x3FD0];
	(tm) =	ssettm $0x1  }
0x91: {  	s18 =	sld [smem:$0x3FFB];
	_ =	sdelay $0x3  }
0x92: {  	_ =	strace s18  }
0x93: {  	s3 =	sld [smem:$0x3FFC];
	_ =	sdelay $0x3  }
0x94: {  	_ =	strace s3  }
0x95: {  	s3 =	sld [smem:$0x3FFD];
	_ =	sdelay $0x3  }
0x96: {  	_ =	strace s3  }
0x97: {  	_ =	strace $0x8FFFFFFF  }
0x98: {  	s19 =	sld [smem:$0x3FDB];
	_ =	sdelay $0x1  }
0x99: {  	s4 =	simm.s32 $_scs_section_size  }
0x9a: {  	s5 =	simm.s32 $_size__tile_overlayer_lowered;
	s6 =	simm.s32 $_tile_overlayer_lowered  }
0x9b: {  	s22 =	simm.s32 $0x1BFF;
	s21 =	sshll.u32 s6, $0x1;
	s3 =	sadd.s32 s4, s19  }
0x9c: {  	s7 =	simm.s32 $0x0;
	s20 =	sshll.u32 s5, $0x1;
	s5 =	sadd.s32 s21, s3  }
0x9d: {  	[timem:s7], [sflag:s22] =	dma.local [hbm:s5], s20  }
0x9e: {  	_ =	swait.ge [sflag:s22], s20  }
0x9f: {  	s4 =	ssub.s32 $0x0, s20;
	[sflag:s22] =	ssyncset.done $0x0  }
0xa0: {  	[sflag:s22] =	ssyncadd.s32 s4;
	_ =	sdelay $0x1  }
0xa1: {  	s23 =	simm.s32 $0x1B8B  }
0xa2: {  	_ =	swait.ge [sflag:s23], $0x1  }
0xa3: {  	[sflag:s23] =	ssyncset.done $0x0  }
0xa4: {  	s25 =	simm.s32 $0x1B8E;
	s24 =	sld [smem:$0x3FFE];
	[sflag:s23] =	ssyncadd.s32 $0xFFFFFFFF  }
0xa5: {  	s26 =	simm.s32 $execute0_lowered;
	[smem:$0x3FD2] =	sst s25  }
0xa6: {  	s5 =	sshll.u32 s26, $0x1;
	_ =	strace $0x8000004F;
	[dreg:$0x1] =	wrdreg $0xFFFFFFFF  }
0xa7: {  	s28 =	simm.s32 $_size_execute0_lowered;
	s3 =	sadd.s32 s3, s5;
	[dreg:$0x0] =	wrdreg $0x0  }
0xa8: {  	s5 =	sshll.u32 s28, $0x1;
	[dreg:$0x2] =	wrdreg s3  }
0xa9: {  	[dreg:$0x3] =	wrdreg s5  }
0xaa: {  	[dreg:$0x4] =	wrdreg $0xC0  }
0xab: {  	_ =	task [dreg:s7], $0x5FFFF  }
0xac: {  	[dreg:$0x1] =	wrdreg $0xFFFFFFFF  }
0xad: {  	[dreg:$0x0] =	wrdreg $0x60  }
0xae: {  	[dreg:$0x2] =	wrdreg s2  }
0xaf: {  	[dreg:$0x3] =	wrdreg s24  }
0xb0: {  	[dreg:$0x4] =	wrdreg $0x9  }
0xb1: {  	_ =	task.clear_ibuf [dreg:s7], $0x5FFFF;
	_ =	strace $0x9000004F  }
0xb2: {  	s29 =	simm.s32 $0x9;
	_ =	strace $0x80000058  }
0xb3: {  	_ =	swait.ge [sflag:s29], $0x1  }
0xb4: {  	[sflag:s29] =	ssyncadd.s32 $0xFFFFFFFF  }
0xb5: {  	_ =	strace $0x90000058  }
0xb6: {  	_ =	sfence  }
0xb7: {  	s30 =	sld [smem:$0x0];
	_ =	sdelay $0x2  }
0xb8: {  	s31 =	sshll.u32 s1, $0xD;
	s1 =	sshrl.u32 s1, $0x2  }
0xb9: {  	s3 =	sand.u32 $0x4000, s31;
	s1 =	sadd.s32 s1, s30  }
0xba: {  	s0 =	sor.u32 s3, s0;
	s1 =	sshll.u32 s1, $0x11  }
0xbb: {  	s0 =	sor.u32 s1, s0  }
0xbc: {  	s0 =	sadd.s32 $0x8F2B, s0  }
0xbd: {  	[sflag:s0] =	ssyncadd.remote.s32 $0x1  }
0xbe: {  	_ =	sfence.sel $0xFFFF  }
0xbf: {  	[dreg:$0x0] =	wrdreg $0xFFFFFFFF;
	(pc) =	sbr.abs _section_cstart, $3  }
0xc0: {  	[dreg:$0x1] =	wrdreg $0xFFFFFFFF  }
0xc1: {  	_ =	task.clear_ibuf [dreg:s7], $0x2FFFF;
	_ =	strace $0x9FFFFFFF  }
0xc2: {  	(tm) =	ssettm $0x7FFFFFFF  }
0xc3: {  	_ =	shalt  }
tec
execute0_lowered:
.L_overlay_start_1:
0x0: {  	(tag) =	ssettag $0x1  }
0x1: {  	s1 =	rddreg [dreg:$0x0]  }
0x2: {  	s5 =	rddreg [dreg:$0x1]  }
0x3: {  	s0 =	rddreg [dreg:$0x2];
	s2 =	simm.s32 $0x0  }
0x4: {  	s3 =	srdreg.scid;
	s11 =	simm.s32 $0x4;
	s12 =	simm.s32 $0x0  }
0x5: {  	[smem:$0x7FF] =	sst s2;
	s4 =	sadd.s32 $0x1A00, s5;
	s6 =	sand.u32 $0x1, s3  }
.Ltmp0:
0x6: {  	s3 =	stileid.u32;
	s7 =	ssub.s32 $0x2, s6;
	(pc) =	sbr.rel .LBB2_1-.Ltmp0, $4  }
0x7: {  	s5 =	sadd.s32 $0x1E00, s5;
	s6 =	sshll.u32 s6, $0x4;
	s8 =	sshrl.u32 s7, $0x1  }
0x8: {  	v2 =	vlaneseq.u32;
	_ =	strace $0x80000050;
	s9 =	sor.u32 s3, s6;
	s10 =	ssub.s32 s7, s8  }
0x9: {  	vm0 =	vmmov $0xffff;
	vm1 =	vmmov $0xff;
	v1 =	vshrl.u32 v2, $0x3;
	s6 =	sshll.u32 s9, $0x1;
	s31 =	sshll.u32 s9, $0x5;
	s8 =	sadd.s32 $0x100, s1  }
0xa: {  	v0 =	vand.u32 $0x7, v2;
	v2 =	vor.u32 $0x8, v2;
	v1 =	vmul.u32 $0x8, v1;
	s7 =	sadd.s32 s4, s31;
	s9 =	smax.u32 s10, $0x1;
	s10 =	simm.s32 $0x5  }
.LBB2_4:
0xb: {  	s13 =	sand.u32 $0x1, s13  }
0xc: {  	_ =	strace $0x80000056;
	s13 =	sadd.s32 $0x3, s13  }
0xd: {  	_ =	swait.ge [sflag:s13], $0xC000  }
0xe: {  	[sflag:s13] =	ssyncset.done $0x0  }
0xf: {  	s12 =	sadd.s32 $0x1, s12;
	[sflag:s13] =	ssyncadd.s32 $0xFFFF4000  }
0x10: {  	p0 =	sne.s32 s12, s9;
	_ =	strace $0x90000056  }
.Ltmp1:
0x11: {  	_ =	strace $0x80000057;
	(pc) =	sbr.rel @!p0 .LBB2_5-.Ltmp1, $4  }
0x12: {  	_ =	swait.ge [sflag:s11], $0xC000  }
0x13: {  	[sflag:s11] =	ssyncset.done $0x0  }
0x14: {  	[sflag:s11] =	ssyncadd.s32 $0xFFFF4000  }
0x15: {  	_ =	strace $0x90000057  }
.LBB2_1:
0x16: {  	_ =	strace $0x80000051  }
0x17: {  	p0 =	por $0x1, $0x1;
	p2 =	por $0x0, $0x0;
	s14 =	simm.s32 $0x0  }
0x18: {  	s13 =	simm.s32 $0x0;
	s18 =	simm.s32 $0x0;
	s15 =	simm.s32 $0x0  }
0x19: {  	[tilespmem:s2], [sflag:$0x1] =	stream.linear.gather [hbm4b:s7+s2], $0x80, $0x200038;
	[tilespmem:$0x18100] =	vst v63  }
0x1a: {  	s16 =	simm.s32 $0x1;
	s17 =	simm.s32 $0x0;
	_ =	strace $0x90000051  }
.LBB2_2:
0x1b: {  	s19 =	smov.u32 s14;
	s14 =	sadd.s32 $0x1, s14  }
0x1c: {  	p1 =	seq.s32 s14, $0x2  }
0x1d: {  	s14 =	simm.s32 @p1 $0x0  }
0x1e: {  	p1 =	sne.s32 s19, s14  }
0x1f: {  	p1 =	por !p0, !p1  }
0x20: {  	p1 =	por !p1, !p1  }
0x21: {  	s20 =	sadd.s32 @p1 s6, s14  }
0x22: {  	s21 =	sand.u32 @p1 $0x1, s16;
	s20 =	sshll.u32 @p1 s20, $0x4  }
0x23: {  	_ =	strace @p1 $0x80000052;
	s23 =	simm.s32 @p1 $0x0;
	s20 =	sand.u32 @p1 $0x1FFFFFF0, s20  }
0x24: {  	s22 =	sshll.u32 @p1 s21, $0x7;
	s21 =	sadd.s32 @p1 $0x1, s21;
	s20 =	sadd.s32 @p1 s4, s20  }
0x25: {  	[tilespmem:s22], [sflag:s21] =	stream.linear.gather @p1 [hbm4b:s20+s23], $0x80, $0x200038;
	[tilespmem:$0x18100] =	vst v63  }
0x26: {  	s23 =	sand.u32 $0x1, s15;
	_ =	strace @p1 $0x90000052  }
0x27: {  	s20 =	sadd.s32 $0x1, s23;
	_ =	strace $0x80000053  }
0x28: {  	_ =	swait.ge [sflag:s20], $0x80  }
0x29: {  	[sflag:s20] =	ssyncset.done $0x0  }
0x2a: {  	[sflag:s20] =	ssyncadd.s32 $0xFFFFFF80  }
0x2b: {  	s24 =	sshll.u32 s15, $0x7;
	_ =	strace $0x90000053  }
0x2c: {  	s23 =	sand.u32 $0x80, s24;
	_ =	strace $0x80000054  }
0x2d: {  	v3 =	vld [tilespmem:s23+$0x0];
	_ =	sdelay $0x4  }
0x2e: {  	v4 =	vshrl.u32 v3, $0x3  }
0x2f: {  	v4 =	vmul.u32 $0x18, v4  }
0x30: {  	v3 =	vand.u32 $0x7, v3  }
0x31: {  	v3 =	vor.u32 v3, v4  }
0x32: {  	v4 =	vperm.xlane v3, v0;
	_ =	sdelay $0x1  }
0x33: {  	s20 =	sand.u32 $0x1, s18;
	v4 =	vadd.s32 v1, v4  }
0x34: {  	s25 =	smul.u32 $0x30000, s20  }
0x35: {  	v3 =	vperm.xlane v3, v2  }
0x36: {  	s22 =	sshrl.u32 s25, $0x2  }
0x37: {  	s21 =	sor.u32 $0x100, s22;
	v3 =	vadd.s32 v1, v3  }
0x38: {  	[tilespmem:s21], [sflag:$0x5] =	stream.indirect_vreg.gather [hbm4b:s1+s2], $0x80, v4, vm0, $0x2000b8;
	[tilespmem:$0x18100] =	vst v63  }
0x39: {  	s24 =	sor.u32 $0x900, s22  }
0x3a: {  	[tilespmem:s24], [sflag:$0x5] =	stream.indirect_vreg.gather [hbm4b:s8+s2], $0x80, v4, vm1, $0x2000b8;
	[tilespmem:$0x18100] =	vst v63  }
0x3b: {  	s26 =	sor.u32 $0xD00, s22  }
0x3c: {  	[tilespmem:s26], [sflag:$0x5] =	stream.indirect_vreg.gather [hbm4b:s1+s2], $0x80, v3, vm0, $0x2000b8;
	[tilespmem:$0x18100] =	vst v63  }
0x3d: {  	s28 =	sor.u32 $0x1500, s22  }
0x3e: {  	[tilespmem:s28], [sflag:$0x5] =	stream.indirect_vreg.gather [hbm4b:s8+s2], $0x80, v3, vm1, $0x2000b8;
	[tilespmem:$0x18100] =	vst v63  }
0x3f: {  	v3 =	vld [tilespmem:s23+$0x10];
	_ =	sdelay $0x4  }
0x40: {  	v57 =	vshrl.u32 v3, $0x3  }
0x41: {  	v4 =	vmul.u32 $0x18, v57  }
0x42: {  	v3 =	vand.u32 $0x7, v3  }
0x43: {  	v3 =	vor.u32 v3, v4  }
0x44: {  	v4 =	vperm.xlane v3, v0;
	_ =	sdelay $0x1  }
0x45: {  	v4 =	vadd.s32 v1, v4;
	_ =	sdelay $0x1  }
0x46: {  	v3 =	vperm.xlane v3, v2;
	_ =	sdelay $0x1  }
0x47: {  	s29 =	sor.u32 $0x1900, s22;
	v3 =	vadd.s32 v1, v3  }
0x48: {  	[tilespmem:s29], [sflag:$0x5] =	stream.indirect_vreg.gather [hbm4b:s1+s2], $0x80, v4, vm0, $0x2000b8;
	[tilespmem:$0x18100] =	vst v63  }
0x49: {  	s30 =	sor.u32 $0x2100, s22  }
0x4a: {  	[tilespmem:s30], [sflag:$0x5] =	stream.indirect_vreg.gather [hbm4b:s8+s2], $0x80, v4, vm1, $0x2000b8;
	[tilespmem:$0x18100] =	vst v63  }
0x4b: {  	s31 =	sor.u32 $0x2500, s22  }
0x4c: {  	[tilespmem:s31], [sflag:$0x5] =	stream.indirect_vreg.gather [hbm4b:s1+s2], $0x80, v3, vm0, $0x2000b8;
	[tilespmem:$0x18100] =	vst v63  }
0x4d: {  	s25 =	sor.u32 $0x2D00, s22  }
0x4e: {  	[tilespmem:s25], [sflag:$0x5] =	stream.indirect_vreg.gather [hbm4b:s8+s2], $0x80, v3, vm1, $0x2000b8;
	[tilespmem:$0x18100] =	vst v63  }
0x4f: {  	v3 =	vld [tilespmem:s23+$0x20];
	_ =	sdelay $0x4  }
0x50: {  	v58 =	vshrl.u32 v3, $0x3  }
0x51: {  	v4 =	vmul.u32 $0x18, v58  }
0x52: {  	v3 =	vand.u32 $0x7, v3  }
0x53: {  	v3 =	vor.u32 v3, v4  }
0x54: {  	v4 =	vperm.xlane v3, v0;
	_ =	sdelay $0x1  }
0x55: {  	v4 =	vadd.s32 v1, v4;
	_ =	sdelay $0x1  }
0x56: {  	v3 =	vperm.xlane v3, v2;
	_ =	sdelay $0x1  }
0x57: {  	s26 =	sor.u32 $0x3100, s22;
	v3 =	vadd.s32 v1, v3  }
0x58: {  	[tilespmem:s26], [sflag:$0x5] =	stream.indirect_vreg.gather [hbm4b:s1+s2], $0x80, v4, vm0, $0x2000b8;
	[tilespmem:$0x18100] =	vst v63  }
0x59: {  	s28 =	sor.u32 $0x3900, s22  }
0x5a: {  	[tilespmem:s28], [sflag:$0x5] =	stream.indirect_vreg.gather [hbm4b:s8+s2], $0x80, v4, vm1, $0x2000b8;
	[tilespmem:$0x18100] =	vst v63  }
0x5b: {  	s29 =	sor.u32 $0x3D00, s22  }
0x5c: {  	[tilespmem:s29], [sflag:$0x5] =	stream.indirect_vreg.gather [hbm4b:s1+s2], $0x80, v3, vm0, $0x2000b8;
	[tilespmem:$0x18100] =	vst v63  }
0x5d: {  	s30 =	sadd.s32 $0x4500, s22  }
0x5e: {  	[tilespmem:s30], [sflag:$0x5] =	stream.indirect_vreg.gather [hbm4b:s8+s2], $0x80, v3, vm1, $0x2000b8;
	[tilespmem:$0x18100] =	vst v63  }
0x5f: {  	v3 =	vld [tilespmem:s23+$0x30];
	_ =	sdelay $0x4  }
0x60: {  	v59 =	vshrl.u32 v3, $0x3  }
0x61: {  	v4 =	vmul.u32 $0x18, v59  }
0x62: {  	v3 =	vand.u32 $0x7, v3  }
0x63: {  	v3 =	vor.u32 v3, v4  }
0x64: {  	v4 =	vperm.xlane v3, v0;
	_ =	sdelay $0x1  }
0x65: {  	v4 =	vadd.s32 v1, v4;
	_ =	sdelay $0x1  }
0x66: {  	v3 =	vperm.xlane v3, v2;
	_ =	sdelay $0x1  }
0x67: {  	s31 =	sadd.s32 $0x4900, s22;
	v3 =	vadd.s32 v1, v3  }
0x68: {  	[tilespmem:s31], [sflag:$0x5] =	stream.indirect_vreg.gather [hbm4b:s1+s2], $0x80, v4, vm0, $0x2000b8;
	[tilespmem:$0x18100] =	vst v63  }
0x69: {  	s25 =	sadd.s32 $0x5100, s22  }
0x6a: {  	[tilespmem:s25], [sflag:$0x5] =	stream.indirect_vreg.gather [hbm4b:s8+s2], $0x80, v4, vm1, $0x2000b8;
	[tilespmem:$0x18100] =	vst v63  }
0x6b: {  	s26 =	sadd.s32 $0x5500, s22  }
0x6c: {  	[tilespmem:s26], [sflag:$0x5] =	stream.indirect_vreg.gather [hbm4b:s1+s2], $0x80, v3, vm0, $0x2000b8;
	[tilespmem:$0x18100] =	vst v63  }
0x6d: {  	s28 =	sadd.s32 $0x5D00, s22  }
0x6e: {  	[tilespmem:s28], [sflag:$0x5] =	stream.indirect_vreg.gather [hbm4b:s8+s2], $0x80, v3, vm1, $0x2000b8;
	[tilespmem:$0x18100] =	vst v63  }
0x6f: {  	v3 =	vld [tilespmem:s23+$0x40];
	_ =	sdelay $0x4  }
0x70: {  	v60 =	vshrl.u32 v3, $0x3  }
0x71: {  	v4 =	vmul.u32 $0x18, v60  }
0x72: {  	v3 =	vand.u32 $0x7, v3  }
0x73: {  	v3 =	vor.u32 v3, v4  }
0x74: {  	v4 =	vperm.xlane v3, v0;
	_ =	sdelay $0x1  }
0x75: {  	v4 =	vadd.s32 v1, v4;
	_ =	sdelay $0x1  }
0x76: {  	v3 =	vperm.xlane v3, v2;
	_ =	sdelay $0x1  }
0x77: {  	s29 =	sadd.s32 $0x6100, s22;
	v3 =	vadd.s32 v1, v3  }
0x78: {  	[tilespmem:s29], [sflag:$0x5] =	stream.indirect_vreg.gather [hbm4b:s1+s2], $0x80, v4, vm0, $0x2000b8;
	[tilespmem:$0x18100] =	vst v63  }
0x79: {  	s30 =	sadd.s32 $0x6900, s22  }
0x7a: {  	[tilespmem:s30], [sflag:$0x5] =	stream.indirect_vreg.gather [hbm4b:s8+s2], $0x80, v4, vm1, $0x2000b8;
	[tilespmem:$0x18100] =	vst v63  }
0x7b: {  	s31 =	sadd.s32 $0x6D00, s22  }
0x7c: {  	[tilespmem:s31], [sflag:$0x5] =	stream.indirect_vreg.gather [hbm4b:s1+s2], $0x80, v3, vm0, $0x2000b8;
	[tilespmem:$0x18100] =	vst v63  }
0x7d: {  	s25 =	sadd.s32 $0x7500, s22  }
0x7e: {  	[tilespmem:s25], [sflag:$0x5] =	stream.indirect_vreg.gather [hbm4b:s8+s2], $0x80, v3, vm1, $0x2000b8;
	[tilespmem:$0x18100] =	vst v63  }
0x7f: {  	v3 =	vld [tilespmem:s23+$0x50];
	_ =	sdelay $0x4  }
0x80: {  	v61 =	vshrl.u32 v3, $0x3  }
0x81: {  	v4 =	vmul.u32 $0x18, v61  }
0x82: {  	v3 =	vand.u32 $0x7, v3  }
0x83: {  	v3 =	vor.u32 v3, v4  }
0x84: {  	v4 =	vperm.xlane v3, v0;
	_ =	sdelay $0x1  }
0x85: {  	v4 =	vadd.s32 v1, v4;
	_ =	sdelay $0x1  }
0x86: {  	v3 =	vperm.xlane v3, v2;
	_ =	sdelay $0x1  }
0x87: {  	s26 =	sadd.s32 $0x7900, s22;
	v3 =	vadd.s32 v1, v3  }
0x88: {  	[tilespmem:s26], [sflag:$0x5] =	stream.indirect_vreg.gather [hbm4b:s1+s2], $0x80, v4, vm0, $0x2000b8;
	[tilespmem:$0x18100] =	vst v63  }
0x89: {  	s28 =	sadd.s32 $0x8100, s22  }
0x8a: {  	[tilespmem:s28], [sflag:$0x5] =	stream.indirect_vreg.gather [hbm4b:s8+s2], $0x80, v4, vm1, $0x2000b8;
	[tilespmem:$0x18100] =	vst v63  }
0x8b: {  	s29 =	sadd.s32 $0x8500, s22  }
0x8c: {  	[tilespmem:s29], [sflag:$0x5] =	stream.indirect_vreg.gather [hbm4b:s1+s2], $0x80, v3, vm0, $0x2000b8;
	[tilespmem:$0x18100] =	vst v63  }
0x8d: {  	s30 =	sadd.s32 $0x8D00, s22  }
0x8e: {  	[tilespmem:s30], [sflag:$0x5] =	stream.indirect_vreg.gather [hbm4b:s8+s2], $0x80, v3, vm1, $0x2000b8;
	[tilespmem:$0x18100] =	vst v63  }
0x8f: {  	v3 =	vld [tilespmem:s23+$0x60];
	_ =	sdelay $0x4  }
0x90: {  	v62 =	vshrl.u32 v3, $0x3  }
0x91: {  	v4 =	vmul.u32 $0x18, v62  }
0x92: {  	v3 =	vand.u32 $0x7, v3  }
0x93: {  	v3 =	vor.u32 v3, v4  }
0x94: {  	v4 =	vperm.xlane v3, v0;
	_ =	sdelay $0x1  }
0x95: {  	v4 =	vadd.s32 v1, v4;
	_ =	sdelay $0x1  }
0x96: {  	v3 =	vperm.xlane v3, v2;
	_ =	sdelay $0x1  }
0x97: {  	s31 =	sadd.s32 $0x9100, s22;
	v3 =	vadd.s32 v1, v3  }
0x98: {  	[tilespmem:s31], [sflag:$0x5] =	stream.indirect_vreg.gather [hbm4b:s1+s2], $0x80, v4, vm0, $0x2000b8;
	[tilespmem:$0x18100] =	vst v63  }
0x99: {  	s25 =	sadd.s32 $0x9900, s22  }
0x9a: {  	[tilespmem:s25], [sflag:$0x5] =	stream.indirect_vreg.gather [hbm4b:s8+s2], $0x80, v4, vm1, $0x2000b8;
	[tilespmem:$0x18100] =	vst v63  }
0x9b: {  	s26 =	sadd.s32 $0x9D00, s22  }
0x9c: {  	[tilespmem:s26], [sflag:$0x5] =	stream.indirect_vreg.gather [hbm4b:s1+s2], $0x80, v3, vm0, $0x2000b8;
	[tilespmem:$0x18100] =	vst v63  }
0x9d: {  	s28 =	sadd.s32 $0xA500, s22  }
0x9e: {  	[tilespmem:s28], [sflag:$0x5] =	stream.indirect_vreg.gather [hbm4b:s8+s2], $0x80, v3, vm1, $0x2000b8;
	[tilespmem:$0x18100] =	vst v63  }
0x9f: {  	v3 =	vld [tilespmem:s23+$0x70];
	_ =	sdelay $0x4  }
0xa0: {  	v63 =	vshrl.u32 v3, $0x3  }
0xa1: {  	v4 =	vmul.u32 $0x18, v63  }
0xa2: {  	v3 =	vand.u32 $0x7, v3  }
0xa3: {  	v3 =	vor.u32 v3, v4  }
0xa4: {  	v4 =	vperm.xlane v3, v0;
	_ =	sdelay $0x1  }
0xa5: {  	v4 =	vadd.s32 v1, v4;
	_ =	sdelay $0x1  }
0xa6: {  	v3 =	vperm.xlane v3, v2;
	_ =	sdelay $0x1  }
0xa7: {  	s29 =	sadd.s32 $0xA900, s22;
	v3 =	vadd.s32 v1, v3  }
0xa8: {  	[tilespmem:s29], [sflag:$0x5] =	stream.indirect_vreg.gather [hbm4b:s1+s2], $0x80, v4, vm0, $0x2000b8;
	[tilespmem:$0x18100] =	vst v63  }
0xa9: {  	s30 =	sadd.s32 $0xB100, s22  }
0xaa: {  	[tilespmem:s30], [sflag:$0x5] =	stream.indirect_vreg.gather [hbm4b:s8+s2], $0x80, v4, vm1, $0x2000b8;
	[tilespmem:$0x18100] =	vst v63  }
0xab: {  	p2 =	por !p2, !p2;
	p3 =	seq.s32 s19, s14;
	s31 =	sadd.s32 $0xB500, s22  }
0xac: {  	[tilespmem:s31], [sflag:$0x5] =	stream.indirect_vreg.gather [hbm4b:s1+s2], $0x80, v3, vm0, $0x2000b8;
	[tilespmem:$0x18100] =	vst v63  }
0xad: {  	p2 =	por !p2, !p3;
	s22 =	sadd.s32 $0xBD00, s22  }
0xae: {  	[tilespmem:s22], [sflag:$0x5] =	stream.indirect_vreg.gather [hbm4b:s8+s2], $0x80, v3, vm1, $0x2000b8;
	[tilespmem:$0x18100] =	vst v63  }
0xaf: {  	s19 =	sadd.s32 s6, s19;
	p2 =	por !p2, !p2;
	_ =	swait.ge [sflag:s10], $0xC000  }
0xb0: {  	s19 =	smul.u32 @!p2 $0x1800, s19;
	p0 =	por p2, p0;
	[sflag:s10] =	ssyncset.done $0x0  }
.Ltmp2:
0xb1: {  	[sflag:s10] =	ssyncadd.s32 $0xFFFF4000;
	(pc) =	sbr.rel @!p0 .LBB2_4-.Ltmp2, $4  }
0xb2: {  	s19 =	sadd.s32 @!p2 s5, s19;
	_ =	strace $0x90000054  }
0xb3: {  	s20 =	sadd.s32 @!p2 $0x3, s20;
	s22 =	simm.s32 @!p2 $0x0;
	_ =	strace @!p2 $0x80000055  }
0xb4: {  	[hbm4b:s19+s22] =	stream.linear.scatter @!p2 [tilespmem:s21], [sflag:s20], $0xC000, $0x200038;
	[tilespmem:$0x18100] =	vst v63  }
0xb5: {  	_ =	strace @!p2 $0x90000055  }
.Ltmp3:
0xb6: {  	s19 =	simm.s32 $0x1;
	(pc) =	sbr.rel .LBB2_2-.Ltmp3, $4  }
0xb7: {  	s20 =	simm.s32 @!p2 $0x1;
	s13 =	sadd.s32 s17, s13;
	s19 =	simm.s32 @!p1 $0x0  }
0xb8: {  	s17 =	simm.s32 $0x1;
	s16 =	sadd.s32 s19, s16;
	s19 =	sadd.s32 @!p2 $0x1, s18  }
0xb9: {  	p0 =	por $0x0, $0x0;
	s20 =	simm.s32 @p2 $0x0;
	s19 =	smov.u32 @p2 s18  }
0xba: {  	s15 =	sadd.s32 s15, s20;
	p2 =	por $0x1, $0x1;
	s18 =	smov.u32 s19  }
.LBB2_5:
0xbb: {  	_ =	sfence.sel $0x180000  }
0xbc: {  	[bflag:$0x0] =	sbarrier.arrive $0xFFFF  }
0xbd: {  	p0 =	sne.s32 s3, $0x0;
	_ =	strace $0x90000050  }
0xbe: {  	s0 =	sadd.s32 @!p0 $0x100000, s0;
	[bflag:$0x2] =	sbarrier.arrive $0xFFFF  }
0xbf: {  	[sflag:s0] =	ssyncadd.tile.s32 @!p0 $0x1;
	_ =	shalt  }
.Lfunc_end2:
_tile_overlayer_lowered:
.L_overlay_start_2:
0xc0: {  	(tag) =	ssettag $0x2  }
0xc1: {  	s0 =	rddreg [dreg:$0x0];
	s2 =	stileid.u32  }
0xc2: {  	s1 =	rddreg [dreg:$0x1];
	p0 =	sne.s32 s2, $0x0  }
0xc3: {  	s3 =	rddreg [dreg:$0x2];
	[bflag:$0x3] =	sbarrier.arrive $0xFFFF;
	s2 =	simm.s32 @!p0 $0x1C01  }
0xc4: {  	[timem:s3], [sflag:s2] =	dma.local @!p0 [hbm:s0], s1  }
0xc5: {  	s0 =	simm.s32 @!p0 $0x1  }
0xc6: {  	_ =	swait.ge @!p0 [sflag:s0], s1  }
0xc7: {  	s1 =	ssub.s32 @!p0 $0x0, s1;
	[sflag:s0] =	ssyncset.done @!p0 $0x0  }
0xc8: {  	[sflag:s0] =	ssyncadd.s32 @!p0 s1  }
0xc9: {  	[bflag:$0x3] =	sbarrier.arrive $0xFFFF  }
0xca: {  	_ =	shalt  }

</sc_bundles>
